<compile_context>
chip_gen: v7x
topology: tpu7x:2x2x1
jax: 0.10.2.dev20260603
libtpu: 0.0.44.dev20260713+nightly
codegen_flags: <defaults>
</compile_context>

<pallas_src>
import functools

import jax
import jax.numpy as jnp
from jax import lax
from jax.experimental import pallas as pl
from jax.experimental.pallas import tpu as pltpu
from jax.experimental.pallas import tpu_sc as plsc

N = 10000
D = 128
B = 64
E = 320000

NPAD = 10112
NCORES = 2
NSUB = 16
NTILES = NCORES * NSUB
K = 128
CHUNKS = 80
EPT = CHUNKS * K
EPAD = NTILES * EPT
ROWS_PT = NPAD // NSUB

CPT0 = 128
CPT1 = 2 * CHUNKS - CPT0
CBASE1 = NSUB * CPT0

@functools.lru_cache(maxsize=None)
def _mesh():
    return plsc.VectorSubcoreMesh(
        core_axis_name="c", subcore_axis_name="s",
        num_cores=NCORES, num_subcores=NSUB)



def _sc_deg_body(dst_hbm, zeros_hbm, ones_hbm, out_hbm,
                 didx0_v, didx1_v, ones_v, acc_sh, dsem0, dsem1):
    c = lax.axis_index("c")
    s = lax.axis_index("s")
    pltpu.sync_copy(zeros_hbm.at[pl.ds(s * ROWS_PT, ROWS_PT)],
                    acc_sh.at[pl.ds(s * ROWS_PT, ROWS_PT)])
    pltpu.sync_copy(ones_hbm, ones_v)
    plsc.subcore_barrier()

    def run(cpt, cbase):
        pltpu.async_copy(dst_hbm.at[cbase], didx0_v, dsem0)

        def body(i, carry):
            j0 = 2 * i
            pltpu.make_async_copy(
                dst_hbm.at[cbase + j0], didx0_v, dsem0).wait()
            pltpu.async_copy(dst_hbm.at[cbase + j0 + 1], didx1_v, dsem1)
            pltpu.sync_copy(ones_v, acc_sh.at[didx0_v], add=True)
            pltpu.make_async_copy(
                dst_hbm.at[cbase + j0 + 1], didx1_v, dsem1).wait()

            @pl.when(j0 + 2 < cpt)
            def _():
                pltpu.async_copy(dst_hbm.at[cbase + j0 + 2], didx0_v, dsem0)

            pltpu.sync_copy(ones_v, acc_sh.at[didx1_v], add=True)
            return carry

        lax.fori_loop(0, cpt // 2, body, 0)

    run(CHUNKS, (s * NCORES + c) * CHUNKS)

    plsc.subcore_barrier()
    pltpu.sync_copy(acc_sh.at[pl.ds(s * ROWS_PT, ROWS_PT)],
                    out_hbm.at[c, pl.ds(s * ROWS_PT, ROWS_PT)])


@functools.lru_cache(maxsize=None)
def _sc_deg():
    return pl.kernel(
        _sc_deg_body,
        out_type=jax.ShapeDtypeStruct((NCORES, NPAD, 16), jnp.float32),
        mesh=_mesh(),
        compiler_params=pltpu.CompilerParams(use_tc_tiling_on_sc=False),
        scratch_types=[
            pltpu.VMEM((K,), jnp.int32),
            pltpu.VMEM((K,), jnp.int32),
            pltpu.VMEM((K, 16), jnp.float32),
            pltpu.VMEM_SHARED((NPAD, 16), jnp.float32),
            pltpu.SemaphoreType.DMA,
            pltpu.SemaphoreType.DMA,
        ],
    )


def _sc_agg_body(src_hbm, dst_hbm, xs_hbm, zeros_hbm, out_hbm,
                 sidx_v, didx0_v, didx1_v, rows0_v, rows1_v, acc_sh,
                 gsem0, gsem1, dsem0, dsem1):
    c = lax.axis_index("c")
    s = lax.axis_index("s")
    pltpu.sync_copy(zeros_hbm.at[pl.ds(s * ROWS_PT, ROWS_PT)],
                    acc_sh.at[pl.ds(s * ROWS_PT, ROWS_PT)])
    plsc.subcore_barrier()

    def run(cpt, cbase):
        pltpu.sync_copy(src_hbm.at[pl.ds(cbase, cpt)],
                        sidx_v.at[pl.ds(0, cpt)])

        pltpu.async_copy(xs_hbm.at[sidx_v.at[0]], rows0_v, gsem0)
        pltpu.async_copy(dst_hbm.at[cbase], didx0_v, dsem0)

        def body(i, carry):
            j0 = 2 * i
            pltpu.make_async_copy(
                xs_hbm.at[sidx_v.at[j0]], rows0_v, gsem0).wait()
            pltpu.make_async_copy(
                dst_hbm.at[cbase + j0], didx0_v, dsem0).wait()
            pltpu.async_copy(xs_hbm.at[sidx_v.at[j0 + 1]], rows1_v, gsem1)
            pltpu.async_copy(dst_hbm.at[cbase + j0 + 1], didx1_v, dsem1)
            pltpu.sync_copy(rows0_v, acc_sh.at[didx0_v], add=True)
            pltpu.make_async_copy(
                xs_hbm.at[sidx_v.at[j0 + 1]], rows1_v, gsem1).wait()
            pltpu.make_async_copy(
                dst_hbm.at[cbase + j0 + 1], didx1_v, dsem1).wait()

            @pl.when(j0 + 2 < cpt)
            def _():
                pltpu.async_copy(xs_hbm.at[sidx_v.at[j0 + 2]], rows0_v, gsem0)
                pltpu.async_copy(dst_hbm.at[cbase + j0 + 2], didx0_v, dsem0)

            pltpu.sync_copy(rows1_v, acc_sh.at[didx1_v], add=True)
            return carry

        lax.fori_loop(0, cpt // 2, body, 0)

    @pl.when(c == 0)
    def _():
        run(CPT0, s * CPT0)

    @pl.when(c == 1)
    def _():
        run(CPT1, CBASE1 + s * CPT1)

    plsc.subcore_barrier()
    pltpu.sync_copy(acc_sh.at[pl.ds(s * ROWS_PT, ROWS_PT)],
                    out_hbm.at[c, pl.ds(s * ROWS_PT, ROWS_PT)])


@functools.lru_cache(maxsize=None)
def _sc_agg():
    return pl.kernel(
        _sc_agg_body,
        out_type=jax.ShapeDtypeStruct((NCORES, NPAD, D), jnp.float32),
        mesh=_mesh(),
        scratch_types=[
            pltpu.VMEM((max(CPT0, CPT1), K), jnp.int32),
            pltpu.VMEM((K,), jnp.int32),
            pltpu.VMEM((K,), jnp.int32),
            pltpu.VMEM((K, D), jnp.float32),
            pltpu.VMEM((K, D), jnp.float32),
            pltpu.VMEM_SHARED((NPAD, D), jnp.float32),
            pltpu.SemaphoreType.DMA,
            pltpu.SemaphoreType.DMA,
            pltpu.SemaphoreType.DMA,
            pltpu.SemaphoreType.DMA,
        ],
    )



def _dinv_from(deg_ref):
    dcol = deg_ref[0, :, 0:1] + deg_ref[1, :, 0:1] + 1.0
    return lax.rsqrt(dcol)[:N]


def _tc0_body(x_ref, w_ref, deg_ref, out_ref):
    dinv = _dinv_from(deg_ref)
    xw = jnp.dot(x_ref[...], w_ref[...], preferred_element_type=jnp.float32)
    out_ref[...] = xw * dinv


_tc0 = pl.pallas_call(
    _tc0_body,
    out_shape=jax.ShapeDtypeStruct((N, D), jnp.float32),
)


def _bn_relu(sp_ref, xs_ref, b_ref, g_ref, be_ref, dinv):
    S = sp_ref[0, :N, :] + sp_ref[1, :N, :] + xs_ref[...]
    h = S * dinv + b_ref[...]
    mu = jnp.mean(h, axis=0)
    d = h - mu
    var = jnp.mean(d * d, axis=0)
    hn = d * lax.rsqrt(var + 1e-5) * g_ref[...] + be_ref[...]
    return jnp.maximum(hn, 0.0)


def _tc_mid_body(sp_ref, xs_ref, b_ref, g_ref, be_ref, deg_ref, wn_ref, out_ref):
    dinv = _dinv_from(deg_ref)
    h2 = _bn_relu(sp_ref, xs_ref, b_ref, g_ref, be_ref, dinv)
    xw = jnp.dot(h2, wn_ref[...], preferred_element_type=jnp.float32)
    out_ref[...] = xw * dinv


_tc_mid = pl.pallas_call(
    _tc_mid_body,
    out_shape=jax.ShapeDtypeStruct((N, D), jnp.float32),
)


def _tc_fin_body(sp_ref, xs_ref, b_ref, g_ref, be_ref, deg_ref, batch_ref, out_ref):
    dinv = _dinv_from(deg_ref)
    h2 = _bn_relu(sp_ref, xs_ref, b_ref, g_ref, be_ref, dinv)
    gids = lax.broadcasted_iota(jnp.int32, (B, N), 0)
    onehot = (batch_ref[...][None, :] == gids).astype(jnp.float32)
    sums = jnp.dot(onehot, h2, preferred_element_type=jnp.float32)
    cnts = jnp.sum(onehot, axis=1)
    out_ref[...] = sums / jnp.maximum(cnts, 1.0)[:, None]


_tc_fin = pl.pallas_call(
    _tc_fin_body,
    out_shape=jax.ShapeDtypeStruct((B, D), jnp.float32),
)



@jax.jit
def kernel(x, edge_index, batch, W0, b0, g0, be0, W1, b1, g1, be1,
           W2, b2, g2, be2):
    npad = EPAD - E
    src_p = jnp.concatenate(
        [edge_index[0], jnp.zeros((npad,), jnp.int32)]).reshape(-1, K)
    dst_p = jnp.concatenate(
        [edge_index[1], jnp.full((npad,), N, jnp.int32)]).reshape(-1, K)
    z128 = jnp.zeros((NPAD, D), jnp.float32)
    z16 = jnp.zeros((NPAD, 16), jnp.float32)
    o16 = jnp.ones((K, 16), jnp.float32)

    degp = _sc_deg()(dst_p, z16, o16)
    xs = _tc0(x, W0, degp)

    sp = _sc_agg()(src_p, dst_p, xs, z128)
    xs = _tc_mid(sp, xs, b0, g0, be0, degp, W1)
    sp = _sc_agg()(src_p, dst_p, xs, z128)
    xs = _tc_mid(sp, xs, b1, g1, be1, degp, W2)
    sp = _sc_agg()(src_p, dst_p, xs, z128)
    return _tc_fin(sp, xs, b2, g2, be2, degp, batch)

# --- scband reference (transcript-rebuilt; emitter-appended) ---
"""Pipeline reference for scband-gnnencoder-72756745994790 (READ-ONLY COPY).

The authoritative reference and input builder live on the scoring server;
editing this copy changes nothing except your own understanding.
"""

import jax, jax.numpy as jnp
import numpy as np

N = 10000
E = 320000
D = 128
H = 128
B = 64

def setup_inputs(seed: int = 0):
    key = jax.random.key(seed)
    ks = jax.random.split(key, 20)
    inp = {}
    inp["x"] = jax.random.normal(ks[0], (N, D), dtype=jnp.float32)
    inp["edge_index"] = jax.random.randint(ks[1], (2, E), 0, N, dtype=jnp.int32)
    inp["batch"] = jnp.sort(jax.random.randint(ks[2], (N,), 0, B, dtype=jnp.int32))
    dims = [(D, H), (H, H), (H, H)]
    for i, (di, do) in enumerate(dims):
        inp[f"W{i}"] = jax.random.normal(ks[3 + 4 * i], (di, do), dtype=jnp.float32) * (1.0 / np.sqrt(di))
        inp[f"b{i}"] = jnp.zeros((do,), dtype=jnp.float32)
        inp[f"g{i}"] = jnp.ones((do,), dtype=jnp.float32)
        inp[f"be{i}"] = jnp.zeros((do,), dtype=jnp.float32)
    return inp

def _gcn_layer(h, src, dst, norm, W, b):
    xw = h @ W
    msg = xw[src] * norm[:, None]
    agg = jnp.zeros((N, W.shape[1]), dtype=h.dtype).at[dst].add(msg)
    return agg + b

def _forward(x, params, edge_index, batch):
    loop = jnp.arange(N, dtype=edge_index.dtype)
    src = jnp.concatenate([edge_index[0], loop])
    dst = jnp.concatenate([edge_index[1], loop])
    deg = jnp.zeros((N,), dtype=x.dtype).at[dst].add(1.0)
    dinv = jnp.where(deg > 0, deg ** -0.5, 0.0)
    norm = dinv[src] * dinv[dst]
    h = x
    for (W, b, g, be) in params:
        h = _gcn_layer(h, src, dst, norm, W, b)
        mu = jnp.mean(h, axis=0)
        var = jnp.var(h, axis=0)
        h = (h - mu) / jnp.sqrt(var + 1e-5) * g + be
        h = jax.nn.relu(h)
    sums = jax.ops.segment_sum(h, batch, num_segments=B)
    cnts = jax.ops.segment_sum(jnp.ones((N,), dtype=h.dtype), batch, num_segments=B)
    return sums / jnp.maximum(cnts, 1.0)[:, None]

def reference(x, edge_index, batch, W0, b0, g0, be0, W1, b1, g1, be1, W2, b2, g2, be2):
    params = [(W0, b0, g0, be0), (W1, b1, g1, be1), (W2, b2, g2, be2)]
    return _forward(x, params, edge_index, batch)

if __name__ == "__main__":
    import jax
    _d = setup_inputs()
    print(jax.jit(kernel)(*tuple(_d.values())))

</pallas_src>

<mosaic_0001>
#map = affine_map<(d0, d1) -> (0, 0)>
#map1 = affine_map<(d0, d1) -> (0, 0, 0)>
module attributes {stable_mosaic.version = 14 : i64} {
  func.func @_sc_deg_body(%arg0: i32, %arg1: i32, %arg2: memref<2560x128xi32, #tpu.memory_space<hbm>>, %arg3: memref<10112x16xf32, #tpu.memory_space<hbm>>, %arg4: memref<128x16xf32, #tpu.memory_space<hbm>>, %arg5: memref<2x10112x16xf32, #tpu.memory_space<hbm>>, %arg6: memref<128xi32, #tpu.memory_space<vmem>>, %arg7: memref<128xi32, #tpu.memory_space<vmem>>, %arg8: memref<128x16xf32, #tpu.memory_space<vmem>>, %arg9: memref<10112x16xf32, #tpu.memory_space<vmem_shared>>, %arg10: memref<!tpu.dma_semaphore, #tpu.memory_space<semaphore_mem>>, %arg11: memref<!tpu.dma_semaphore, #tpu.memory_space<semaphore_mem>>) attributes {dimension_semantics = [#tpu.dimension_semantics<core_parallel>, #tpu.dimension_semantics<subcore_parallel>], iteration_bounds = array<i64: 2, 16>, scalar_prefetch = 0 : i64, scratch_operands = 6 : i64, tpu.core_type = #tpu.core_type<sc_vector_subcore>, window_params = [{transform_indices = #map}, {transform_indices = #map}, {transform_indices = #map}, {transform_indices = #map1}]} {
    %mul3A = arith.constant 632 : i32
    %mul3A_0 = arith.muli %arg1, %mul3A : i32
    %mul3A_1 = arith.constant 632 : i32
    %mul3A_2 = arith.muli %arg1, %mul3A_1 : i32
    "tpu.region"() ({
      %run_scoped3A = tpu.sem_alloc : memref<!tpu.dma_semaphore, #tpu.memory_space<semaphore_mem>>
      %dma_start3A_22 = arith.constant 0 : i32
      %dma_start3A_23 = tpu.memref_slice %arg9[%mul3A_2, %dma_start3A_22] : memref<10112x16xf32, #tpu.memory_space<vmem_shared>> -> memref<632x16xf32, #tpu.memory_space<vmem_shared>>
      %dma_start3A_24 = arith.constant 0 : i32
      %dma_start3A_25 = tpu.memref_slice %arg3[%mul3A_0, %dma_start3A_24] : memref<10112x16xf32, #tpu.memory_space<hbm>> -> memref<632x16xf32, #tpu.memory_space<hbm>>
      tpu.enqueue_dma source(%dma_start3A_25 : memref<632x16xf32, #tpu.memory_space<hbm>>) target(%dma_start3A_23 : memref<632x16xf32, #tpu.memory_space<vmem_shared>>) target_semaphore(%run_scoped3A : memref<!tpu.dma_semaphore, #tpu.memory_space<semaphore_mem>>)
      %dma_wait3A = arith.constant 0 : i32
      %dma_wait3A_26 = tpu.memref_slice %arg9[%mul3A_2, %dma_wait3A] : memref<10112x16xf32, #tpu.memory_space<vmem_shared>> -> memref<632x16xf32, #tpu.memory_space<vmem_shared>>
      %dma_wait3A_27 = arith.constant 0 : i32
      %dma_wait3A_28 = tpu.memref_slice %arg3[%mul3A_0, %dma_wait3A_27] : memref<10112x16xf32, #tpu.memory_space<hbm>> -> memref<632x16xf32, #tpu.memory_space<hbm>>
      tpu.wait_dma2 semaphore(%run_scoped3A : memref<!tpu.dma_semaphore, #tpu.memory_space<semaphore_mem>>) src(%dma_wait3A_28 : memref<632x16xf32, #tpu.memory_space<hbm>>) dst(%dma_wait3A_26 : memref<632x16xf32, #tpu.memory_space<vmem_shared>>)
      tpu.yield
    }) : () -> ()
    "tpu.region"() ({
      %run_scoped3A = tpu.sem_alloc : memref<!tpu.dma_semaphore, #tpu.memory_space<semaphore_mem>>
      tpu.enqueue_dma source(%arg4 : memref<128x16xf32, #tpu.memory_space<hbm>>) target(%arg8 : memref<128x16xf32, #tpu.memory_space<vmem>>) target_semaphore(%run_scoped3A : memref<!tpu.dma_semaphore, #tpu.memory_space<semaphore_mem>>)
      tpu.wait_dma2 semaphore(%run_scoped3A : memref<!tpu.dma_semaphore, #tpu.memory_space<semaphore_mem>>) src(%arg4 : memref<128x16xf32, #tpu.memory_space<hbm>>) dst(%arg8 : memref<128x16xf32, #tpu.memory_space<vmem>>)
      tpu.yield
    }) : () -> ()
    %barrier3A = arith.constant 0 : index
    tpu.barrier barrier_id(%barrier3A)
    %mul3A_3 = arith.constant 2 : i32
    %mul3A_4 = arith.muli %arg1, %mul3A_3 : i32
    %add3A = arith.addi %mul3A_4, %arg0 : i32
    %mul3A_5 = arith.constant 80 : i32
    %mul3A_6 = arith.muli %add3A, %mul3A_5 : i32
    %dma_start3A = arith.constant 0 : i32
    %dma_start3A_7 = tpu.memref_slice %arg2[%mul3A_6, %dma_start3A] : memref<2560x128xi32, #tpu.memory_space<hbm>> -> memref<1x128xi32, #tpu.memory_space<hbm>>
    %dma_start3A_8 = tpu.memref_squeeze %dma_start3A_7 : memref<1x128xi32, #tpu.memory_space<hbm>> -> memref<128xi32, #tpu.memory_space<hbm>>
    %dma_start3A_9 = arith.constant 0 : i32
    %dma_start3A_10 = tpu.memref_slice %arg2[%mul3A_6, %dma_start3A_9] : memref<2560x128xi32, #tpu.memory_space<hbm>> -> memref<1x128xi32, #tpu.memory_space<hbm>>
    %dma_start3A_11 = tpu.memref_squeeze %dma_start3A_10 : memref<1x128xi32, #tpu.memory_space<hbm>> -> memref<128xi32, #tpu.memory_space<hbm>>
    tpu.enqueue_dma source(%dma_start3A_11 : memref<128xi32, #tpu.memory_space<hbm>>) target(%arg6 : memref<128xi32, #tpu.memory_space<vmem>>) target_semaphore(%arg10 : memref<!tpu.dma_semaphore, #tpu.memory_space<semaphore_mem>>)
    %scan3A = arith.constant 0 : i32
    %scan3A_12 = arith.constant 0 : i32
    %scan3A_13 = arith.constant 40 : i32
    %scan3A_14 = arith.addi %scan3A_12, %scan3A_13 : i32
    %scan3A_15 = arith.constant 1 : i32
    scf.for %scan3A_22 = %scan3A_12 to %scan3A_14 step %scan3A_15  : i32 {
      %mul3A_23 = arith.constant 2 : i32
      %mul3A_24 = arith.muli %mul3A_23, %scan3A_22 : i32
      %add3A_25 = arith.addi %mul3A_6, %mul3A_24 : i32
      %dma_wait3A = arith.constant 0 : i32
      %dma_wait3A_26 = tpu.memref_slice %arg2[%add3A_25, %dma_wait3A] : memref<2560x128xi32, #tpu.memory_space<hbm>> -> memref<1x128xi32, #tpu.memory_space<hbm>>
      %dma_wait3A_27 = tpu.memref_squeeze %dma_wait3A_26 : memref<1x128xi32, #tpu.memory_space<hbm>> -> memref<128xi32, #tpu.memory_space<hbm>>
      %dma_wait3A_28 = arith.constant 0 : i32
      %dma_wait3A_29 = tpu.memref_slice %arg2[%add3A_25, %dma_wait3A_28] : memref<2560x128xi32, #tpu.memory_space<hbm>> -> memref<1x128xi32, #tpu.memory_space<hbm>>
      %dma_wait3A_30 = tpu.memref_squeeze %dma_wait3A_29 : memref<1x128xi32, #tpu.memory_space<hbm>> -> memref<128xi32, #tpu.memory_space<hbm>>
      tpu.wait_dma2 semaphore(%arg10 : memref<!tpu.dma_semaphore, #tpu.memory_space<semaphore_mem>>) src(%dma_wait3A_30 : memref<128xi32, #tpu.memory_space<hbm>>) dst(%arg6 : memref<128xi32, #tpu.memory_space<vmem>>)
      %add3A_31 = arith.addi %mul3A_6, %mul3A_24 : i32
      %add3A_32 = arith.constant 1 : i32
      %add3A_33 = arith.addi %add3A_31, %add3A_32 : i32
      %dma_start3A_34 = arith.constant 0 : i32
      %dma_start3A_35 = tpu.memref_slice %arg2[%add3A_33, %dma_start3A_34] : memref<2560x128xi32, #tpu.memory_space<hbm>> -> memref<1x128xi32, #tpu.memory_space<hbm>>
      %dma_start3A_36 = tpu.memref_squeeze %dma_start3A_35 : memref<1x128xi32, #tpu.memory_space<hbm>> -> memref<128xi32, #tpu.memory_space<hbm>>
      %dma_start3A_37 = arith.constant 0 : i32
      %dma_start3A_38 = tpu.memref_slice %arg2[%add3A_33, %dma_start3A_37] : memref<2560x128xi32, #tpu.memory_space<hbm>> -> memref<1x128xi32, #tpu.memory_space<hbm>>
      %dma_start3A_39 = tpu.memref_squeeze %dma_start3A_38 : memref<1x128xi32, #tpu.memory_space<hbm>> -> memref<128xi32, #tpu.memory_space<hbm>>
      tpu.enqueue_dma source(%dma_start3A_39 : memref<128xi32, #tpu.memory_space<hbm>>) target(%arg7 : memref<128xi32, #tpu.memory_space<vmem>>) target_semaphore(%arg11 : memref<!tpu.dma_semaphore, #tpu.memory_space<semaphore_mem>>)
      "tpu.region"() ({
        %run_scoped3A = tpu.sem_alloc : memref<!tpu.dma_semaphore, #tpu.memory_space<semaphore_mem>>
        %dma_start3A_53 = arith.constant 0 : i32
        %dma_start3A_54 = arith.constant 0 : i32
        %dma_start3A_55 = tpu.memref_slice %arg9[%dma_start3A_53, %dma_start3A_54] : memref<10112x16xf32, #tpu.memory_space<vmem_shared>> -> memref<10112x16xf32, #tpu.memory_space<vmem_shared>>
        tpu.enqueue_indirect_dma source(%arg8 : memref<128x16xf32, #tpu.memory_space<vmem>>) target(%dma_start3A_55 : memref<10112x16xf32, #tpu.memory_space<vmem_shared>>) offsets(%arg6 : memref<128xi32, #tpu.memory_space<vmem>>) semaphore(%run_scoped3A : memref<!tpu.dma_semaphore, #tpu.memory_space<semaphore_mem>>) {add = true}
        %dma_wait3A_56 = arith.constant 0 : i32
        %dma_wait3A_57 = arith.constant 0 : i32
        %dma_wait3A_58 = tpu.memref_slice %arg9[%dma_wait3A_56, %dma_wait3A_57] : memref<10112x16xf32, #tpu.memory_space<vmem_shared>> -> memref<10112x16xf32, #tpu.memory_space<vmem_shared>>
        tpu.wait_indirect_dma semaphore(%run_scoped3A : memref<!tpu.dma_semaphore, #tpu.memory_space<semaphore_mem>>) src(%arg8 : memref<128x16xf32, #tpu.memory_space<vmem>>) dst(%dma_wait3A_58 : memref<10112x16xf32, #tpu.memory_space<vmem_shared>>)
        tpu.yield
      }) : () -> ()
      %add3A_40 = arith.addi %mul3A_6, %mul3A_24 : i32
      %add3A_41 = arith.constant 1 : i32
      %add3A_42 = arith.addi %add3A_40, %add3A_41 : i32
      %dma_wait3A_43 = arith.constant 0 : i32
      %dma_wait3A_44 = tpu.memref_slice %arg2[%add3A_42, %dma_wait3A_43] : memref<2560x128xi32, #tpu.memory_space<hbm>> -> memref<1x128xi32, #tpu.memory_space<hbm>>
      %dma_wait3A_45 = tpu.memref_squeeze %dma_wait3A_44 : memref<1x128xi32, #tpu.memory_space<hbm>> -> memref<128xi32, #tpu.memory_space<hbm>>
      %dma_wait3A_46 = arith.constant 0 : i32
      %dma_wait3A_47 = tpu.memref_slice %arg2[%add3A_42, %dma_wait3A_46] : memref<2560x128xi32, #tpu.memory_space<hbm>> -> memref<1x128xi32, #tpu.memory_space<hbm>>
      %dma_wait3A_48 = tpu.memref_squeeze %dma_wait3A_47 : memref<1x128xi32, #tpu.memory_space<hbm>> -> memref<128xi32, #tpu.memory_space<hbm>>
      tpu.wait_dma2 semaphore(%arg11 : memref<!tpu.dma_semaphore, #tpu.memory_space<semaphore_mem>>) src(%dma_wait3A_48 : memref<128xi32, #tpu.memory_space<hbm>>) dst(%arg7 : memref<128xi32, #tpu.memory_space<vmem>>)
      %add3A_49 = arith.constant 2 : i32
      %add3A_50 = arith.addi %mul3A_24, %add3A_49 : i32
      %lt3A = arith.constant 80 : i32
      %lt3A_51 = arith.cmpi slt, %add3A_50, %lt3A : i32
      %convert_element_type3A = arith.extui %lt3A_51 : i1 to i32
      %cond3A = arith.constant 0 : i32
      %cond3A_52 = arith.cmpi ne, %convert_element_type3A, %cond3A : i32
      scf.if %cond3A_52 {
        %add3A_53 = arith.addi %mul3A_6, %mul3A_24 : i32
        %add3A_54 = arith.constant 2 : i32
        %add3A_55 = arith.addi %add3A_53, %add3A_54 : i32
        %dma_start3A_56 = arith.constant 0 : i32
        %dma_start3A_57 = tpu.memref_slice %arg2[%add3A_55, %dma_start3A_56] : memref<2560x128xi32, #tpu.memory_space<hbm>> -> memref<1x128xi32, #tpu.memory_space<hbm>>
        %dma_start3A_58 = tpu.memref_squeeze %dma_start3A_57 : memref<1x128xi32, #tpu.memory_space<hbm>> -> memref<128xi32, #tpu.memory_space<hbm>>
        %dma_start3A_59 = arith.constant 0 : i32
        %dma_start3A_60 = tpu.memref_slice %arg2[%add3A_55, %dma_start3A_59] : memref<2560x128xi32, #tpu.memory_space<hbm>> -> memref<1x128xi32, #tpu.memory_space<hbm>>
        %dma_start3A_61 = tpu.memref_squeeze %dma_start3A_60 : memref<1x128xi32, #tpu.memory_space<hbm>> -> memref<128xi32, #tpu.memory_space<hbm>>
        tpu.enqueue_dma source(%dma_start3A_61 : memref<128xi32, #tpu.memory_space<hbm>>) target(%arg6 : memref<128xi32, #tpu.memory_space<vmem>>) target_semaphore(%arg10 : memref<!tpu.dma_semaphore, #tpu.memory_space<semaphore_mem>>)
      } else {
      }
      "tpu.region"() ({
        %run_scoped3A = tpu.sem_alloc : memref<!tpu.dma_semaphore, #tpu.memory_space<semaphore_mem>>
        %dma_start3A_53 = arith.constant 0 : i32
        %dma_start3A_54 = arith.constant 0 : i32
        %dma_start3A_55 = tpu.memref_slice %arg9[%dma_start3A_53, %dma_start3A_54] : memref<10112x16xf32, #tpu.memory_space<vmem_shared>> -> memref<10112x16xf32, #tpu.memory_space<vmem_shared>>
        tpu.enqueue_indirect_dma source(%arg8 : memref<128x16xf32, #tpu.memory_space<vmem>>) target(%dma_start3A_55 : memref<10112x16xf32, #tpu.memory_space<vmem_shared>>) offsets(%arg7 : memref<128xi32, #tpu.memory_space<vmem>>) semaphore(%run_scoped3A : memref<!tpu.dma_semaphore, #tpu.memory_space<semaphore_mem>>) {add = true}
        %dma_wait3A_56 = arith.constant 0 : i32
        %dma_wait3A_57 = arith.constant 0 : i32
        %dma_wait3A_58 = tpu.memref_slice %arg9[%dma_wait3A_56, %dma_wait3A_57] : memref<10112x16xf32, #tpu.memory_space<vmem_shared>> -> memref<10112x16xf32, #tpu.memory_space<vmem_shared>>
        tpu.wait_indirect_dma semaphore(%run_scoped3A : memref<!tpu.dma_semaphore, #tpu.memory_space<semaphore_mem>>) src(%arg8 : memref<128x16xf32, #tpu.memory_space<vmem>>) dst(%dma_wait3A_58 : memref<10112x16xf32, #tpu.memory_space<vmem_shared>>)
        tpu.yield
      }) : () -> ()
    }
    %scan3A_16 = arith.constant 40 : i32
    %barrier3A_17 = arith.constant 0 : index
    tpu.barrier barrier_id(%barrier3A_17)
    %mul3A_18 = arith.constant 632 : i32
    %mul3A_19 = arith.muli %arg1, %mul3A_18 : i32
    %mul3A_20 = arith.constant 632 : i32
    %mul3A_21 = arith.muli %arg1, %mul3A_20 : i32
    "tpu.region"() ({
      %run_scoped3A = tpu.sem_alloc : memref<!tpu.dma_semaphore, #tpu.memory_space<semaphore_mem>>
      %dma_start3A_22 = arith.constant 0 : i32
      %dma_start3A_23 = tpu.memref_slice %arg5[%arg0, %mul3A_21, %dma_start3A_22] : memref<2x10112x16xf32, #tpu.memory_space<hbm>> -> memref<1x632x16xf32, #tpu.memory_space<hbm>>
      %dma_start3A_24 = tpu.memref_squeeze %dma_start3A_23 : memref<1x632x16xf32, #tpu.memory_space<hbm>> -> memref<632x16xf32, #tpu.memory_space<hbm>>
      %dma_start3A_25 = arith.constant 0 : i32
      %dma_start3A_26 = tpu.memref_slice %arg9[%mul3A_19, %dma_start3A_25] : memref<10112x16xf32, #tpu.memory_space<vmem_shared>> -> memref<632x16xf32, #tpu.memory_space<vmem_shared>>
      tpu.enqueue_dma source(%dma_start3A_26 : memref<632x16xf32, #tpu.memory_space<vmem_shared>>) target(%dma_start3A_24 : memref<632x16xf32, #tpu.memory_space<hbm>>) target_semaphore(%run_scoped3A : memref<!tpu.dma_semaphore, #tpu.memory_space<semaphore_mem>>)
      %dma_wait3A = arith.constant 0 : i32
      %dma_wait3A_27 = tpu.memref_slice %arg5[%arg0, %mul3A_21, %dma_wait3A] : memref<2x10112x16xf32, #tpu.memory_space<hbm>> -> memref<1x632x16xf32, #tpu.memory_space<hbm>>
      %dma_wait3A_28 = tpu.memref_squeeze %dma_wait3A_27 : memref<1x632x16xf32, #tpu.memory_space<hbm>> -> memref<632x16xf32, #tpu.memory_space<hbm>>
      %dma_wait3A_29 = arith.constant 0 : i32
      %dma_wait3A_30 = tpu.memref_slice %arg9[%mul3A_19, %dma_wait3A_29] : memref<10112x16xf32, #tpu.memory_space<vmem_shared>> -> memref<632x16xf32, #tpu.memory_space<vmem_shared>>
      tpu.wait_dma2 semaphore(%run_scoped3A : memref<!tpu.dma_semaphore, #tpu.memory_space<semaphore_mem>>) src(%dma_wait3A_30 : memref<632x16xf32, #tpu.memory_space<vmem_shared>>) dst(%dma_wait3A_28 : memref<632x16xf32, #tpu.memory_space<hbm>>)
      tpu.yield
    }) : () -> ()
    return
  }
}

#map = affine_map<(d0, d1) -> (0, 0)>
#map1 = affine_map<(d0, d1) -> (0, 0, 0)>
module attributes {stable_mosaic.version = 14 : i64} {
  func.func @_sc_agg_body(%arg0: i32, %arg1: i32, %arg2: memref<2560x128xi32, #tpu.memory_space<hbm>>, %arg3: memref<2560x128xi32, #tpu.memory_space<hbm>>, %arg4: memref<10000x128xf32, #tpu.memory_space<hbm>>, %arg5: memref<10112x128xf32, #tpu.memory_space<hbm>>, %arg6: memref<2x10112x128xf32, #tpu.memory_space<hbm>>, %arg7: memref<128x128xi32, #tpu.memory_space<vmem>>, %arg8: memref<128xi32, #tpu.memory_space<vmem>>, %arg9: memref<128xi32, #tpu.memory_space<vmem>>, %arg10: memref<128x128xf32, #tpu.memory_space<vmem>>, %arg11: memref<128x128xf32, #tpu.memory_space<vmem>>, %arg12: memref<10112x128xf32, #tpu.memory_space<vmem_shared>>, %arg13: memref<!tpu.dma_semaphore, #tpu.memory_space<semaphore_mem>>, %arg14: memref<!tpu.dma_semaphore, #tpu.memory_space<semaphore_mem>>, %arg15: memref<!tpu.dma_semaphore, #tpu.memory_space<semaphore_mem>>, %arg16: memref<!tpu.dma_semaphore, #tpu.memory_space<semaphore_mem>>) attributes {dimension_semantics = [#tpu.dimension_semantics<core_parallel>, #tpu.dimension_semantics<subcore_parallel>], iteration_bounds = array<i64: 2, 16>, scalar_prefetch = 0 : i64, scratch_operands = 10 : i64, tpu.core_type = #tpu.core_type<sc_vector_subcore>, window_params = [{transform_indices = #map}, {transform_indices = #map}, {transform_indices = #map}, {transform_indices = #map}, {transform_indices = #map1}]} {
    %mul3A = arith.constant 632 : i32
    %mul3A_0 = arith.muli %arg1, %mul3A : i32
    %mul3A_1 = arith.constant 632 : i32
    %mul3A_2 = arith.muli %arg1, %mul3A_1 : i32
    "tpu.region"() ({
      %run_scoped3A = tpu.sem_alloc : memref<!tpu.dma_semaphore, #tpu.memory_space<semaphore_mem>>
      %dma_start3A = arith.constant 0 : i32
      %dma_start3A_15 = tpu.memref_slice %arg12[%mul3A_2, %dma_start3A] : memref<10112x128xf32, #tpu.memory_space<vmem_shared>> -> memref<632x128xf32, #tpu.memory_space<vmem_shared>>
      %dma_start3A_16 = arith.constant 0 : i32
      %dma_start3A_17 = tpu.memref_slice %arg5[%mul3A_0, %dma_start3A_16] : memref<10112x128xf32, #tpu.memory_space<hbm>> -> memref<632x128xf32, #tpu.memory_space<hbm>>
      tpu.enqueue_dma source(%dma_start3A_17 : memref<632x128xf32, #tpu.memory_space<hbm>>) target(%dma_start3A_15 : memref<632x128xf32, #tpu.memory_space<vmem_shared>>) target_semaphore(%run_scoped3A : memref<!tpu.dma_semaphore, #tpu.memory_space<semaphore_mem>>)
      %dma_wait3A = arith.constant 0 : i32
      %dma_wait3A_18 = tpu.memref_slice %arg12[%mul3A_2, %dma_wait3A] : memref<10112x128xf32, #tpu.memory_space<vmem_shared>> -> memref<632x128xf32, #tpu.memory_space<vmem_shared>>
      %dma_wait3A_19 = arith.constant 0 : i32
      %dma_wait3A_20 = tpu.memref_slice %arg5[%mul3A_0, %dma_wait3A_19] : memref<10112x128xf32, #tpu.memory_space<hbm>> -> memref<632x128xf32, #tpu.memory_space<hbm>>
      tpu.wait_dma2 semaphore(%run_scoped3A : memref<!tpu.dma_semaphore, #tpu.memory_space<semaphore_mem>>) src(%dma_wait3A_20 : memref<632x128xf32, #tpu.memory_space<hbm>>) dst(%dma_wait3A_18 : memref<632x128xf32, #tpu.memory_space<vmem_shared>>)
      tpu.yield
    }) : () -> ()
    %barrier3A = arith.constant 0 : index
    tpu.barrier barrier_id(%barrier3A)
    %eq3A = arith.constant 0 : i32
    %eq3A_3 = arith.cmpi eq, %arg0, %eq3A : i32
    %convert_element_type3A = arith.extui %eq3A_3 : i1 to i32
    %cond3A = arith.constant 0 : i32
    %cond3A_4 = arith.cmpi ne, %convert_element_type3A, %cond3A : i32
    scf.if %cond3A_4 {
      %mul3A_15 = arith.constant 128 : i32
      %mul3A_16 = arith.muli %arg1, %mul3A_15 : i32
      "tpu.region"() ({
        %run_scoped3A = tpu.sem_alloc : memref<!tpu.dma_semaphore, #tpu.memory_space<semaphore_mem>>
        %dma_start3A_34 = arith.constant 0 : i32
        %dma_start3A_35 = arith.constant 0 : i32
        %dma_start3A_36 = tpu.memref_slice %arg7[%dma_start3A_34, %dma_start3A_35] : memref<128x128xi32, #tpu.memory_space<vmem>> -> memref<128x128xi32, #tpu.memory_space<vmem>>
        %dma_start3A_37 = arith.constant 0 : i32
        %dma_start3A_38 = tpu.memref_slice %arg2[%mul3A_16, %dma_start3A_37] : memref<2560x128xi32, #tpu.memory_space<hbm>> -> memref<128x128xi32, #tpu.memory_space<hbm>>
        %dma_start3A_39 = arith.constant 0 : i32
        %dma_start3A_40 = arith.constant 0 : i32
        %dma_start3A_41 = tpu.memref_slice %arg7[%dma_start3A_39, %dma_start3A_40] : memref<128x128xi32, #tpu.memory_space<vmem>> -> memref<128x128xi32, #tpu.memory_space<vmem>>
        %dma_start3A_42 = arith.constant 0 : i32
        %dma_start3A_43 = tpu.memref_slice %arg2[%mul3A_16, %dma_start3A_42] : memref<2560x128xi32, #tpu.memory_space<hbm>> -> memref<128x128xi32, #tpu.memory_space<hbm>>
        tpu.enqueue_dma source(%dma_start3A_43 : memref<128x128xi32, #tpu.memory_space<hbm>>) target(%dma_start3A_41 : memref<128x128xi32, #tpu.memory_space<vmem>>) target_semaphore(%run_scoped3A : memref<!tpu.dma_semaphore, #tpu.memory_space<semaphore_mem>>)
        %dma_wait3A = arith.constant 0 : i32
        %dma_wait3A_44 = arith.constant 0 : i32
        %dma_wait3A_45 = tpu.memref_slice %arg7[%dma_wait3A, %dma_wait3A_44] : memref<128x128xi32, #tpu.memory_space<vmem>> -> memref<128x128xi32, #tpu.memory_space<vmem>>
        %dma_wait3A_46 = arith.constant 0 : i32
        %dma_wait3A_47 = tpu.memref_slice %arg2[%mul3A_16, %dma_wait3A_46] : memref<2560x128xi32, #tpu.memory_space<hbm>> -> memref<128x128xi32, #tpu.memory_space<hbm>>
        %dma_wait3A_48 = arith.constant 0 : i32
        %dma_wait3A_49 = arith.constant 0 : i32
        %dma_wait3A_50 = tpu.memref_slice %arg7[%dma_wait3A_48, %dma_wait3A_49] : memref<128x128xi32, #tpu.memory_space<vmem>> -> memref<128x128xi32, #tpu.memory_space<vmem>>
        %dma_wait3A_51 = arith.constant 0 : i32
        %dma_wait3A_52 = tpu.memref_slice %arg2[%mul3A_16, %dma_wait3A_51] : memref<2560x128xi32, #tpu.memory_space<hbm>> -> memref<128x128xi32, #tpu.memory_space<hbm>>
        tpu.wait_dma2 semaphore(%run_scoped3A : memref<!tpu.dma_semaphore, #tpu.memory_space<semaphore_mem>>) src(%dma_wait3A_52 : memref<128x128xi32, #tpu.memory_space<hbm>>) dst(%dma_wait3A_50 : memref<128x128xi32, #tpu.memory_space<vmem>>)
        tpu.yield
      }) : () -> ()
      %dma_start3A = arith.constant 0 : i32
      %dma_start3A_17 = arith.constant 0 : i32
      %dma_start3A_18 = tpu.memref_slice %arg7[%dma_start3A, %dma_start3A_17] : memref<128x128xi32, #tpu.memory_space<vmem>> -> memref<1x128xi32, #tpu.memory_space<vmem>>
      %dma_start3A_19 = tpu.memref_squeeze %dma_start3A_18 : memref<1x128xi32, #tpu.memory_space<vmem>> -> memref<128xi32, #tpu.memory_space<vmem>>
      %dma_start3A_20 = arith.constant 0 : i32
      %dma_start3A_21 = arith.constant 0 : i32
      %dma_start3A_22 = tpu.memref_slice %arg4[%dma_start3A_20, %dma_start3A_21] : memref<10000x128xf32, #tpu.memory_space<hbm>> -> memref<10000x128xf32, #tpu.memory_space<hbm>>
      tpu.enqueue_indirect_dma source(%dma_start3A_22 : memref<10000x128xf32, #tpu.memory_space<hbm>>) target(%arg10 : memref<128x128xf32, #tpu.memory_space<vmem>>) offsets(%dma_start3A_19 : memref<128xi32, #tpu.memory_space<vmem>>) semaphore(%arg13 : memref<!tpu.dma_semaphore, #tpu.memory_space<semaphore_mem>>)
      %dma_start3A_23 = arith.constant 0 : i32
      %dma_start3A_24 = tpu.memref_slice %arg3[%mul3A_16, %dma_start3A_23] : memref<2560x128xi32, #tpu.memory_space<hbm>> -> memref<1x128xi32, #tpu.memory_space<hbm>>
      %dma_start3A_25 = tpu.memref_squeeze %dma_start3A_24 : memref<1x128xi32, #tpu.memory_space<hbm>> -> memref<128xi32, #tpu.memory_space<hbm>>
      %dma_start3A_26 = arith.constant 0 : i32
      %dma_start3A_27 = tpu.memref_slice %arg3[%mul3A_16, %dma_start3A_26] : memref<2560x128xi32, #tpu.memory_space<hbm>> -> memref<1x128xi32, #tpu.memory_space<hbm>>
      %dma_start3A_28 = tpu.memref_squeeze %dma_start3A_27 : memref<1x128xi32, #tpu.memory_space<hbm>> -> memref<128xi32, #tpu.memory_space<hbm>>
      tpu.enqueue_dma source(%dma_start3A_28 : memref<128xi32, #tpu.memory_space<hbm>>) target(%arg8 : memref<128xi32, #tpu.memory_space<vmem>>) target_semaphore(%arg15 : memref<!tpu.dma_semaphore, #tpu.memory_space<semaphore_mem>>)
      %scan3A = arith.constant 0 : i32
      %scan3A_29 = arith.constant 0 : i32
      %scan3A_30 = arith.constant 64 : i32
      %scan3A_31 = arith.addi %scan3A_29, %scan3A_30 : i32
      %scan3A_32 = arith.constant 1 : i32
      scf.for %scan3A_34 = %scan3A_29 to %scan3A_31 step %scan3A_32  : i32 {
        %mul3A_35 = arith.constant 2 : i32
        %mul3A_36 = arith.muli %mul3A_35, %scan3A_34 : i32
        %dma_wait3A = arith.constant 0 : i32
        %dma_wait3A_37 = tpu.memref_slice %arg7[%mul3A_36, %dma_wait3A] : memref<128x128xi32, #tpu.memory_space<vmem>> -> memref<1x128xi32, #tpu.memory_space<vmem>>
        %dma_wait3A_38 = tpu.memref_squeeze %dma_wait3A_37 : memref<1x128xi32, #tpu.memory_space<vmem>> -> memref<128xi32, #tpu.memory_space<vmem>>
        %dma_wait3A_39 = arith.constant 0 : i32
        %dma_wait3A_40 = arith.constant 0 : i32
        %dma_wait3A_41 = tpu.memref_slice %arg4[%dma_wait3A_39, %dma_wait3A_40] : memref<10000x128xf32, #tpu.memory_space<hbm>> -> memref<10000x128xf32, #tpu.memory_space<hbm>>
        tpu.wait_indirect_dma semaphore(%arg13 : memref<!tpu.dma_semaphore, #tpu.memory_space<semaphore_mem>>) src(%dma_wait3A_41 : memref<10000x128xf32, #tpu.memory_space<hbm>>) dst(%arg10 : memref<128x128xf32, #tpu.memory_space<vmem>>)
        %add3A = arith.addi %mul3A_16, %mul3A_36 : i32
        %dma_wait3A_42 = arith.constant 0 : i32
        %dma_wait3A_43 = tpu.memref_slice %arg3[%add3A, %dma_wait3A_42] : memref<2560x128xi32, #tpu.memory_space<hbm>> -> memref<1x128xi32, #tpu.memory_space<hbm>>
        %dma_wait3A_44 = tpu.memref_squeeze %dma_wait3A_43 : memref<1x128xi32, #tpu.memory_space<hbm>> -> memref<128xi32, #tpu.memory_space<hbm>>
        %dma_wait3A_45 = arith.constant 0 : i32
        %dma_wait3A_46 = tpu.memref_slice %arg3[%add3A, %dma_wait3A_45] : memref<2560x128xi32, #tpu.memory_space<hbm>> -> memref<1x128xi32, #tpu.memory_space<hbm>>
        %dma_wait3A_47 = tpu.memref_squeeze %dma_wait3A_46 : memref<1x128xi32, #tpu.memory_space<hbm>> -> memref<128xi32, #tpu.memory_space<hbm>>
        tpu.wait_dma2 semaphore(%arg15 : memref<!tpu.dma_semaphore, #tpu.memory_space<semaphore_mem>>) src(%dma_wait3A_47 : memref<128xi32, #tpu.memory_space<hbm>>) dst(%arg8 : memref<128xi32, #tpu.memory_space<vmem>>)
        %add3A_48 = arith.constant 1 : i32
        %add3A_49 = arith.addi %mul3A_36, %add3A_48 : i32
        %dma_start3A_50 = arith.constant 0 : i32
        %dma_start3A_51 = tpu.memref_slice %arg7[%add3A_49, %dma_start3A_50] : memref<128x128xi32, #tpu.memory_space<vmem>> -> memref<1x128xi32, #tpu.memory_space<vmem>>
        %dma_start3A_52 = tpu.memref_squeeze %dma_start3A_51 : memref<1x128xi32, #tpu.memory_space<vmem>> -> memref<128xi32, #tpu.memory_space<vmem>>
        %dma_start3A_53 = arith.constant 0 : i32
        %dma_start3A_54 = arith.constant 0 : i32
        %dma_start3A_55 = tpu.memref_slice %arg4[%dma_start3A_53, %dma_start3A_54] : memref<10000x128xf32, #tpu.memory_space<hbm>> -> memref<10000x128xf32, #tpu.memory_space<hbm>>
        tpu.enqueue_indirect_dma source(%dma_start3A_55 : memref<10000x128xf32, #tpu.memory_space<hbm>>) target(%arg11 : memref<128x128xf32, #tpu.memory_space<vmem>>) offsets(%dma_start3A_52 : memref<128xi32, #tpu.memory_space<vmem>>) semaphore(%arg14 : memref<!tpu.dma_semaphore, #tpu.memory_space<semaphore_mem>>)
        %add3A_56 = arith.addi %mul3A_16, %mul3A_36 : i32
        %add3A_57 = arith.constant 1 : i32
        %add3A_58 = arith.addi %add3A_56, %add3A_57 : i32
        %dma_start3A_59 = arith.constant 0 : i32
        %dma_start3A_60 = tpu.memref_slice %arg3[%add3A_58, %dma_start3A_59] : memref<2560x128xi32, #tpu.memory_space<hbm>> -> memref<1x128xi32, #tpu.memory_space<hbm>>
        %dma_start3A_61 = tpu.memref_squeeze %dma_start3A_60 : memref<1x128xi32, #tpu.memory_space<hbm>> -> memref<128xi32, #tpu.memory_space<hbm>>
        %dma_start3A_62 = arith.constant 0 : i32
        %dma_start3A_63 = tpu.memref_slice %arg3[%add3A_58, %dma_start3A_62] : memref<2560x128xi32, #tpu.memory_space<hbm>> -> memref<1x128xi32, #tpu.memory_space<hbm>>
        %dma_start3A_64 = tpu.memref_squeeze %dma_start3A_63 : memref<1x128xi32, #tpu.memory_space<hbm>> -> memref<128xi32, #tpu.memory_space<hbm>>
        tpu.enqueue_dma source(%dma_start3A_64 : memref<128xi32, #tpu.memory_space<hbm>>) target(%arg9 : memref<128xi32, #tpu.memory_space<vmem>>) target_semaphore(%arg16 : memref<!tpu.dma_semaphore, #tpu.memory_space<semaphore_mem>>)
        "tpu.region"() ({
          %run_scoped3A = tpu.sem_alloc : memref<!tpu.dma_semaphore, #tpu.memory_space<semaphore_mem>>
          %dma_start3A_88 = arith.constant 0 : i32
          %dma_start3A_89 = arith.constant 0 : i32
          %dma_start3A_90 = tpu.memref_slice %arg12[%dma_start3A_88, %dma_start3A_89] : memref<10112x128xf32, #tpu.memory_space<vmem_shared>> -> memref<10112x128xf32, #tpu.memory_space<vmem_shared>>
          tpu.enqueue_indirect_dma source(%arg10 : memref<128x128xf32, #tpu.memory_space<vmem>>) target(%dma_start3A_90 : memref<10112x128xf32, #tpu.memory_space<vmem_shared>>) offsets(%arg8 : memref<128xi32, #tpu.memory_space<vmem>>) semaphore(%run_scoped3A : memref<!tpu.dma_semaphore, #tpu.memory_space<semaphore_mem>>) {add = true}
          %dma_wait3A_91 = arith.constant 0 : i32
          %dma_wait3A_92 = arith.constant 0 : i32
          %dma_wait3A_93 = tpu.memref_slice %arg12[%dma_wait3A_91, %dma_wait3A_92] : memref<10112x128xf32, #tpu.memory_space<vmem_shared>> -> memref<10112x128xf32, #tpu.memory_space<vmem_shared>>
          tpu.wait_indirect_dma semaphore(%run_scoped3A : memref<!tpu.dma_semaphore, #tpu.memory_space<semaphore_mem>>) src(%arg10 : memref<128x128xf32, #tpu.memory_space<vmem>>) dst(%dma_wait3A_93 : memref<10112x128xf32, #tpu.memory_space<vmem_shared>>)
          tpu.yield
        }) : () -> ()
        %add3A_65 = arith.constant 1 : i32
        %add3A_66 = arith.addi %mul3A_36, %add3A_65 : i32
        %dma_wait3A_67 = arith.constant 0 : i32
        %dma_wait3A_68 = tpu.memref_slice %arg7[%add3A_66, %dma_wait3A_67] : memref<128x128xi32, #tpu.memory_space<vmem>> -> memref<1x128xi32, #tpu.memory_space<vmem>>
        %dma_wait3A_69 = tpu.memref_squeeze %dma_wait3A_68 : memref<1x128xi32, #tpu.memory_space<vmem>> -> memref<128xi32, #tpu.memory_space<vmem>>
        %dma_wait3A_70 = arith.constant 0 : i32
        %dma_wait3A_71 = arith.constant 0 : i32
        %dma_wait3A_72 = tpu.memref_slice %arg4[%dma_wait3A_70, %dma_wait3A_71] : memref<10000x128xf32, #tpu.memory_space<hbm>> -> memref<10000x128xf32, #tpu.memory_space<hbm>>
        tpu.wait_indirect_dma semaphore(%arg14 : memref<!tpu.dma_semaphore, #tpu.memory_space<semaphore_mem>>) src(%dma_wait3A_72 : memref<10000x128xf32, #tpu.memory_space<hbm>>) dst(%arg11 : memref<128x128xf32, #tpu.memory_space<vmem>>)
        %add3A_73 = arith.addi %mul3A_16, %mul3A_36 : i32
        %add3A_74 = arith.constant 1 : i32
        %add3A_75 = arith.addi %add3A_73, %add3A_74 : i32
        %dma_wait3A_76 = arith.constant 0 : i32
        %dma_wait3A_77 = tpu.memref_slice %arg3[%add3A_75, %dma_wait3A_76] : memref<2560x128xi32, #tpu.memory_space<hbm>> -> memref<1x128xi32, #tpu.memory_space<hbm>>
        %dma_wait3A_78 = tpu.memref_squeeze %dma_wait3A_77 : memref<1x128xi32, #tpu.memory_space<hbm>> -> memref<128xi32, #tpu.memory_space<hbm>>
        %dma_wait3A_79 = arith.constant 0 : i32
        %dma_wait3A_80 = tpu.memref_slice %arg3[%add3A_75, %dma_wait3A_79] : memref<2560x128xi32, #tpu.memory_space<hbm>> -> memref<1x128xi32, #tpu.memory_space<hbm>>
        %dma_wait3A_81 = tpu.memref_squeeze %dma_wait3A_80 : memref<1x128xi32, #tpu.memory_space<hbm>> -> memref<128xi32, #tpu.memory_space<hbm>>
        tpu.wait_dma2 semaphore(%arg16 : memref<!tpu.dma_semaphore, #tpu.memory_space<semaphore_mem>>) src(%dma_wait3A_81 : memref<128xi32, #tpu.memory_space<hbm>>) dst(%arg9 : memref<128xi32, #tpu.memory_space<vmem>>)
        %add3A_82 = arith.constant 2 : i32
        %add3A_83 = arith.addi %mul3A_36, %add3A_82 : i32
        %lt3A = arith.constant 128 : i32
        %lt3A_84 = arith.cmpi slt, %add3A_83, %lt3A : i32
        %convert_element_type3A_85 = arith.extui %lt3A_84 : i1 to i32
        %cond3A_86 = arith.constant 0 : i32
        %cond3A_87 = arith.cmpi ne, %convert_element_type3A_85, %cond3A_86 : i32
        scf.if %cond3A_87 {
          %add3A_88 = arith.constant 2 : i32
          %add3A_89 = arith.addi %mul3A_36, %add3A_88 : i32
          %dma_start3A_90 = arith.constant 0 : i32
          %dma_start3A_91 = tpu.memref_slice %arg7[%add3A_89, %dma_start3A_90] : memref<128x128xi32, #tpu.memory_space<vmem>> -> memref<1x128xi32, #tpu.memory_space<vmem>>
          %dma_start3A_92 = tpu.memref_squeeze %dma_start3A_91 : memref<1x128xi32, #tpu.memory_space<vmem>> -> memref<128xi32, #tpu.memory_space<vmem>>
          %dma_start3A_93 = arith.constant 0 : i32
          %dma_start3A_94 = arith.constant 0 : i32
          %dma_start3A_95 = tpu.memref_slice %arg4[%dma_start3A_93, %dma_start3A_94] : memref<10000x128xf32, #tpu.memory_space<hbm>> -> memref<10000x128xf32, #tpu.memory_space<hbm>>
          tpu.enqueue_indirect_dma source(%dma_start3A_95 : memref<10000x128xf32, #tpu.memory_space<hbm>>) target(%arg10 : memref<128x128xf32, #tpu.memory_space<vmem>>) offsets(%dma_start3A_92 : memref<128xi32, #tpu.memory_space<vmem>>) semaphore(%arg13 : memref<!tpu.dma_semaphore, #tpu.memory_space<semaphore_mem>>)
          %add3A_96 = arith.addi %mul3A_16, %mul3A_36 : i32
          %add3A_97 = arith.constant 2 : i32
          %add3A_98 = arith.addi %add3A_96, %add3A_97 : i32
          %dma_start3A_99 = arith.constant 0 : i32
          %dma_start3A_100 = tpu.memref_slice %arg3[%add3A_98, %dma_start3A_99] : memref<2560x128xi32, #tpu.memory_space<hbm>> -> memref<1x128xi32, #tpu.memory_space<hbm>>
          %dma_start3A_101 = tpu.memref_squeeze %dma_start3A_100 : memref<1x128xi32, #tpu.memory_space<hbm>> -> memref<128xi32, #tpu.memory_space<hbm>>
          %dma_start3A_102 = arith.constant 0 : i32
          %dma_start3A_103 = tpu.memref_slice %arg3[%add3A_98, %dma_start3A_102] : memref<2560x128xi32, #tpu.memory_space<hbm>> -> memref<1x128xi32, #tpu.memory_space<hbm>>
          %dma_start3A_104 = tpu.memref_squeeze %dma_start3A_103 : memref<1x128xi32, #tpu.memory_space<hbm>> -> memref<128xi32, #tpu.memory_space<hbm>>
          tpu.enqueue_dma source(%dma_start3A_104 : memref<128xi32, #tpu.memory_space<hbm>>) target(%arg8 : memref<128xi32, #tpu.memory_space<vmem>>) target_semaphore(%arg15 : memref<!tpu.dma_semaphore, #tpu.memory_space<semaphore_mem>>)
        } else {
        }
        "tpu.region"() ({
          %run_scoped3A = tpu.sem_alloc : memref<!tpu.dma_semaphore, #tpu.memory_space<semaphore_mem>>
          %dma_start3A_88 = arith.constant 0 : i32
          %dma_start3A_89 = arith.constant 0 : i32
          %dma_start3A_90 = tpu.memref_slice %arg12[%dma_start3A_88, %dma_start3A_89] : memref<10112x128xf32, #tpu.memory_space<vmem_shared>> -> memref<10112x128xf32, #tpu.memory_space<vmem_shared>>
          tpu.enqueue_indirect_dma source(%arg11 : memref<128x128xf32, #tpu.memory_space<vmem>>) target(%dma_start3A_90 : memref<10112x128xf32, #tpu.memory_space<vmem_shared>>) offsets(%arg9 : memref<128xi32, #tpu.memory_space<vmem>>) semaphore(%run_scoped3A : memref<!tpu.dma_semaphore, #tpu.memory_space<semaphore_mem>>) {add = true}
          %dma_wait3A_91 = arith.constant 0 : i32
          %dma_wait3A_92 = arith.constant 0 : i32
          %dma_wait3A_93 = tpu.memref_slice %arg12[%dma_wait3A_91, %dma_wait3A_92] : memref<10112x128xf32, #tpu.memory_space<vmem_shared>> -> memref<10112x128xf32, #tpu.memory_space<vmem_shared>>
          tpu.wait_indirect_dma semaphore(%run_scoped3A : memref<!tpu.dma_semaphore, #tpu.memory_space<semaphore_mem>>) src(%arg11 : memref<128x128xf32, #tpu.memory_space<vmem>>) dst(%dma_wait3A_93 : memref<10112x128xf32, #tpu.memory_space<vmem_shared>>)
          tpu.yield
        }) : () -> ()
      }
      %scan3A_33 = arith.constant 64 : i32
    } else {
    }
    %eq3A_5 = arith.constant 1 : i32
    %eq3A_6 = arith.cmpi eq, %arg0, %eq3A_5 : i32
    %convert_element_type3A_7 = arith.extui %eq3A_6 : i1 to i32
    %cond3A_8 = arith.constant 0 : i32
    %cond3A_9 = arith.cmpi ne, %convert_element_type3A_7, %cond3A_8 : i32
    scf.if %cond3A_9 {
      %mul3A_15 = arith.constant 32 : i32
      %mul3A_16 = arith.muli %arg1, %mul3A_15 : i32
      %add3A = arith.constant 2048 : i32
      %add3A_17 = arith.addi %add3A, %mul3A_16 : i32
      "tpu.region"() ({
        %run_scoped3A = tpu.sem_alloc : memref<!tpu.dma_semaphore, #tpu.memory_space<semaphore_mem>>
        %dma_start3A_35 = arith.constant 0 : i32
        %dma_start3A_36 = arith.constant 0 : i32
        %dma_start3A_37 = tpu.memref_slice %arg7[%dma_start3A_35, %dma_start3A_36] : memref<128x128xi32, #tpu.memory_space<vmem>> -> memref<32x128xi32, #tpu.memory_space<vmem>>
        %dma_start3A_38 = arith.constant 0 : i32
        %dma_start3A_39 = tpu.memref_slice %arg2[%add3A_17, %dma_start3A_38] : memref<2560x128xi32, #tpu.memory_space<hbm>> -> memref<32x128xi32, #tpu.memory_space<hbm>>
        %dma_start3A_40 = arith.constant 0 : i32
        %dma_start3A_41 = arith.constant 0 : i32
        %dma_start3A_42 = tpu.memref_slice %arg7[%dma_start3A_40, %dma_start3A_41] : memref<128x128xi32, #tpu.memory_space<vmem>> -> memref<32x128xi32, #tpu.memory_space<vmem>>
        %dma_start3A_43 = arith.constant 0 : i32
        %dma_start3A_44 = tpu.memref_slice %arg2[%add3A_17, %dma_start3A_43] : memref<2560x128xi32, #tpu.memory_space<hbm>> -> memref<32x128xi32, #tpu.memory_space<hbm>>
        tpu.enqueue_dma source(%dma_start3A_44 : memref<32x128xi32, #tpu.memory_space<hbm>>) target(%dma_start3A_42 : memref<32x128xi32, #tpu.memory_space<vmem>>) target_semaphore(%run_scoped3A : memref<!tpu.dma_semaphore, #tpu.memory_space<semaphore_mem>>)
        %dma_wait3A = arith.constant 0 : i32
        %dma_wait3A_45 = arith.constant 0 : i32
        %dma_wait3A_46 = tpu.memref_slice %arg7[%dma_wait3A, %dma_wait3A_45] : memref<128x128xi32, #tpu.memory_space<vmem>> -> memref<32x128xi32, #tpu.memory_space<vmem>>
        %dma_wait3A_47 = arith.constant 0 : i32
        %dma_wait3A_48 = tpu.memref_slice %arg2[%add3A_17, %dma_wait3A_47] : memref<2560x128xi32, #tpu.memory_space<hbm>> -> memref<32x128xi32, #tpu.memory_space<hbm>>
        %dma_wait3A_49 = arith.constant 0 : i32
        %dma_wait3A_50 = arith.constant 0 : i32
        %dma_wait3A_51 = tpu.memref_slice %arg7[%dma_wait3A_49, %dma_wait3A_50] : memref<128x128xi32, #tpu.memory_space<vmem>> -> memref<32x128xi32, #tpu.memory_space<vmem>>
        %dma_wait3A_52 = arith.constant 0 : i32
        %dma_wait3A_53 = tpu.memref_slice %arg2[%add3A_17, %dma_wait3A_52] : memref<2560x128xi32, #tpu.memory_space<hbm>> -> memref<32x128xi32, #tpu.memory_space<hbm>>
        tpu.wait_dma2 semaphore(%run_scoped3A : memref<!tpu.dma_semaphore, #tpu.memory_space<semaphore_mem>>) src(%dma_wait3A_53 : memref<32x128xi32, #tpu.memory_space<hbm>>) dst(%dma_wait3A_51 : memref<32x128xi32, #tpu.memory_space<vmem>>)
        tpu.yield
      }) : () -> ()
      %dma_start3A = arith.constant 0 : i32
      %dma_start3A_18 = arith.constant 0 : i32
      %dma_start3A_19 = tpu.memref_slice %arg7[%dma_start3A, %dma_start3A_18] : memref<128x128xi32, #tpu.memory_space<vmem>> -> memref<1x128xi32, #tpu.memory_space<vmem>>
      %dma_start3A_20 = tpu.memref_squeeze %dma_start3A_19 : memref<1x128xi32, #tpu.memory_space<vmem>> -> memref<128xi32, #tpu.memory_space<vmem>>
      %dma_start3A_21 = arith.constant 0 : i32
      %dma_start3A_22 = arith.constant 0 : i32
      %dma_start3A_23 = tpu.memref_slice %arg4[%dma_start3A_21, %dma_start3A_22] : memref<10000x128xf32, #tpu.memory_space<hbm>> -> memref<10000x128xf32, #tpu.memory_space<hbm>>
      tpu.enqueue_indirect_dma source(%dma_start3A_23 : memref<10000x128xf32, #tpu.memory_space<hbm>>) target(%arg10 : memref<128x128xf32, #tpu.memory_space<vmem>>) offsets(%dma_start3A_20 : memref<128xi32, #tpu.memory_space<vmem>>) semaphore(%arg13 : memref<!tpu.dma_semaphore, #tpu.memory_space<semaphore_mem>>)
      %dma_start3A_24 = arith.constant 0 : i32
      %dma_start3A_25 = tpu.memref_slice %arg3[%add3A_17, %dma_start3A_24] : memref<2560x128xi32, #tpu.memory_space<hbm>> -> memref<1x128xi32, #tpu.memory_space<hbm>>
      %dma_start3A_26 = tpu.memref_squeeze %dma_start3A_25 : memref<1x128xi32, #tpu.memory_space<hbm>> -> memref<128xi32, #tpu.memory_space<hbm>>
      %dma_start3A_27 = arith.constant 0 : i32
      %dma_start3A_28 = tpu.memref_slice %arg3[%add3A_17, %dma_start3A_27] : memref<2560x128xi32, #tpu.memory_space<hbm>> -> memref<1x128xi32, #tpu.memory_space<hbm>>
      %dma_start3A_29 = tpu.memref_squeeze %dma_start3A_28 : memref<1x128xi32, #tpu.memory_space<hbm>> -> memref<128xi32, #tpu.memory_space<hbm>>
      tpu.enqueue_dma source(%dma_start3A_29 : memref<128xi32, #tpu.memory_space<hbm>>) target(%arg8 : memref<128xi32, #tpu.memory_space<vmem>>) target_semaphore(%arg15 : memref<!tpu.dma_semaphore, #tpu.memory_space<semaphore_mem>>)
      %scan3A = arith.constant 0 : i32
      %scan3A_30 = arith.constant 0 : i32
      %scan3A_31 = arith.constant 16 : i32
      %scan3A_32 = arith.addi %scan3A_30, %scan3A_31 : i32
      %scan3A_33 = arith.constant 1 : i32
      scf.for %scan3A_35 = %scan3A_30 to %scan3A_32 step %scan3A_33  : i32 {
        %mul3A_36 = arith.constant 2 : i32
        %mul3A_37 = arith.muli %mul3A_36, %scan3A_35 : i32
        %dma_wait3A = arith.constant 0 : i32
        %dma_wait3A_38 = tpu.memref_slice %arg7[%mul3A_37, %dma_wait3A] : memref<128x128xi32, #tpu.memory_space<vmem>> -> memref<1x128xi32, #tpu.memory_space<vmem>>
        %dma_wait3A_39 = tpu.memref_squeeze %dma_wait3A_38 : memref<1x128xi32, #tpu.memory_space<vmem>> -> memref<128xi32, #tpu.memory_space<vmem>>
        %dma_wait3A_40 = arith.constant 0 : i32
        %dma_wait3A_41 = arith.constant 0 : i32
        %dma_wait3A_42 = tpu.memref_slice %arg4[%dma_wait3A_40, %dma_wait3A_41] : memref<10000x128xf32, #tpu.memory_space<hbm>> -> memref<10000x128xf32, #tpu.memory_space<hbm>>
        tpu.wait_indirect_dma semaphore(%arg13 : memref<!tpu.dma_semaphore, #tpu.memory_space<semaphore_mem>>) src(%dma_wait3A_42 : memref<10000x128xf32, #tpu.memory_space<hbm>>) dst(%arg10 : memref<128x128xf32, #tpu.memory_space<vmem>>)
        %add3A_43 = arith.addi %add3A_17, %mul3A_37 : i32
        %dma_wait3A_44 = arith.constant 0 : i32
        %dma_wait3A_45 = tpu.memref_slice %arg3[%add3A_43, %dma_wait3A_44] : memref<2560x128xi32, #tpu.memory_space<hbm>> -> memref<1x128xi32, #tpu.memory_space<hbm>>
        %dma_wait3A_46 = tpu.memref_squeeze %dma_wait3A_45 : memref<1x128xi32, #tpu.memory_space<hbm>> -> memref<128xi32, #tpu.memory_space<hbm>>
        %dma_wait3A_47 = arith.constant 0 : i32
        %dma_wait3A_48 = tpu.memref_slice %arg3[%add3A_43, %dma_wait3A_47] : memref<2560x128xi32, #tpu.memory_space<hbm>> -> memref<1x128xi32, #tpu.memory_space<hbm>>
        %dma_wait3A_49 = tpu.memref_squeeze %dma_wait3A_48 : memref<1x128xi32, #tpu.memory_space<hbm>> -> memref<128xi32, #tpu.memory_space<hbm>>
        tpu.wait_dma2 semaphore(%arg15 : memref<!tpu.dma_semaphore, #tpu.memory_space<semaphore_mem>>) src(%dma_wait3A_49 : memref<128xi32, #tpu.memory_space<hbm>>) dst(%arg8 : memref<128xi32, #tpu.memory_space<vmem>>)
        %add3A_50 = arith.constant 1 : i32
        %add3A_51 = arith.addi %mul3A_37, %add3A_50 : i32
        %dma_start3A_52 = arith.constant 0 : i32
        %dma_start3A_53 = tpu.memref_slice %arg7[%add3A_51, %dma_start3A_52] : memref<128x128xi32, #tpu.memory_space<vmem>> -> memref<1x128xi32, #tpu.memory_space<vmem>>
        %dma_start3A_54 = tpu.memref_squeeze %dma_start3A_53 : memref<1x128xi32, #tpu.memory_space<vmem>> -> memref<128xi32, #tpu.memory_space<vmem>>
        %dma_start3A_55 = arith.constant 0 : i32
        %dma_start3A_56 = arith.constant 0 : i32
        %dma_start3A_57 = tpu.memref_slice %arg4[%dma_start3A_55, %dma_start3A_56] : memref<10000x128xf32, #tpu.memory_space<hbm>> -> memref<10000x128xf32, #tpu.memory_space<hbm>>
        tpu.enqueue_indirect_dma source(%dma_start3A_57 : memref<10000x128xf32, #tpu.memory_space<hbm>>) target(%arg11 : memref<128x128xf32, #tpu.memory_space<vmem>>) offsets(%dma_start3A_54 : memref<128xi32, #tpu.memory_space<vmem>>) semaphore(%arg14 : memref<!tpu.dma_semaphore, #tpu.memory_space<semaphore_mem>>)
        %add3A_58 = arith.addi %add3A_17, %mul3A_37 : i32
        %add3A_59 = arith.constant 1 : i32
        %add3A_60 = arith.addi %add3A_58, %add3A_59 : i32
        %dma_start3A_61 = arith.constant 0 : i32
        %dma_start3A_62 = tpu.memref_slice %arg3[%add3A_60, %dma_start3A_61] : memref<2560x128xi32, #tpu.memory_space<hbm>> -> memref<1x128xi32, #tpu.memory_space<hbm>>
        %dma_start3A_63 = tpu.memref_squeeze %dma_start3A_62 : memref<1x128xi32, #tpu.memory_space<hbm>> -> memref<128xi32, #tpu.memory_space<hbm>>
        %dma_start3A_64 = arith.constant 0 : i32
        %dma_start3A_65 = tpu.memref_slice %arg3[%add3A_60, %dma_start3A_64] : memref<2560x128xi32, #tpu.memory_space<hbm>> -> memref<1x128xi32, #tpu.memory_space<hbm>>
        %dma_start3A_66 = tpu.memref_squeeze %dma_start3A_65 : memref<1x128xi32, #tpu.memory_space<hbm>> -> memref<128xi32, #tpu.memory_space<hbm>>
        tpu.enqueue_dma source(%dma_start3A_66 : memref<128xi32, #tpu.memory_space<hbm>>) target(%arg9 : memref<128xi32, #tpu.memory_space<vmem>>) target_semaphore(%arg16 : memref<!tpu.dma_semaphore, #tpu.memory_space<semaphore_mem>>)
        "tpu.region"() ({
          %run_scoped3A = tpu.sem_alloc : memref<!tpu.dma_semaphore, #tpu.memory_space<semaphore_mem>>
          %dma_start3A_90 = arith.constant 0 : i32
          %dma_start3A_91 = arith.constant 0 : i32
          %dma_start3A_92 = tpu.memref_slice %arg12[%dma_start3A_90, %dma_start3A_91] : memref<10112x128xf32, #tpu.memory_space<vmem_shared>> -> memref<10112x128xf32, #tpu.memory_space<vmem_shared>>
          tpu.enqueue_indirect_dma source(%arg10 : memref<128x128xf32, #tpu.memory_space<vmem>>) target(%dma_start3A_92 : memref<10112x128xf32, #tpu.memory_space<vmem_shared>>) offsets(%arg8 : memref<128xi32, #tpu.memory_space<vmem>>) semaphore(%run_scoped3A : memref<!tpu.dma_semaphore, #tpu.memory_space<semaphore_mem>>) {add = true}
          %dma_wait3A_93 = arith.constant 0 : i32
          %dma_wait3A_94 = arith.constant 0 : i32
          %dma_wait3A_95 = tpu.memref_slice %arg12[%dma_wait3A_93, %dma_wait3A_94] : memref<10112x128xf32, #tpu.memory_space<vmem_shared>> -> memref<10112x128xf32, #tpu.memory_space<vmem_shared>>
          tpu.wait_indirect_dma semaphore(%run_scoped3A : memref<!tpu.dma_semaphore, #tpu.memory_space<semaphore_mem>>) src(%arg10 : memref<128x128xf32, #tpu.memory_space<vmem>>) dst(%dma_wait3A_95 : memref<10112x128xf32, #tpu.memory_space<vmem_shared>>)
          tpu.yield
        }) : () -> ()
        %add3A_67 = arith.constant 1 : i32
        %add3A_68 = arith.addi %mul3A_37, %add3A_67 : i32
        %dma_wait3A_69 = arith.constant 0 : i32
        %dma_wait3A_70 = tpu.memref_slice %arg7[%add3A_68, %dma_wait3A_69] : memref<128x128xi32, #tpu.memory_space<vmem>> -> memref<1x128xi32, #tpu.memory_space<vmem>>
        %dma_wait3A_71 = tpu.memref_squeeze %dma_wait3A_70 : memref<1x128xi32, #tpu.memory_space<vmem>> -> memref<128xi32, #tpu.memory_space<vmem>>
        %dma_wait3A_72 = arith.constant 0 : i32
        %dma_wait3A_73 = arith.constant 0 : i32
        %dma_wait3A_74 = tpu.memref_slice %arg4[%dma_wait3A_72, %dma_wait3A_73] : memref<10000x128xf32, #tpu.memory_space<hbm>> -> memref<10000x128xf32, #tpu.memory_space<hbm>>
        tpu.wait_indirect_dma semaphore(%arg14 : memref<!tpu.dma_semaphore, #tpu.memory_space<semaphore_mem>>) src(%dma_wait3A_74 : memref<10000x128xf32, #tpu.memory_space<hbm>>) dst(%arg11 : memref<128x128xf32, #tpu.memory_space<vmem>>)
        %add3A_75 = arith.addi %add3A_17, %mul3A_37 : i32
        %add3A_76 = arith.constant 1 : i32
        %add3A_77 = arith.addi %add3A_75, %add3A_76 : i32
        %dma_wait3A_78 = arith.constant 0 : i32
        %dma_wait3A_79 = tpu.memref_slice %arg3[%add3A_77, %dma_wait3A_78] : memref<2560x128xi32, #tpu.memory_space<hbm>> -> memref<1x128xi32, #tpu.memory_space<hbm>>
        %dma_wait3A_80 = tpu.memref_squeeze %dma_wait3A_79 : memref<1x128xi32, #tpu.memory_space<hbm>> -> memref<128xi32, #tpu.memory_space<hbm>>
        %dma_wait3A_81 = arith.constant 0 : i32
        %dma_wait3A_82 = tpu.memref_slice %arg3[%add3A_77, %dma_wait3A_81] : memref<2560x128xi32, #tpu.memory_space<hbm>> -> memref<1x128xi32, #tpu.memory_space<hbm>>
        %dma_wait3A_83 = tpu.memref_squeeze %dma_wait3A_82 : memref<1x128xi32, #tpu.memory_space<hbm>> -> memref<128xi32, #tpu.memory_space<hbm>>
        tpu.wait_dma2 semaphore(%arg16 : memref<!tpu.dma_semaphore, #tpu.memory_space<semaphore_mem>>) src(%dma_wait3A_83 : memref<128xi32, #tpu.memory_space<hbm>>) dst(%arg9 : memref<128xi32, #tpu.memory_space<vmem>>)
        %add3A_84 = arith.constant 2 : i32
        %add3A_85 = arith.addi %mul3A_37, %add3A_84 : i32
        %lt3A = arith.constant 32 : i32
        %lt3A_86 = arith.cmpi slt, %add3A_85, %lt3A : i32
        %convert_element_type3A_87 = arith.extui %lt3A_86 : i1 to i32
        %cond3A_88 = arith.constant 0 : i32
        %cond3A_89 = arith.cmpi ne, %convert_element_type3A_87, %cond3A_88 : i32
        scf.if %cond3A_89 {
          %add3A_90 = arith.constant 2 : i32
          %add3A_91 = arith.addi %mul3A_37, %add3A_90 : i32
          %dma_start3A_92 = arith.constant 0 : i32
          %dma_start3A_93 = tpu.memref_slice %arg7[%add3A_91, %dma_start3A_92] : memref<128x128xi32, #tpu.memory_space<vmem>> -> memref<1x128xi32, #tpu.memory_space<vmem>>
          %dma_start3A_94 = tpu.memref_squeeze %dma_start3A_93 : memref<1x128xi32, #tpu.memory_space<vmem>> -> memref<128xi32, #tpu.memory_space<vmem>>
          %dma_start3A_95 = arith.constant 0 : i32
          %dma_start3A_96 = arith.constant 0 : i32
          %dma_start3A_97 = tpu.memref_slice %arg4[%dma_start3A_95, %dma_start3A_96] : memref<10000x128xf32, #tpu.memory_space<hbm>> -> memref<10000x128xf32, #tpu.memory_space<hbm>>
          tpu.enqueue_indirect_dma source(%dma_start3A_97 : memref<10000x128xf32, #tpu.memory_space<hbm>>) target(%arg10 : memref<128x128xf32, #tpu.memory_space<vmem>>) offsets(%dma_start3A_94 : memref<128xi32, #tpu.memory_space<vmem>>) semaphore(%arg13 : memref<!tpu.dma_semaphore, #tpu.memory_space<semaphore_mem>>)
          %add3A_98 = arith.addi %add3A_17, %mul3A_37 : i32
          %add3A_99 = arith.constant 2 : i32
          %add3A_100 = arith.addi %add3A_98, %add3A_99 : i32
          %dma_start3A_101 = arith.constant 0 : i32
          %dma_start3A_102 = tpu.memref_slice %arg3[%add3A_100, %dma_start3A_101] : memref<2560x128xi32, #tpu.memory_space<hbm>> -> memref<1x128xi32, #tpu.memory_space<hbm>>
          %dma_start3A_103 = tpu.memref_squeeze %dma_start3A_102 : memref<1x128xi32, #tpu.memory_space<hbm>> -> memref<128xi32, #tpu.memory_space<hbm>>
          %dma_start3A_104 = arith.constant 0 : i32
          %dma_start3A_105 = tpu.memref_slice %arg3[%add3A_100, %dma_start3A_104] : memref<2560x128xi32, #tpu.memory_space<hbm>> -> memref<1x128xi32, #tpu.memory_space<hbm>>
          %dma_start3A_106 = tpu.memref_squeeze %dma_start3A_105 : memref<1x128xi32, #tpu.memory_space<hbm>> -> memref<128xi32, #tpu.memory_space<hbm>>
          tpu.enqueue_dma source(%dma_start3A_106 : memref<128xi32, #tpu.memory_space<hbm>>) target(%arg8 : memref<128xi32, #tpu.memory_space<vmem>>) target_semaphore(%arg15 : memref<!tpu.dma_semaphore, #tpu.memory_space<semaphore_mem>>)
        } else {
        }
        "tpu.region"() ({
          %run_scoped3A = tpu.sem_alloc : memref<!tpu.dma_semaphore, #tpu.memory_space<semaphore_mem>>
          %dma_start3A_90 = arith.constant 0 : i32
          %dma_start3A_91 = arith.constant 0 : i32
          %dma_start3A_92 = tpu.memref_slice %arg12[%dma_start3A_90, %dma_start3A_91] : memref<10112x128xf32, #tpu.memory_space<vmem_shared>> -> memref<10112x128xf32, #tpu.memory_space<vmem_shared>>
          tpu.enqueue_indirect_dma source(%arg11 : memref<128x128xf32, #tpu.memory_space<vmem>>) target(%dma_start3A_92 : memref<10112x128xf32, #tpu.memory_space<vmem_shared>>) offsets(%arg9 : memref<128xi32, #tpu.memory_space<vmem>>) semaphore(%run_scoped3A : memref<!tpu.dma_semaphore, #tpu.memory_space<semaphore_mem>>) {add = true}
          %dma_wait3A_93 = arith.constant 0 : i32
          %dma_wait3A_94 = arith.constant 0 : i32
          %dma_wait3A_95 = tpu.memref_slice %arg12[%dma_wait3A_93, %dma_wait3A_94] : memref<10112x128xf32, #tpu.memory_space<vmem_shared>> -> memref<10112x128xf32, #tpu.memory_space<vmem_shared>>
          tpu.wait_indirect_dma semaphore(%run_scoped3A : memref<!tpu.dma_semaphore, #tpu.memory_space<semaphore_mem>>) src(%arg11 : memref<128x128xf32, #tpu.memory_space<vmem>>) dst(%dma_wait3A_95 : memref<10112x128xf32, #tpu.memory_space<vmem_shared>>)
          tpu.yield
        }) : () -> ()
      }
      %scan3A_34 = arith.constant 16 : i32
    } else {
    }
    %barrier3A_10 = arith.constant 0 : index
    tpu.barrier barrier_id(%barrier3A_10)
    %mul3A_11 = arith.constant 632 : i32
    %mul3A_12 = arith.muli %arg1, %mul3A_11 : i32
    %mul3A_13 = arith.constant 632 : i32
    %mul3A_14 = arith.muli %arg1, %mul3A_13 : i32
    "tpu.region"() ({
      %run_scoped3A = tpu.sem_alloc : memref<!tpu.dma_semaphore, #tpu.memory_space<semaphore_mem>>
      %dma_start3A = arith.constant 0 : i32
      %dma_start3A_15 = tpu.memref_slice %arg6[%arg0, %mul3A_14, %dma_start3A] : memref<2x10112x128xf32, #tpu.memory_space<hbm>> -> memref<1x632x128xf32, #tpu.memory_space<hbm>>
      %dma_start3A_16 = tpu.memref_squeeze %dma_start3A_15 : memref<1x632x128xf32, #tpu.memory_space<hbm>> -> memref<632x128xf32, #tpu.memory_space<hbm>>
      %dma_start3A_17 = arith.constant 0 : i32
      %dma_start3A_18 = tpu.memref_slice %arg12[%mul3A_12, %dma_start3A_17] : memref<10112x128xf32, #tpu.memory_space<vmem_shared>> -> memref<632x128xf32, #tpu.memory_space<vmem_shared>>
      tpu.enqueue_dma source(%dma_start3A_18 : memref<632x128xf32, #tpu.memory_space<vmem_shared>>) target(%dma_start3A_16 : memref<632x128xf32, #tpu.memory_space<hbm>>) target_semaphore(%run_scoped3A : memref<!tpu.dma_semaphore, #tpu.memory_space<semaphore_mem>>)
      %dma_wait3A = arith.constant 0 : i32
      %dma_wait3A_19 = tpu.memref_slice %arg6[%arg0, %mul3A_14, %dma_wait3A] : memref<2x10112x128xf32, #tpu.memory_space<hbm>> -> memref<1x632x128xf32, #tpu.memory_space<hbm>>
      %dma_wait3A_20 = tpu.memref_squeeze %dma_wait3A_19 : memref<1x632x128xf32, #tpu.memory_space<hbm>> -> memref<632x128xf32, #tpu.memory_space<hbm>>
      %dma_wait3A_21 = arith.constant 0 : i32
      %dma_wait3A_22 = tpu.memref_slice %arg12[%mul3A_12, %dma_wait3A_21] : memref<10112x128xf32, #tpu.memory_space<vmem_shared>> -> memref<632x128xf32, #tpu.memory_space<vmem_shared>>
      tpu.wait_dma2 semaphore(%run_scoped3A : memref<!tpu.dma_semaphore, #tpu.memory_space<semaphore_mem>>) src(%dma_wait3A_22 : memref<632x128xf32, #tpu.memory_space<vmem_shared>>) dst(%dma_wait3A_20 : memref<632x128xf32, #tpu.memory_space<hbm>>)
      tpu.yield
    }) : () -> ()
    return
  }
}

#map = affine_map<(d0, d1) -> (0, 0)>
#map1 = affine_map<(d0, d1) -> (0, 0, 0)>
module attributes {stable_mosaic.version = 14 : i64} {
  func.func @_sc_agg_body(%arg0: i32, %arg1: i32, %arg2: memref<2560x128xi32, #tpu.memory_space<hbm>>, %arg3: memref<2560x128xi32, #tpu.memory_space<hbm>>, %arg4: memref<10000x128xf32, #tpu.memory_space<hbm>>, %arg5: memref<10112x128xf32, #tpu.memory_space<hbm>>, %arg6: memref<2x10112x128xf32, #tpu.memory_space<hbm>>, %arg7: memref<128x128xi32, #tpu.memory_space<vmem>>, %arg8: memref<128xi32, #tpu.memory_space<vmem>>, %arg9: memref<128xi32, #tpu.memory_space<vmem>>, %arg10: memref<128x128xf32, #tpu.memory_space<vmem>>, %arg11: memref<128x128xf32, #tpu.memory_space<vmem>>, %arg12: memref<10112x128xf32, #tpu.memory_space<vmem_shared>>, %arg13: memref<!tpu.dma_semaphore, #tpu.memory_space<semaphore_mem>>, %arg14: memref<!tpu.dma_semaphore, #tpu.memory_space<semaphore_mem>>, %arg15: memref<!tpu.dma_semaphore, #tpu.memory_space<semaphore_mem>>, %arg16: memref<!tpu.dma_semaphore, #tpu.memory_space<semaphore_mem>>) attributes {dimension_semantics = [#tpu.dimension_semantics<core_parallel>, #tpu.dimension_semantics<subcore_parallel>], iteration_bounds = array<i64: 2, 16>, scalar_prefetch = 0 : i64, scratch_operands = 10 : i64, tpu.core_type = #tpu.core_type<sc_vector_subcore>, window_params = [{transform_indices = #map}, {transform_indices = #map}, {transform_indices = #map}, {transform_indices = #map}, {transform_indices = #map1}]} {
    %mul3A = arith.constant 632 : i32
    %mul3A_0 = arith.muli %arg1, %mul3A : i32
    %mul3A_1 = arith.constant 632 : i32
    %mul3A_2 = arith.muli %arg1, %mul3A_1 : i32
    "tpu.region"() ({
      %run_scoped3A = tpu.sem_alloc : memref<!tpu.dma_semaphore, #tpu.memory_space<semaphore_mem>>
      %dma_start3A = arith.constant 0 : i32
      %dma_start3A_15 = tpu.memref_slice %arg12[%mul3A_2, %dma_start3A] : memref<10112x128xf32, #tpu.memory_space<vmem_shared>> -> memref<632x128xf32, #tpu.memory_space<vmem_shared>>
      %dma_start3A_16 = arith.constant 0 : i32
      %dma_start3A_17 = tpu.memref_slice %arg5[%mul3A_0, %dma_start3A_16] : memref<10112x128xf32, #tpu.memory_space<hbm>> -> memref<632x128xf32, #tpu.memory_space<hbm>>
      tpu.enqueue_dma source(%dma_start3A_17 : memref<632x128xf32, #tpu.memory_space<hbm>>) target(%dma_start3A_15 : memref<632x128xf32, #tpu.memory_space<vmem_shared>>) target_semaphore(%run_scoped3A : memref<!tpu.dma_semaphore, #tpu.memory_space<semaphore_mem>>)
      %dma_wait3A = arith.constant 0 : i32
      %dma_wait3A_18 = tpu.memref_slice %arg12[%mul3A_2, %dma_wait3A] : memref<10112x128xf32, #tpu.memory_space<vmem_shared>> -> memref<632x128xf32, #tpu.memory_space<vmem_shared>>
      %dma_wait3A_19 = arith.constant 0 : i32
      %dma_wait3A_20 = tpu.memref_slice %arg5[%mul3A_0, %dma_wait3A_19] : memref<10112x128xf32, #tpu.memory_space<hbm>> -> memref<632x128xf32, #tpu.memory_space<hbm>>
      tpu.wait_dma2 semaphore(%run_scoped3A : memref<!tpu.dma_semaphore, #tpu.memory_space<semaphore_mem>>) src(%dma_wait3A_20 : memref<632x128xf32, #tpu.memory_space<hbm>>) dst(%dma_wait3A_18 : memref<632x128xf32, #tpu.memory_space<vmem_shared>>)
      tpu.yield
    }) : () -> ()
    %barrier3A = arith.constant 0 : index
    tpu.barrier barrier_id(%barrier3A)
    %eq3A = arith.constant 0 : i32
    %eq3A_3 = arith.cmpi eq, %arg0, %eq3A : i32
    %convert_element_type3A = arith.extui %eq3A_3 : i1 to i32
    %cond3A = arith.constant 0 : i32
    %cond3A_4 = arith.cmpi ne, %convert_element_type3A, %cond3A : i32
    scf.if %cond3A_4 {
      %mul3A_15 = arith.constant 128 : i32
      %mul3A_16 = arith.muli %arg1, %mul3A_15 : i32
      "tpu.region"() ({
        %run_scoped3A = tpu.sem_alloc : memref<!tpu.dma_semaphore, #tpu.memory_space<semaphore_mem>>
        %dma_start3A_34 = arith.constant 0 : i32
        %dma_start3A_35 = arith.constant 0 : i32
        %dma_start3A_36 = tpu.memref_slice %arg7[%dma_start3A_34, %dma_start3A_35] : memref<128x128xi32, #tpu.memory_space<vmem>> -> memref<128x128xi32, #tpu.memory_space<vmem>>
        %dma_start3A_37 = arith.constant 0 : i32
        %dma_start3A_38 = tpu.memref_slice %arg2[%mul3A_16, %dma_start3A_37] : memref<2560x128xi32, #tpu.memory_space<hbm>> -> memref<128x128xi32, #tpu.memory_space<hbm>>
        %dma_start3A_39 = arith.constant 0 : i32
        %dma_start3A_40 = arith.constant 0 : i32
        %dma_start3A_41 = tpu.memref_slice %arg7[%dma_start3A_39, %dma_start3A_40] : memref<128x128xi32, #tpu.memory_space<vmem>> -> memref<128x128xi32, #tpu.memory_space<vmem>>
        %dma_start3A_42 = arith.constant 0 : i32
        %dma_start3A_43 = tpu.memref_slice %arg2[%mul3A_16, %dma_start3A_42] : memref<2560x128xi32, #tpu.memory_space<hbm>> -> memref<128x128xi32, #tpu.memory_space<hbm>>
        tpu.enqueue_dma source(%dma_start3A_43 : memref<128x128xi32, #tpu.memory_space<hbm>>) target(%dma_start3A_41 : memref<128x128xi32, #tpu.memory_space<vmem>>) target_semaphore(%run_scoped3A : memref<!tpu.dma_semaphore, #tpu.memory_space<semaphore_mem>>)
        %dma_wait3A = arith.constant 0 : i32
        %dma_wait3A_44 = arith.constant 0 : i32
        %dma_wait3A_45 = tpu.memref_slice %arg7[%dma_wait3A, %dma_wait3A_44] : memref<128x128xi32, #tpu.memory_space<vmem>> -> memref<128x128xi32, #tpu.memory_space<vmem>>
        %dma_wait3A_46 = arith.constant 0 : i32
        %dma_wait3A_47 = tpu.memref_slice %arg2[%mul3A_16, %dma_wait3A_46] : memref<2560x128xi32, #tpu.memory_space<hbm>> -> memref<128x128xi32, #tpu.memory_space<hbm>>
        %dma_wait3A_48 = arith.constant 0 : i32
        %dma_wait3A_49 = arith.constant 0 : i32
        %dma_wait3A_50 = tpu.memref_slice %arg7[%dma_wait3A_48, %dma_wait3A_49] : memref<128x128xi32, #tpu.memory_space<vmem>> -> memref<128x128xi32, #tpu.memory_space<vmem>>
        %dma_wait3A_51 = arith.constant 0 : i32
        %dma_wait3A_52 = tpu.memref_slice %arg2[%mul3A_16, %dma_wait3A_51] : memref<2560x128xi32, #tpu.memory_space<hbm>> -> memref<128x128xi32, #tpu.memory_space<hbm>>
        tpu.wait_dma2 semaphore(%run_scoped3A : memref<!tpu.dma_semaphore, #tpu.memory_space<semaphore_mem>>) src(%dma_wait3A_52 : memref<128x128xi32, #tpu.memory_space<hbm>>) dst(%dma_wait3A_50 : memref<128x128xi32, #tpu.memory_space<vmem>>)
        tpu.yield
      }) : () -> ()
      %dma_start3A = arith.constant 0 : i32
      %dma_start3A_17 = arith.constant 0 : i32
      %dma_start3A_18 = tpu.memref_slice %arg7[%dma_start3A, %dma_start3A_17] : memref<128x128xi32, #tpu.memory_space<vmem>> -> memref<1x128xi32, #tpu.memory_space<vmem>>
      %dma_start3A_19 = tpu.memref_squeeze %dma_start3A_18 : memref<1x128xi32, #tpu.memory_space<vmem>> -> memref<128xi32, #tpu.memory_space<vmem>>
      %dma_start3A_20 = arith.constant 0 : i32
      %dma_start3A_21 = arith.constant 0 : i32
      %dma_start3A_22 = tpu.memref_slice %arg4[%dma_start3A_20, %dma_start3A_21] : memref<10000x128xf32, #tpu.memory_space<hbm>> -> memref<10000x128xf32, #tpu.memory_space<hbm>>
      tpu.enqueue_indirect_dma source(%dma_start3A_22 : memref<10000x128xf32, #tpu.memory_space<hbm>>) target(%arg10 : memref<128x128xf32, #tpu.memory_space<vmem>>) offsets(%dma_start3A_19 : memref<128xi32, #tpu.memory_space<vmem>>) semaphore(%arg13 : memref<!tpu.dma_semaphore, #tpu.memory_space<semaphore_mem>>)
      %dma_start3A_23 = arith.constant 0 : i32
      %dma_start3A_24 = tpu.memref_slice %arg3[%mul3A_16, %dma_start3A_23] : memref<2560x128xi32, #tpu.memory_space<hbm>> -> memref<1x128xi32, #tpu.memory_space<hbm>>
      %dma_start3A_25 = tpu.memref_squeeze %dma_start3A_24 : memref<1x128xi32, #tpu.memory_space<hbm>> -> memref<128xi32, #tpu.memory_space<hbm>>
      %dma_start3A_26 = arith.constant 0 : i32
      %dma_start3A_27 = tpu.memref_slice %arg3[%mul3A_16, %dma_start3A_26] : memref<2560x128xi32, #tpu.memory_space<hbm>> -> memref<1x128xi32, #tpu.memory_space<hbm>>
      %dma_start3A_28 = tpu.memref_squeeze %dma_start3A_27 : memref<1x128xi32, #tpu.memory_space<hbm>> -> memref<128xi32, #tpu.memory_space<hbm>>
      tpu.enqueue_dma source(%dma_start3A_28 : memref<128xi32, #tpu.memory_space<hbm>>) target(%arg8 : memref<128xi32, #tpu.memory_space<vmem>>) target_semaphore(%arg15 : memref<!tpu.dma_semaphore, #tpu.memory_space<semaphore_mem>>)
      %scan3A = arith.constant 0 : i32
      %scan3A_29 = arith.constant 0 : i32
      %scan3A_30 = arith.constant 64 : i32
      %scan3A_31 = arith.addi %scan3A_29, %scan3A_30 : i32
      %scan3A_32 = arith.constant 1 : i32
      scf.for %scan3A_34 = %scan3A_29 to %scan3A_31 step %scan3A_32  : i32 {
        %mul3A_35 = arith.constant 2 : i32
        %mul3A_36 = arith.muli %mul3A_35, %scan3A_34 : i32
        %dma_wait3A = arith.constant 0 : i32
        %dma_wait3A_37 = tpu.memref_slice %arg7[%mul3A_36, %dma_wait3A] : memref<128x128xi32, #tpu.memory_space<vmem>> -> memref<1x128xi32, #tpu.memory_space<vmem>>
        %dma_wait3A_38 = tpu.memref_squeeze %dma_wait3A_37 : memref<1x128xi32, #tpu.memory_space<vmem>> -> memref<128xi32, #tpu.memory_space<vmem>>
        %dma_wait3A_39 = arith.constant 0 : i32
        %dma_wait3A_40 = arith.constant 0 : i32
        %dma_wait3A_41 = tpu.memref_slice %arg4[%dma_wait3A_39, %dma_wait3A_40] : memref<10000x128xf32, #tpu.memory_space<hbm>> -> memref<10000x128xf32, #tpu.memory_space<hbm>>
        tpu.wait_indirect_dma semaphore(%arg13 : memref<!tpu.dma_semaphore, #tpu.memory_space<semaphore_mem>>) src(%dma_wait3A_41 : memref<10000x128xf32, #tpu.memory_space<hbm>>) dst(%arg10 : memref<128x128xf32, #tpu.memory_space<vmem>>)
        %add3A = arith.addi %mul3A_16, %mul3A_36 : i32
        %dma_wait3A_42 = arith.constant 0 : i32
        %dma_wait3A_43 = tpu.memref_slice %arg3[%add3A, %dma_wait3A_42] : memref<2560x128xi32, #tpu.memory_space<hbm>> -> memref<1x128xi32, #tpu.memory_space<hbm>>
        %dma_wait3A_44 = tpu.memref_squeeze %dma_wait3A_43 : memref<1x128xi32, #tpu.memory_space<hbm>> -> memref<128xi32, #tpu.memory_space<hbm>>
        %dma_wait3A_45 = arith.constant 0 : i32
        %dma_wait3A_46 = tpu.memref_slice %arg3[%add3A, %dma_wait3A_45] : memref<2560x128xi32, #tpu.memory_space<hbm>> -> memref<1x128xi32, #tpu.memory_space<hbm>>
        %dma_wait3A_47 = tpu.memref_squeeze %dma_wait3A_46 : memref<1x128xi32, #tpu.memory_space<hbm>> -> memref<128xi32, #tpu.memory_space<hbm>>
        tpu.wait_dma2 semaphore(%arg15 : memref<!tpu.dma_semaphore, #tpu.memory_space<semaphore_mem>>) src(%dma_wait3A_47 : memref<128xi32, #tpu.memory_space<hbm>>) dst(%arg8 : memref<128xi32, #tpu.memory_space<vmem>>)
        %add3A_48 = arith.constant 1 : i32
        %add3A_49 = arith.addi %mul3A_36, %add3A_48 : i32
        %dma_start3A_50 = arith.constant 0 : i32
        %dma_start3A_51 = tpu.memref_slice %arg7[%add3A_49, %dma_start3A_50] : memref<128x128xi32, #tpu.memory_space<vmem>> -> memref<1x128xi32, #tpu.memory_space<vmem>>
        %dma_start3A_52 = tpu.memref_squeeze %dma_start3A_51 : memref<1x128xi32, #tpu.memory_space<vmem>> -> memref<128xi32, #tpu.memory_space<vmem>>
        %dma_start3A_53 = arith.constant 0 : i32
        %dma_start3A_54 = arith.constant 0 : i32
        %dma_start3A_55 = tpu.memref_slice %arg4[%dma_start3A_53, %dma_start3A_54] : memref<10000x128xf32, #tpu.memory_space<hbm>> -> memref<10000x128xf32, #tpu.memory_space<hbm>>
        tpu.enqueue_indirect_dma source(%dma_start3A_55 : memref<10000x128xf32, #tpu.memory_space<hbm>>) target(%arg11 : memref<128x128xf32, #tpu.memory_space<vmem>>) offsets(%dma_start3A_52 : memref<128xi32, #tpu.memory_space<vmem>>) semaphore(%arg14 : memref<!tpu.dma_semaphore, #tpu.memory_space<semaphore_mem>>)
        %add3A_56 = arith.addi %mul3A_16, %mul3A_36 : i32
        %add3A_57 = arith.constant 1 : i32
        %add3A_58 = arith.addi %add3A_56, %add3A_57 : i32
        %dma_start3A_59 = arith.constant 0 : i32
        %dma_start3A_60 = tpu.memref_slice %arg3[%add3A_58, %dma_start3A_59] : memref<2560x128xi32, #tpu.memory_space<hbm>> -> memref<1x128xi32, #tpu.memory_space<hbm>>
        %dma_start3A_61 = tpu.memref_squeeze %dma_start3A_60 : memref<1x128xi32, #tpu.memory_space<hbm>> -> memref<128xi32, #tpu.memory_space<hbm>>
        %dma_start3A_62 = arith.constant 0 : i32
        %dma_start3A_63 = tpu.memref_slice %arg3[%add3A_58, %dma_start3A_62] : memref<2560x128xi32, #tpu.memory_space<hbm>> -> memref<1x128xi32, #tpu.memory_space<hbm>>
        %dma_start3A_64 = tpu.memref_squeeze %dma_start3A_63 : memref<1x128xi32, #tpu.memory_space<hbm>> -> memref<128xi32, #tpu.memory_space<hbm>>
        tpu.enqueue_dma source(%dma_start3A_64 : memref<128xi32, #tpu.memory_space<hbm>>) target(%arg9 : memref<128xi32, #tpu.memory_space<vmem>>) target_semaphore(%arg16 : memref<!tpu.dma_semaphore, #tpu.memory_space<semaphore_mem>>)
        "tpu.region"() ({
          %run_scoped3A = tpu.sem_alloc : memref<!tpu.dma_semaphore, #tpu.memory_space<semaphore_mem>>
          %dma_start3A_88 = arith.constant 0 : i32
          %dma_start3A_89 = arith.constant 0 : i32
          %dma_start3A_90 = tpu.memref_slice %arg12[%dma_start3A_88, %dma_start3A_89] : memref<10112x128xf32, #tpu.memory_space<vmem_shared>> -> memref<10112x128xf32, #tpu.memory_space<vmem_shared>>
          tpu.enqueue_indirect_dma source(%arg10 : memref<128x128xf32, #tpu.memory_space<vmem>>) target(%dma_start3A_90 : memref<10112x128xf32, #tpu.memory_space<vmem_shared>>) offsets(%arg8 : memref<128xi32, #tpu.memory_space<vmem>>) semaphore(%run_scoped3A : memref<!tpu.dma_semaphore, #tpu.memory_space<semaphore_mem>>) {add = true}
          %dma_wait3A_91 = arith.constant 0 : i32
          %dma_wait3A_92 = arith.constant 0 : i32
          %dma_wait3A_93 = tpu.memref_slice %arg12[%dma_wait3A_91, %dma_wait3A_92] : memref<10112x128xf32, #tpu.memory_space<vmem_shared>> -> memref<10112x128xf32, #tpu.memory_space<vmem_shared>>
          tpu.wait_indirect_dma semaphore(%run_scoped3A : memref<!tpu.dma_semaphore, #tpu.memory_space<semaphore_mem>>) src(%arg10 : memref<128x128xf32, #tpu.memory_space<vmem>>) dst(%dma_wait3A_93 : memref<10112x128xf32, #tpu.memory_space<vmem_shared>>)
          tpu.yield
        }) : () -> ()
        %add3A_65 = arith.constant 1 : i32
        %add3A_66 = arith.addi %mul3A_36, %add3A_65 : i32
        %dma_wait3A_67 = arith.constant 0 : i32
        %dma_wait3A_68 = tpu.memref_slice %arg7[%add3A_66, %dma_wait3A_67] : memref<128x128xi32, #tpu.memory_space<vmem>> -> memref<1x128xi32, #tpu.memory_space<vmem>>
        %dma_wait3A_69 = tpu.memref_squeeze %dma_wait3A_68 : memref<1x128xi32, #tpu.memory_space<vmem>> -> memref<128xi32, #tpu.memory_space<vmem>>
        %dma_wait3A_70 = arith.constant 0 : i32
        %dma_wait3A_71 = arith.constant 0 : i32
        %dma_wait3A_72 = tpu.memref_slice %arg4[%dma_wait3A_70, %dma_wait3A_71] : memref<10000x128xf32, #tpu.memory_space<hbm>> -> memref<10000x128xf32, #tpu.memory_space<hbm>>
        tpu.wait_indirect_dma semaphore(%arg14 : memref<!tpu.dma_semaphore, #tpu.memory_space<semaphore_mem>>) src(%dma_wait3A_72 : memref<10000x128xf32, #tpu.memory_space<hbm>>) dst(%arg11 : memref<128x128xf32, #tpu.memory_space<vmem>>)
        %add3A_73 = arith.addi %mul3A_16, %mul3A_36 : i32
        %add3A_74 = arith.constant 1 : i32
        %add3A_75 = arith.addi %add3A_73, %add3A_74 : i32
        %dma_wait3A_76 = arith.constant 0 : i32
        %dma_wait3A_77 = tpu.memref_slice %arg3[%add3A_75, %dma_wait3A_76] : memref<2560x128xi32, #tpu.memory_space<hbm>> -> memref<1x128xi32, #tpu.memory_space<hbm>>
        %dma_wait3A_78 = tpu.memref_squeeze %dma_wait3A_77 : memref<1x128xi32, #tpu.memory_space<hbm>> -> memref<128xi32, #tpu.memory_space<hbm>>
        %dma_wait3A_79 = arith.constant 0 : i32
        %dma_wait3A_80 = tpu.memref_slice %arg3[%add3A_75, %dma_wait3A_79] : memref<2560x128xi32, #tpu.memory_space<hbm>> -> memref<1x128xi32, #tpu.memory_space<hbm>>
        %dma_wait3A_81 = tpu.memref_squeeze %dma_wait3A_80 : memref<1x128xi32, #tpu.memory_space<hbm>> -> memref<128xi32, #tpu.memory_space<hbm>>
        tpu.wait_dma2 semaphore(%arg16 : memref<!tpu.dma_semaphore, #tpu.memory_space<semaphore_mem>>) src(%dma_wait3A_81 : memref<128xi32, #tpu.memory_space<hbm>>) dst(%arg9 : memref<128xi32, #tpu.memory_space<vmem>>)
        %add3A_82 = arith.constant 2 : i32
        %add3A_83 = arith.addi %mul3A_36, %add3A_82 : i32
        %lt3A = arith.constant 128 : i32
        %lt3A_84 = arith.cmpi slt, %add3A_83, %lt3A : i32
        %convert_element_type3A_85 = arith.extui %lt3A_84 : i1 to i32
        %cond3A_86 = arith.constant 0 : i32
        %cond3A_87 = arith.cmpi ne, %convert_element_type3A_85, %cond3A_86 : i32
        scf.if %cond3A_87 {
          %add3A_88 = arith.constant 2 : i32
          %add3A_89 = arith.addi %mul3A_36, %add3A_88 : i32
          %dma_start3A_90 = arith.constant 0 : i32
          %dma_start3A_91 = tpu.memref_slice %arg7[%add3A_89, %dma_start3A_90] : memref<128x128xi32, #tpu.memory_space<vmem>> -> memref<1x128xi32, #tpu.memory_space<vmem>>
          %dma_start3A_92 = tpu.memref_squeeze %dma_start3A_91 : memref<1x128xi32, #tpu.memory_space<vmem>> -> memref<128xi32, #tpu.memory_space<vmem>>
          %dma_start3A_93 = arith.constant 0 : i32
          %dma_start3A_94 = arith.constant 0 : i32
          %dma_start3A_95 = tpu.memref_slice %arg4[%dma_start3A_93, %dma_start3A_94] : memref<10000x128xf32, #tpu.memory_space<hbm>> -> memref<10000x128xf32, #tpu.memory_space<hbm>>
          tpu.enqueue_indirect_dma source(%dma_start3A_95 : memref<10000x128xf32, #tpu.memory_space<hbm>>) target(%arg10 : memref<128x128xf32, #tpu.memory_space<vmem>>) offsets(%dma_start3A_92 : memref<128xi32, #tpu.memory_space<vmem>>) semaphore(%arg13 : memref<!tpu.dma_semaphore, #tpu.memory_space<semaphore_mem>>)
          %add3A_96 = arith.addi %mul3A_16, %mul3A_36 : i32
          %add3A_97 = arith.constant 2 : i32
          %add3A_98 = arith.addi %add3A_96, %add3A_97 : i32
          %dma_start3A_99 = arith.constant 0 : i32
          %dma_start3A_100 = tpu.memref_slice %arg3[%add3A_98, %dma_start3A_99] : memref<2560x128xi32, #tpu.memory_space<hbm>> -> memref<1x128xi32, #tpu.memory_space<hbm>>
          %dma_start3A_101 = tpu.memref_squeeze %dma_start3A_100 : memref<1x128xi32, #tpu.memory_space<hbm>> -> memref<128xi32, #tpu.memory_space<hbm>>
          %dma_start3A_102 = arith.constant 0 : i32
          %dma_start3A_103 = tpu.memref_slice %arg3[%add3A_98, %dma_start3A_102] : memref<2560x128xi32, #tpu.memory_space<hbm>> -> memref<1x128xi32, #tpu.memory_space<hbm>>
          %dma_start3A_104 = tpu.memref_squeeze %dma_start3A_103 : memref<1x128xi32, #tpu.memory_space<hbm>> -> memref<128xi32, #tpu.memory_space<hbm>>
          tpu.enqueue_dma source(%dma_start3A_104 : memref<128xi32, #tpu.memory_space<hbm>>) target(%arg8 : memref<128xi32, #tpu.memory_space<vmem>>) target_semaphore(%arg15 : memref<!tpu.dma_semaphore, #tpu.memory_space<semaphore_mem>>)
        } else {
        }
        "tpu.region"() ({
          %run_scoped3A = tpu.sem_alloc : memref<!tpu.dma_semaphore, #tpu.memory_space<semaphore_mem>>
          %dma_start3A_88 = arith.constant 0 : i32
          %dma_start3A_89 = arith.constant 0 : i32
          %dma_start3A_90 = tpu.memref_slice %arg12[%dma_start3A_88, %dma_start3A_89] : memref<10112x128xf32, #tpu.memory_space<vmem_shared>> -> memref<10112x128xf32, #tpu.memory_space<vmem_shared>>
          tpu.enqueue_indirect_dma source(%arg11 : memref<128x128xf32, #tpu.memory_space<vmem>>) target(%dma_start3A_90 : memref<10112x128xf32, #tpu.memory_space<vmem_shared>>) offsets(%arg9 : memref<128xi32, #tpu.memory_space<vmem>>) semaphore(%run_scoped3A : memref<!tpu.dma_semaphore, #tpu.memory_space<semaphore_mem>>) {add = true}
          %dma_wait3A_91 = arith.constant 0 : i32
          %dma_wait3A_92 = arith.constant 0 : i32
          %dma_wait3A_93 = tpu.memref_slice %arg12[%dma_wait3A_91, %dma_wait3A_92] : memref<10112x128xf32, #tpu.memory_space<vmem_shared>> -> memref<10112x128xf32, #tpu.memory_space<vmem_shared>>
          tpu.wait_indirect_dma semaphore(%run_scoped3A : memref<!tpu.dma_semaphore, #tpu.memory_space<semaphore_mem>>) src(%arg11 : memref<128x128xf32, #tpu.memory_space<vmem>>) dst(%dma_wait3A_93 : memref<10112x128xf32, #tpu.memory_space<vmem_shared>>)
          tpu.yield
        }) : () -> ()
      }
      %scan3A_33 = arith.constant 64 : i32
    } else {
    }
    %eq3A_5 = arith.constant 1 : i32
    %eq3A_6 = arith.cmpi eq, %arg0, %eq3A_5 : i32
    %convert_element_type3A_7 = arith.extui %eq3A_6 : i1 to i32
    %cond3A_8 = arith.constant 0 : i32
    %cond3A_9 = arith.cmpi ne, %convert_element_type3A_7, %cond3A_8 : i32
    scf.if %cond3A_9 {
      %mul3A_15 = arith.constant 32 : i32
      %mul3A_16 = arith.muli %arg1, %mul3A_15 : i32
      %add3A = arith.constant 2048 : i32
      %add3A_17 = arith.addi %add3A, %mul3A_16 : i32
      "tpu.region"() ({
        %run_scoped3A = tpu.sem_alloc : memref<!tpu.dma_semaphore, #tpu.memory_space<semaphore_mem>>
        %dma_start3A_35 = arith.constant 0 : i32
        %dma_start3A_36 = arith.constant 0 : i32
        %dma_start3A_37 = tpu.memref_slice %arg7[%dma_start3A_35, %dma_start3A_36] : memref<128x128xi32, #tpu.memory_space<vmem>> -> memref<32x128xi32, #tpu.memory_space<vmem>>
        %dma_start3A_38 = arith.constant 0 : i32
        %dma_start3A_39 = tpu.memref_slice %arg2[%add3A_17, %dma_start3A_38] : memref<2560x128xi32, #tpu.memory_space<hbm>> -> memref<32x128xi32, #tpu.memory_space<hbm>>
        %dma_start3A_40 = arith.constant 0 : i32
        %dma_start3A_41 = arith.constant 0 : i32
        %dma_start3A_42 = tpu.memref_slice %arg7[%dma_start3A_40, %dma_start3A_41] : memref<128x128xi32, #tpu.memory_space<vmem>> -> memref<32x128xi32, #tpu.memory_space<vmem>>
        %dma_start3A_43 = arith.constant 0 : i32
        %dma_start3A_44 = tpu.memref_slice %arg2[%add3A_17, %dma_start3A_43] : memref<2560x128xi32, #tpu.memory_space<hbm>> -> memref<32x128xi32, #tpu.memory_space<hbm>>
        tpu.enqueue_dma source(%dma_start3A_44 : memref<32x128xi32, #tpu.memory_space<hbm>>) target(%dma_start3A_42 : memref<32x128xi32, #tpu.memory_space<vmem>>) target_semaphore(%run_scoped3A : memref<!tpu.dma_semaphore, #tpu.memory_space<semaphore_mem>>)
        %dma_wait3A = arith.constant 0 : i32
        %dma_wait3A_45 = arith.constant 0 : i32
        %dma_wait3A_46 = tpu.memref_slice %arg7[%dma_wait3A, %dma_wait3A_45] : memref<128x128xi32, #tpu.memory_space<vmem>> -> memref<32x128xi32, #tpu.memory_space<vmem>>
        %dma_wait3A_47 = arith.constant 0 : i32
        %dma_wait3A_48 = tpu.memref_slice %arg2[%add3A_17, %dma_wait3A_47] : memref<2560x128xi32, #tpu.memory_space<hbm>> -> memref<32x128xi32, #tpu.memory_space<hbm>>
        %dma_wait3A_49 = arith.constant 0 : i32
        %dma_wait3A_50 = arith.constant 0 : i32
        %dma_wait3A_51 = tpu.memref_slice %arg7[%dma_wait3A_49, %dma_wait3A_50] : memref<128x128xi32, #tpu.memory_space<vmem>> -> memref<32x128xi32, #tpu.memory_space<vmem>>
        %dma_wait3A_52 = arith.constant 0 : i32
        %dma_wait3A_53 = tpu.memref_slice %arg2[%add3A_17, %dma_wait3A_52] : memref<2560x128xi32, #tpu.memory_space<hbm>> -> memref<32x128xi32, #tpu.memory_space<hbm>>
        tpu.wait_dma2 semaphore(%run_scoped3A : memref<!tpu.dma_semaphore, #tpu.memory_space<semaphore_mem>>) src(%dma_wait3A_53 : memref<32x128xi32, #tpu.memory_space<hbm>>) dst(%dma_wait3A_51 : memref<32x128xi32, #tpu.memory_space<vmem>>)
        tpu.yield
      }) : () -> ()
      %dma_start3A = arith.constant 0 : i32
      %dma_start3A_18 = arith.constant 0 : i32
      %dma_start3A_19 = tpu.memref_slice %arg7[%dma_start3A, %dma_start3A_18] : memref<128x128xi32, #tpu.memory_space<vmem>> -> memref<1x128xi32, #tpu.memory_space<vmem>>
      %dma_start3A_20 = tpu.memref_squeeze %dma_start3A_19 : memref<1x128xi32, #tpu.memory_space<vmem>> -> memref<128xi32, #tpu.memory_space<vmem>>
      %dma_start3A_21 = arith.constant 0 : i32
      %dma_start3A_22 = arith.constant 0 : i32
      %dma_start3A_23 = tpu.memref_slice %arg4[%dma_start3A_21, %dma_start3A_22] : memref<10000x128xf32, #tpu.memory_space<hbm>> -> memref<10000x128xf32, #tpu.memory_space<hbm>>
      tpu.enqueue_indirect_dma source(%dma_start3A_23 : memref<10000x128xf32, #tpu.memory_space<hbm>>) target(%arg10 : memref<128x128xf32, #tpu.memory_space<vmem>>) offsets(%dma_start3A_20 : memref<128xi32, #tpu.memory_space<vmem>>) semaphore(%arg13 : memref<!tpu.dma_semaphore, #tpu.memory_space<semaphore_mem>>)
      %dma_start3A_24 = arith.constant 0 : i32
      %dma_start3A_25 = tpu.memref_slice %arg3[%add3A_17, %dma_start3A_24] : memref<2560x128xi32, #tpu.memory_space<hbm>> -> memref<1x128xi32, #tpu.memory_space<hbm>>
      %dma_start3A_26 = tpu.memref_squeeze %dma_start3A_25 : memref<1x128xi32, #tpu.memory_space<hbm>> -> memref<128xi32, #tpu.memory_space<hbm>>
      %dma_start3A_27 = arith.constant 0 : i32
      %dma_start3A_28 = tpu.memref_slice %arg3[%add3A_17, %dma_start3A_27] : memref<2560x128xi32, #tpu.memory_space<hbm>> -> memref<1x128xi32, #tpu.memory_space<hbm>>
      %dma_start3A_29 = tpu.memref_squeeze %dma_start3A_28 : memref<1x128xi32, #tpu.memory_space<hbm>> -> memref<128xi32, #tpu.memory_space<hbm>>
      tpu.enqueue_dma source(%dma_start3A_29 : memref<128xi32, #tpu.memory_space<hbm>>) target(%arg8 : memref<128xi32, #tpu.memory_space<vmem>>) target_semaphore(%arg15 : memref<!tpu.dma_semaphore, #tpu.memory_space<semaphore_mem>>)
      %scan3A = arith.constant 0 : i32
      %scan3A_30 = arith.constant 0 : i32
      %scan3A_31 = arith.constant 16 : i32
      %scan3A_32 = arith.addi %scan3A_30, %scan3A_31 : i32
      %scan3A_33 = arith.constant 1 : i32
      scf.for %scan3A_35 = %scan3A_30 to %scan3A_32 step %scan3A_33  : i32 {
        %mul3A_36 = arith.constant 2 : i32
        %mul3A_37 = arith.muli %mul3A_36, %scan3A_35 : i32
        %dma_wait3A = arith.constant 0 : i32
        %dma_wait3A_38 = tpu.memref_slice %arg7[%mul3A_37, %dma_wait3A] : memref<128x128xi32, #tpu.memory_space<vmem>> -> memref<1x128xi32, #tpu.memory_space<vmem>>
        %dma_wait3A_39 = tpu.memref_squeeze %dma_wait3A_38 : memref<1x128xi32, #tpu.memory_space<vmem>> -> memref<128xi32, #tpu.memory_space<vmem>>
        %dma_wait3A_40 = arith.constant 0 : i32
        %dma_wait3A_41 = arith.constant 0 : i32
        %dma_wait3A_42 = tpu.memref_slice %arg4[%dma_wait3A_40, %dma_wait3A_41] : memref<10000x128xf32, #tpu.memory_space<hbm>> -> memref<10000x128xf32, #tpu.memory_space<hbm>>
        tpu.wait_indirect_dma semaphore(%arg13 : memref<!tpu.dma_semaphore, #tpu.memory_space<semaphore_mem>>) src(%dma_wait3A_42 : memref<10000x128xf32, #tpu.memory_space<hbm>>) dst(%arg10 : memref<128x128xf32, #tpu.memory_space<vmem>>)
        %add3A_43 = arith.addi %add3A_17, %mul3A_37 : i32
        %dma_wait3A_44 = arith.constant 0 : i32
        %dma_wait3A_45 = tpu.memref_slice %arg3[%add3A_43, %dma_wait3A_44] : memref<2560x128xi32, #tpu.memory_space<hbm>> -> memref<1x128xi32, #tpu.memory_space<hbm>>
        %dma_wait3A_46 = tpu.memref_squeeze %dma_wait3A_45 : memref<1x128xi32, #tpu.memory_space<hbm>> -> memref<128xi32, #tpu.memory_space<hbm>>
        %dma_wait3A_47 = arith.constant 0 : i32
        %dma_wait3A_48 = tpu.memref_slice %arg3[%add3A_43, %dma_wait3A_47] : memref<2560x128xi32, #tpu.memory_space<hbm>> -> memref<1x128xi32, #tpu.memory_space<hbm>>
        %dma_wait3A_49 = tpu.memref_squeeze %dma_wait3A_48 : memref<1x128xi32, #tpu.memory_space<hbm>> -> memref<128xi32, #tpu.memory_space<hbm>>
        tpu.wait_dma2 semaphore(%arg15 : memref<!tpu.dma_semaphore, #tpu.memory_space<semaphore_mem>>) src(%dma_wait3A_49 : memref<128xi32, #tpu.memory_space<hbm>>) dst(%arg8 : memref<128xi32, #tpu.memory_space<vmem>>)
        %add3A_50 = arith.constant 1 : i32
        %add3A_51 = arith.addi %mul3A_37, %add3A_50 : i32
        %dma_start3A_52 = arith.constant 0 : i32
        %dma_start3A_53 = tpu.memref_slice %arg7[%add3A_51, %dma_start3A_52] : memref<128x128xi32, #tpu.memory_space<vmem>> -> memref<1x128xi32, #tpu.memory_space<vmem>>
        %dma_start3A_54 = tpu.memref_squeeze %dma_start3A_53 : memref<1x128xi32, #tpu.memory_space<vmem>> -> memref<128xi32, #tpu.memory_space<vmem>>
        %dma_start3A_55 = arith.constant 0 : i32
        %dma_start3A_56 = arith.constant 0 : i32
        %dma_start3A_57 = tpu.memref_slice %arg4[%dma_start3A_55, %dma_start3A_56] : memref<10000x128xf32, #tpu.memory_space<hbm>> -> memref<10000x128xf32, #tpu.memory_space<hbm>>
        tpu.enqueue_indirect_dma source(%dma_start3A_57 : memref<10000x128xf32, #tpu.memory_space<hbm>>) target(%arg11 : memref<128x128xf32, #tpu.memory_space<vmem>>) offsets(%dma_start3A_54 : memref<128xi32, #tpu.memory_space<vmem>>) semaphore(%arg14 : memref<!tpu.dma_semaphore, #tpu.memory_space<semaphore_mem>>)
        %add3A_58 = arith.addi %add3A_17, %mul3A_37 : i32
        %add3A_59 = arith.constant 1 : i32
        %add3A_60 = arith.addi %add3A_58, %add3A_59 : i32
        %dma_start3A_61 = arith.constant 0 : i32
        %dma_start3A_62 = tpu.memref_slice %arg3[%add3A_60, %dma_start3A_61] : memref<2560x128xi32, #tpu.memory_space<hbm>> -> memref<1x128xi32, #tpu.memory_space<hbm>>
        %dma_start3A_63 = tpu.memref_squeeze %dma_start3A_62 : memref<1x128xi32, #tpu.memory_space<hbm>> -> memref<128xi32, #tpu.memory_space<hbm>>
        %dma_start3A_64 = arith.constant 0 : i32
        %dma_start3A_65 = tpu.memref_slice %arg3[%add3A_60, %dma_start3A_64] : memref<2560x128xi32, #tpu.memory_space<hbm>> -> memref<1x128xi32, #tpu.memory_space<hbm>>
        %dma_start3A_66 = tpu.memref_squeeze %dma_start3A_65 : memref<1x128xi32, #tpu.memory_space<hbm>> -> memref<128xi32, #tpu.memory_space<hbm>>
        tpu.enqueue_dma source(%dma_start3A_66 : memref<128xi32, #tpu.memory_space<hbm>>) target(%arg9 : memref<128xi32, #tpu.memory_space<vmem>>) target_semaphore(%arg16 : memref<!tpu.dma_semaphore, #tpu.memory_space<semaphore_mem>>)
        "tpu.region"() ({
          %run_scoped3A = tpu.sem_alloc : memref<!tpu.dma_semaphore, #tpu.memory_space<semaphore_mem>>
          %dma_start3A_90 = arith.constant 0 : i32
          %dma_start3A_91 = arith.constant 0 : i32
          %dma_start3A_92 = tpu.memref_slice %arg12[%dma_start3A_90, %dma_start3A_91] : memref<10112x128xf32, #tpu.memory_space<vmem_shared>> -> memref<10112x128xf32, #tpu.memory_space<vmem_shared>>
          tpu.enqueue_indirect_dma source(%arg10 : memref<128x128xf32, #tpu.memory_space<vmem>>) target(%dma_start3A_92 : memref<10112x128xf32, #tpu.memory_space<vmem_shared>>) offsets(%arg8 : memref<128xi32, #tpu.memory_space<vmem>>) semaphore(%run_scoped3A : memref<!tpu.dma_semaphore, #tpu.memory_space<semaphore_mem>>) {add = true}
          %dma_wait3A_93 = arith.constant 0 : i32
          %dma_wait3A_94 = arith.constant 0 : i32
          %dma_wait3A_95 = tpu.memref_slice %arg12[%dma_wait3A_93, %dma_wait3A_94] : memref<10112x128xf32, #tpu.memory_space<vmem_shared>> -> memref<10112x128xf32, #tpu.memory_space<vmem_shared>>
          tpu.wait_indirect_dma semaphore(%run_scoped3A : memref<!tpu.dma_semaphore, #tpu.memory_space<semaphore_mem>>) src(%arg10 : memref<128x128xf32, #tpu.memory_space<vmem>>) dst(%dma_wait3A_95 : memref<10112x128xf32, #tpu.memory_space<vmem_shared>>)
          tpu.yield
        }) : () -> ()
        %add3A_67 = arith.constant 1 : i32
        %add3A_68 = arith.addi %mul3A_37, %add3A_67 : i32
        %dma_wait3A_69 = arith.constant 0 : i32
        %dma_wait3A_70 = tpu.memref_slice %arg7[%add3A_68, %dma_wait3A_69] : memref<128x128xi32, #tpu.memory_space<vmem>> -> memref<1x128xi32, #tpu.memory_space<vmem>>
        %dma_wait3A_71 = tpu.memref_squeeze %dma_wait3A_70 : memref<1x128xi32, #tpu.memory_space<vmem>> -> memref<128xi32, #tpu.memory_space<vmem>>
        %dma_wait3A_72 = arith.constant 0 : i32
        %dma_wait3A_73 = arith.constant 0 : i32
        %dma_wait3A_74 = tpu.memref_slice %arg4[%dma_wait3A_72, %dma_wait3A_73] : memref<10000x128xf32, #tpu.memory_space<hbm>> -> memref<10000x128xf32, #tpu.memory_space<hbm>>
        tpu.wait_indirect_dma semaphore(%arg14 : memref<!tpu.dma_semaphore, #tpu.memory_space<semaphore_mem>>) src(%dma_wait3A_74 : memref<10000x128xf32, #tpu.memory_space<hbm>>) dst(%arg11 : memref<128x128xf32, #tpu.memory_space<vmem>>)
        %add3A_75 = arith.addi %add3A_17, %mul3A_37 : i32
        %add3A_76 = arith.constant 1 : i32
        %add3A_77 = arith.addi %add3A_75, %add3A_76 : i32
        %dma_wait3A_78 = arith.constant 0 : i32
        %dma_wait3A_79 = tpu.memref_slice %arg3[%add3A_77, %dma_wait3A_78] : memref<2560x128xi32, #tpu.memory_space<hbm>> -> memref<1x128xi32, #tpu.memory_space<hbm>>
        %dma_wait3A_80 = tpu.memref_squeeze %dma_wait3A_79 : memref<1x128xi32, #tpu.memory_space<hbm>> -> memref<128xi32, #tpu.memory_space<hbm>>
        %dma_wait3A_81 = arith.constant 0 : i32
        %dma_wait3A_82 = tpu.memref_slice %arg3[%add3A_77, %dma_wait3A_81] : memref<2560x128xi32, #tpu.memory_space<hbm>> -> memref<1x128xi32, #tpu.memory_space<hbm>>
        %dma_wait3A_83 = tpu.memref_squeeze %dma_wait3A_82 : memref<1x128xi32, #tpu.memory_space<hbm>> -> memref<128xi32, #tpu.memory_space<hbm>>
        tpu.wait_dma2 semaphore(%arg16 : memref<!tpu.dma_semaphore, #tpu.memory_space<semaphore_mem>>) src(%dma_wait3A_83 : memref<128xi32, #tpu.memory_space<hbm>>) dst(%arg9 : memref<128xi32, #tpu.memory_space<vmem>>)
        %add3A_84 = arith.constant 2 : i32
        %add3A_85 = arith.addi %mul3A_37, %add3A_84 : i32
        %lt3A = arith.constant 32 : i32
        %lt3A_86 = arith.cmpi slt, %add3A_85, %lt3A : i32
        %convert_element_type3A_87 = arith.extui %lt3A_86 : i1 to i32
        %cond3A_88 = arith.constant 0 : i32
        %cond3A_89 = arith.cmpi ne, %convert_element_type3A_87, %cond3A_88 : i32
        scf.if %cond3A_89 {
          %add3A_90 = arith.constant 2 : i32
          %add3A_91 = arith.addi %mul3A_37, %add3A_90 : i32
          %dma_start3A_92 = arith.constant 0 : i32
          %dma_start3A_93 = tpu.memref_slice %arg7[%add3A_91, %dma_start3A_92] : memref<128x128xi32, #tpu.memory_space<vmem>> -> memref<1x128xi32, #tpu.memory_space<vmem>>
          %dma_start3A_94 = tpu.memref_squeeze %dma_start3A_93 : memref<1x128xi32, #tpu.memory_space<vmem>> -> memref<128xi32, #tpu.memory_space<vmem>>
          %dma_start3A_95 = arith.constant 0 : i32
          %dma_start3A_96 = arith.constant 0 : i32
          %dma_start3A_97 = tpu.memref_slice %arg4[%dma_start3A_95, %dma_start3A_96] : memref<10000x128xf32, #tpu.memory_space<hbm>> -> memref<10000x128xf32, #tpu.memory_space<hbm>>
          tpu.enqueue_indirect_dma source(%dma_start3A_97 : memref<10000x128xf32, #tpu.memory_space<hbm>>) target(%arg10 : memref<128x128xf32, #tpu.memory_space<vmem>>) offsets(%dma_start3A_94 : memref<128xi32, #tpu.memory_space<vmem>>) semaphore(%arg13 : memref<!tpu.dma_semaphore, #tpu.memory_space<semaphore_mem>>)
          %add3A_98 = arith.addi %add3A_17, %mul3A_37 : i32
          %add3A_99 = arith.constant 2 : i32
          %add3A_100 = arith.addi %add3A_98, %add3A_99 : i32
          %dma_start3A_101 = arith.constant 0 : i32
          %dma_start3A_102 = tpu.memref_slice %arg3[%add3A_100, %dma_start3A_101] : memref<2560x128xi32, #tpu.memory_space<hbm>> -> memref<1x128xi32, #tpu.memory_space<hbm>>
          %dma_start3A_103 = tpu.memref_squeeze %dma_start3A_102 : memref<1x128xi32, #tpu.memory_space<hbm>> -> memref<128xi32, #tpu.memory_space<hbm>>
          %dma_start3A_104 = arith.constant 0 : i32
          %dma_start3A_105 = tpu.memref_slice %arg3[%add3A_100, %dma_start3A_104] : memref<2560x128xi32, #tpu.memory_space<hbm>> -> memref<1x128xi32, #tpu.memory_space<hbm>>
          %dma_start3A_106 = tpu.memref_squeeze %dma_start3A_105 : memref<1x128xi32, #tpu.memory_space<hbm>> -> memref<128xi32, #tpu.memory_space<hbm>>
          tpu.enqueue_dma source(%dma_start3A_106 : memref<128xi32, #tpu.memory_space<hbm>>) target(%arg8 : memref<128xi32, #tpu.memory_space<vmem>>) target_semaphore(%arg15 : memref<!tpu.dma_semaphore, #tpu.memory_space<semaphore_mem>>)
        } else {
        }
        "tpu.region"() ({
          %run_scoped3A = tpu.sem_alloc : memref<!tpu.dma_semaphore, #tpu.memory_space<semaphore_mem>>
          %dma_start3A_90 = arith.constant 0 : i32
          %dma_start3A_91 = arith.constant 0 : i32
          %dma_start3A_92 = tpu.memref_slice %arg12[%dma_start3A_90, %dma_start3A_91] : memref<10112x128xf32, #tpu.memory_space<vmem_shared>> -> memref<10112x128xf32, #tpu.memory_space<vmem_shared>>
          tpu.enqueue_indirect_dma source(%arg11 : memref<128x128xf32, #tpu.memory_space<vmem>>) target(%dma_start3A_92 : memref<10112x128xf32, #tpu.memory_space<vmem_shared>>) offsets(%arg9 : memref<128xi32, #tpu.memory_space<vmem>>) semaphore(%run_scoped3A : memref<!tpu.dma_semaphore, #tpu.memory_space<semaphore_mem>>) {add = true}
          %dma_wait3A_93 = arith.constant 0 : i32
          %dma_wait3A_94 = arith.constant 0 : i32
          %dma_wait3A_95 = tpu.memref_slice %arg12[%dma_wait3A_93, %dma_wait3A_94] : memref<10112x128xf32, #tpu.memory_space<vmem_shared>> -> memref<10112x128xf32, #tpu.memory_space<vmem_shared>>
          tpu.wait_indirect_dma semaphore(%run_scoped3A : memref<!tpu.dma_semaphore, #tpu.memory_space<semaphore_mem>>) src(%arg11 : memref<128x128xf32, #tpu.memory_space<vmem>>) dst(%dma_wait3A_95 : memref<10112x128xf32, #tpu.memory_space<vmem_shared>>)
          tpu.yield
        }) : () -> ()
      }
      %scan3A_34 = arith.constant 16 : i32
    } else {
    }
    %barrier3A_10 = arith.constant 0 : index
    tpu.barrier barrier_id(%barrier3A_10)
    %mul3A_11 = arith.constant 632 : i32
    %mul3A_12 = arith.muli %arg1, %mul3A_11 : i32
    %mul3A_13 = arith.constant 632 : i32
    %mul3A_14 = arith.muli %arg1, %mul3A_13 : i32
    "tpu.region"() ({
      %run_scoped3A = tpu.sem_alloc : memref<!tpu.dma_semaphore, #tpu.memory_space<semaphore_mem>>
      %dma_start3A = arith.constant 0 : i32
      %dma_start3A_15 = tpu.memref_slice %arg6[%arg0, %mul3A_14, %dma_start3A] : memref<2x10112x128xf32, #tpu.memory_space<hbm>> -> memref<1x632x128xf32, #tpu.memory_space<hbm>>
      %dma_start3A_16 = tpu.memref_squeeze %dma_start3A_15 : memref<1x632x128xf32, #tpu.memory_space<hbm>> -> memref<632x128xf32, #tpu.memory_space<hbm>>
      %dma_start3A_17 = arith.constant 0 : i32
      %dma_start3A_18 = tpu.memref_slice %arg12[%mul3A_12, %dma_start3A_17] : memref<10112x128xf32, #tpu.memory_space<vmem_shared>> -> memref<632x128xf32, #tpu.memory_space<vmem_shared>>
      tpu.enqueue_dma source(%dma_start3A_18 : memref<632x128xf32, #tpu.memory_space<vmem_shared>>) target(%dma_start3A_16 : memref<632x128xf32, #tpu.memory_space<hbm>>) target_semaphore(%run_scoped3A : memref<!tpu.dma_semaphore, #tpu.memory_space<semaphore_mem>>)
      %dma_wait3A = arith.constant 0 : i32
      %dma_wait3A_19 = tpu.memref_slice %arg6[%arg0, %mul3A_14, %dma_wait3A] : memref<2x10112x128xf32, #tpu.memory_space<hbm>> -> memref<1x632x128xf32, #tpu.memory_space<hbm>>
      %dma_wait3A_20 = tpu.memref_squeeze %dma_wait3A_19 : memref<1x632x128xf32, #tpu.memory_space<hbm>> -> memref<632x128xf32, #tpu.memory_space<hbm>>
      %dma_wait3A_21 = arith.constant 0 : i32
      %dma_wait3A_22 = tpu.memref_slice %arg12[%mul3A_12, %dma_wait3A_21] : memref<10112x128xf32, #tpu.memory_space<vmem_shared>> -> memref<632x128xf32, #tpu.memory_space<vmem_shared>>
      tpu.wait_dma2 semaphore(%run_scoped3A : memref<!tpu.dma_semaphore, #tpu.memory_space<semaphore_mem>>) src(%dma_wait3A_22 : memref<632x128xf32, #tpu.memory_space<vmem_shared>>) dst(%dma_wait3A_20 : memref<632x128xf32, #tpu.memory_space<hbm>>)
      tpu.yield
    }) : () -> ()
    return
  }
}

#map = affine_map<(d0, d1) -> (0, 0)>
#map1 = affine_map<(d0, d1) -> (0, 0, 0)>
module attributes {stable_mosaic.version = 14 : i64} {
  func.func @_sc_agg_body(%arg0: i32, %arg1: i32, %arg2: memref<2560x128xi32, #tpu.memory_space<hbm>>, %arg3: memref<2560x128xi32, #tpu.memory_space<hbm>>, %arg4: memref<10000x128xf32, #tpu.memory_space<hbm>>, %arg5: memref<10112x128xf32, #tpu.memory_space<hbm>>, %arg6: memref<2x10112x128xf32, #tpu.memory_space<hbm>>, %arg7: memref<128x128xi32, #tpu.memory_space<vmem>>, %arg8: memref<128xi32, #tpu.memory_space<vmem>>, %arg9: memref<128xi32, #tpu.memory_space<vmem>>, %arg10: memref<128x128xf32, #tpu.memory_space<vmem>>, %arg11: memref<128x128xf32, #tpu.memory_space<vmem>>, %arg12: memref<10112x128xf32, #tpu.memory_space<vmem_shared>>, %arg13: memref<!tpu.dma_semaphore, #tpu.memory_space<semaphore_mem>>, %arg14: memref<!tpu.dma_semaphore, #tpu.memory_space<semaphore_mem>>, %arg15: memref<!tpu.dma_semaphore, #tpu.memory_space<semaphore_mem>>, %arg16: memref<!tpu.dma_semaphore, #tpu.memory_space<semaphore_mem>>) attributes {dimension_semantics = [#tpu.dimension_semantics<core_parallel>, #tpu.dimension_semantics<subcore_parallel>], iteration_bounds = array<i64: 2, 16>, scalar_prefetch = 0 : i64, scratch_operands = 10 : i64, tpu.core_type = #tpu.core_type<sc_vector_subcore>, window_params = [{transform_indices = #map}, {transform_indices = #map}, {transform_indices = #map}, {transform_indices = #map}, {transform_indices = #map1}]} {
    %mul3A = arith.constant 632 : i32
    %mul3A_0 = arith.muli %arg1, %mul3A : i32
    %mul3A_1 = arith.constant 632 : i32
    %mul3A_2 = arith.muli %arg1, %mul3A_1 : i32
    "tpu.region"() ({
      %run_scoped3A = tpu.sem_alloc : memref<!tpu.dma_semaphore, #tpu.memory_space<semaphore_mem>>
      %dma_start3A = arith.constant 0 : i32
      %dma_start3A_15 = tpu.memref_slice %arg12[%mul3A_2, %dma_start3A] : memref<10112x128xf32, #tpu.memory_space<vmem_shared>> -> memref<632x128xf32, #tpu.memory_space<vmem_shared>>
      %dma_start3A_16 = arith.constant 0 : i32
      %dma_start3A_17 = tpu.memref_slice %arg5[%mul3A_0, %dma_start3A_16] : memref<10112x128xf32, #tpu.memory_space<hbm>> -> memref<632x128xf32, #tpu.memory_space<hbm>>
      tpu.enqueue_dma source(%dma_start3A_17 : memref<632x128xf32, #tpu.memory_space<hbm>>) target(%dma_start3A_15 : memref<632x128xf32, #tpu.memory_space<vmem_shared>>) target_semaphore(%run_scoped3A : memref<!tpu.dma_semaphore, #tpu.memory_space<semaphore_mem>>)
      %dma_wait3A = arith.constant 0 : i32
      %dma_wait3A_18 = tpu.memref_slice %arg12[%mul3A_2, %dma_wait3A] : memref<10112x128xf32, #tpu.memory_space<vmem_shared>> -> memref<632x128xf32, #tpu.memory_space<vmem_shared>>
      %dma_wait3A_19 = arith.constant 0 : i32
      %dma_wait3A_20 = tpu.memref_slice %arg5[%mul3A_0, %dma_wait3A_19] : memref<10112x128xf32, #tpu.memory_space<hbm>> -> memref<632x128xf32, #tpu.memory_space<hbm>>
      tpu.wait_dma2 semaphore(%run_scoped3A : memref<!tpu.dma_semaphore, #tpu.memory_space<semaphore_mem>>) src(%dma_wait3A_20 : memref<632x128xf32, #tpu.memory_space<hbm>>) dst(%dma_wait3A_18 : memref<632x128xf32, #tpu.memory_space<vmem_shared>>)
      tpu.yield
    }) : () -> ()
    %barrier3A = arith.constant 0 : index
    tpu.barrier barrier_id(%barrier3A)
    %eq3A = arith.constant 0 : i32
    %eq3A_3 = arith.cmpi eq, %arg0, %eq3A : i32
    %convert_element_type3A = arith.extui %eq3A_3 : i1 to i32
    %cond3A = arith.constant 0 : i32
    %cond3A_4 = arith.cmpi ne, %convert_element_type3A, %cond3A : i32
    scf.if %cond3A_4 {
      %mul3A_15 = arith.constant 128 : i32
      %mul3A_16 = arith.muli %arg1, %mul3A_15 : i32
      "tpu.region"() ({
        %run_scoped3A = tpu.sem_alloc : memref<!tpu.dma_semaphore, #tpu.memory_space<semaphore_mem>>
        %dma_start3A_34 = arith.constant 0 : i32
        %dma_start3A_35 = arith.constant 0 : i32
        %dma_start3A_36 = tpu.memref_slice %arg7[%dma_start3A_34, %dma_start3A_35] : memref<128x128xi32, #tpu.memory_space<vmem>> -> memref<128x128xi32, #tpu.memory_space<vmem>>
        %dma_start3A_37 = arith.constant 0 : i32
        %dma_start3A_38 = tpu.memref_slice %arg2[%mul3A_16, %dma_start3A_37] : memref<2560x128xi32, #tpu.memory_space<hbm>> -> memref<128x128xi32, #tpu.memory_space<hbm>>
        %dma_start3A_39 = arith.constant 0 : i32
        %dma_start3A_40 = arith.constant 0 : i32
        %dma_start3A_41 = tpu.memref_slice %arg7[%dma_start3A_39, %dma_start3A_40] : memref<128x128xi32, #tpu.memory_space<vmem>> -> memref<128x128xi32, #tpu.memory_space<vmem>>
        %dma_start3A_42 = arith.constant 0 : i32
        %dma_start3A_43 = tpu.memref_slice %arg2[%mul3A_16, %dma_start3A_42] : memref<2560x128xi32, #tpu.memory_space<hbm>> -> memref<128x128xi32, #tpu.memory_space<hbm>>
        tpu.enqueue_dma source(%dma_start3A_43 : memref<128x128xi32, #tpu.memory_space<hbm>>) target(%dma_start3A_41 : memref<128x128xi32, #tpu.memory_space<vmem>>) target_semaphore(%run_scoped3A : memref<!tpu.dma_semaphore, #tpu.memory_space<semaphore_mem>>)
        %dma_wait3A = arith.constant 0 : i32
        %dma_wait3A_44 = arith.constant 0 : i32
        %dma_wait3A_45 = tpu.memref_slice %arg7[%dma_wait3A, %dma_wait3A_44] : memref<128x128xi32, #tpu.memory_space<vmem>> -> memref<128x128xi32, #tpu.memory_space<vmem>>
        %dma_wait3A_46 = arith.constant 0 : i32
        %dma_wait3A_47 = tpu.memref_slice %arg2[%mul3A_16, %dma_wait3A_46] : memref<2560x128xi32, #tpu.memory_space<hbm>> -> memref<128x128xi32, #tpu.memory_space<hbm>>
        %dma_wait3A_48 = arith.constant 0 : i32
        %dma_wait3A_49 = arith.constant 0 : i32
        %dma_wait3A_50 = tpu.memref_slice %arg7[%dma_wait3A_48, %dma_wait3A_49] : memref<128x128xi32, #tpu.memory_space<vmem>> -> memref<128x128xi32, #tpu.memory_space<vmem>>
        %dma_wait3A_51 = arith.constant 0 : i32
        %dma_wait3A_52 = tpu.memref_slice %arg2[%mul3A_16, %dma_wait3A_51] : memref<2560x128xi32, #tpu.memory_space<hbm>> -> memref<128x128xi32, #tpu.memory_space<hbm>>
        tpu.wait_dma2 semaphore(%run_scoped3A : memref<!tpu.dma_semaphore, #tpu.memory_space<semaphore_mem>>) src(%dma_wait3A_52 : memref<128x128xi32, #tpu.memory_space<hbm>>) dst(%dma_wait3A_50 : memref<128x128xi32, #tpu.memory_space<vmem>>)
        tpu.yield
      }) : () -> ()
      %dma_start3A = arith.constant 0 : i32
      %dma_start3A_17 = arith.constant 0 : i32
      %dma_start3A_18 = tpu.memref_slice %arg7[%dma_start3A, %dma_start3A_17] : memref<128x128xi32, #tpu.memory_space<vmem>> -> memref<1x128xi32, #tpu.memory_space<vmem>>
      %dma_start3A_19 = tpu.memref_squeeze %dma_start3A_18 : memref<1x128xi32, #tpu.memory_space<vmem>> -> memref<128xi32, #tpu.memory_space<vmem>>
      %dma_start3A_20 = arith.constant 0 : i32
      %dma_start3A_21 = arith.constant 0 : i32
      %dma_start3A_22 = tpu.memref_slice %arg4[%dma_start3A_20, %dma_start3A_21] : memref<10000x128xf32, #tpu.memory_space<hbm>> -> memref<10000x128xf32, #tpu.memory_space<hbm>>
      tpu.enqueue_indirect_dma source(%dma_start3A_22 : memref<10000x128xf32, #tpu.memory_space<hbm>>) target(%arg10 : memref<128x128xf32, #tpu.memory_space<vmem>>) offsets(%dma_start3A_19 : memref<128xi32, #tpu.memory_space<vmem>>) semaphore(%arg13 : memref<!tpu.dma_semaphore, #tpu.memory_space<semaphore_mem>>)
      %dma_start3A_23 = arith.constant 0 : i32
      %dma_start3A_24 = tpu.memref_slice %arg3[%mul3A_16, %dma_start3A_23] : memref<2560x128xi32, #tpu.memory_space<hbm>> -> memref<1x128xi32, #tpu.memory_space<hbm>>
      %dma_start3A_25 = tpu.memref_squeeze %dma_start3A_24 : memref<1x128xi32, #tpu.memory_space<hbm>> -> memref<128xi32, #tpu.memory_space<hbm>>
      %dma_start3A_26 = arith.constant 0 : i32
      %dma_start3A_27 = tpu.memref_slice %arg3[%mul3A_16, %dma_start3A_26] : memref<2560x128xi32, #tpu.memory_space<hbm>> -> memref<1x128xi32, #tpu.memory_space<hbm>>
      %dma_start3A_28 = tpu.memref_squeeze %dma_start3A_27 : memref<1x128xi32, #tpu.memory_space<hbm>> -> memref<128xi32, #tpu.memory_space<hbm>>
      tpu.enqueue_dma source(%dma_start3A_28 : memref<128xi32, #tpu.memory_space<hbm>>) target(%arg8 : memref<128xi32, #tpu.memory_space<vmem>>) target_semaphore(%arg15 : memref<!tpu.dma_semaphore, #tpu.memory_space<semaphore_mem>>)
      %scan3A = arith.constant 0 : i32
      %scan3A_29 = arith.constant 0 : i32
      %scan3A_30 = arith.constant 64 : i32
      %scan3A_31 = arith.addi %scan3A_29, %scan3A_30 : i32
      %scan3A_32 = arith.constant 1 : i32
      scf.for %scan3A_34 = %scan3A_29 to %scan3A_31 step %scan3A_32  : i32 {
        %mul3A_35 = arith.constant 2 : i32
        %mul3A_36 = arith.muli %mul3A_35, %scan3A_34 : i32
        %dma_wait3A = arith.constant 0 : i32
        %dma_wait3A_37 = tpu.memref_slice %arg7[%mul3A_36, %dma_wait3A] : memref<128x128xi32, #tpu.memory_space<vmem>> -> memref<1x128xi32, #tpu.memory_space<vmem>>
        %dma_wait3A_38 = tpu.memref_squeeze %dma_wait3A_37 : memref<1x128xi32, #tpu.memory_space<vmem>> -> memref<128xi32, #tpu.memory_space<vmem>>
        %dma_wait3A_39 = arith.constant 0 : i32
        %dma_wait3A_40 = arith.constant 0 : i32
        %dma_wait3A_41 = tpu.memref_slice %arg4[%dma_wait3A_39, %dma_wait3A_40] : memref<10000x128xf32, #tpu.memory_space<hbm>> -> memref<10000x128xf32, #tpu.memory_space<hbm>>
        tpu.wait_indirect_dma semaphore(%arg13 : memref<!tpu.dma_semaphore, #tpu.memory_space<semaphore_mem>>) src(%dma_wait3A_41 : memref<10000x128xf32, #tpu.memory_space<hbm>>) dst(%arg10 : memref<128x128xf32, #tpu.memory_space<vmem>>)
        %add3A = arith.addi %mul3A_16, %mul3A_36 : i32
        %dma_wait3A_42 = arith.constant 0 : i32
        %dma_wait3A_43 = tpu.memref_slice %arg3[%add3A, %dma_wait3A_42] : memref<2560x128xi32, #tpu.memory_space<hbm>> -> memref<1x128xi32, #tpu.memory_space<hbm>>
        %dma_wait3A_44 = tpu.memref_squeeze %dma_wait3A_43 : memref<1x128xi32, #tpu.memory_space<hbm>> -> memref<128xi32, #tpu.memory_space<hbm>>
        %dma_wait3A_45 = arith.constant 0 : i32
        %dma_wait3A_46 = tpu.memref_slice %arg3[%add3A, %dma_wait3A_45] : memref<2560x128xi32, #tpu.memory_space<hbm>> -> memref<1x128xi32, #tpu.memory_space<hbm>>
        %dma_wait3A_47 = tpu.memref_squeeze %dma_wait3A_46 : memref<1x128xi32, #tpu.memory_space<hbm>> -> memref<128xi32, #tpu.memory_space<hbm>>
        tpu.wait_dma2 semaphore(%arg15 : memref<!tpu.dma_semaphore, #tpu.memory_space<semaphore_mem>>) src(%dma_wait3A_47 : memref<128xi32, #tpu.memory_space<hbm>>) dst(%arg8 : memref<128xi32, #tpu.memory_space<vmem>>)
        %add3A_48 = arith.constant 1 : i32
        %add3A_49 = arith.addi %mul3A_36, %add3A_48 : i32
        %dma_start3A_50 = arith.constant 0 : i32
        %dma_start3A_51 = tpu.memref_slice %arg7[%add3A_49, %dma_start3A_50] : memref<128x128xi32, #tpu.memory_space<vmem>> -> memref<1x128xi32, #tpu.memory_space<vmem>>
        %dma_start3A_52 = tpu.memref_squeeze %dma_start3A_51 : memref<1x128xi32, #tpu.memory_space<vmem>> -> memref<128xi32, #tpu.memory_space<vmem>>
        %dma_start3A_53 = arith.constant 0 : i32
        %dma_start3A_54 = arith.constant 0 : i32
        %dma_start3A_55 = tpu.memref_slice %arg4[%dma_start3A_53, %dma_start3A_54] : memref<10000x128xf32, #tpu.memory_space<hbm>> -> memref<10000x128xf32, #tpu.memory_space<hbm>>
        tpu.enqueue_indirect_dma source(%dma_start3A_55 : memref<10000x128xf32, #tpu.memory_space<hbm>>) target(%arg11 : memref<128x128xf32, #tpu.memory_space<vmem>>) offsets(%dma_start3A_52 : memref<128xi32, #tpu.memory_space<vmem>>) semaphore(%arg14 : memref<!tpu.dma_semaphore, #tpu.memory_space<semaphore_mem>>)
        %add3A_56 = arith.addi %mul3A_16, %mul3A_36 : i32
        %add3A_57 = arith.constant 1 : i32
        %add3A_58 = arith.addi %add3A_56, %add3A_57 : i32
        %dma_start3A_59 = arith.constant 0 : i32
        %dma_start3A_60 = tpu.memref_slice %arg3[%add3A_58, %dma_start3A_59] : memref<2560x128xi32, #tpu.memory_space<hbm>> -> memref<1x128xi32, #tpu.memory_space<hbm>>
        %dma_start3A_61 = tpu.memref_squeeze %dma_start3A_60 : memref<1x128xi32, #tpu.memory_space<hbm>> -> memref<128xi32, #tpu.memory_space<hbm>>
        %dma_start3A_62 = arith.constant 0 : i32
        %dma_start3A_63 = tpu.memref_slice %arg3[%add3A_58, %dma_start3A_62] : memref<2560x128xi32, #tpu.memory_space<hbm>> -> memref<1x128xi32, #tpu.memory_space<hbm>>
        %dma_start3A_64 = tpu.memref_squeeze %dma_start3A_63 : memref<1x128xi32, #tpu.memory_space<hbm>> -> memref<128xi32, #tpu.memory_space<hbm>>
        tpu.enqueue_dma source(%dma_start3A_64 : memref<128xi32, #tpu.memory_space<hbm>>) target(%arg9 : memref<128xi32, #tpu.memory_space<vmem>>) target_semaphore(%arg16 : memref<!tpu.dma_semaphore, #tpu.memory_space<semaphore_mem>>)
        "tpu.region"() ({
          %run_scoped3A = tpu.sem_alloc : memref<!tpu.dma_semaphore, #tpu.memory_space<semaphore_mem>>
          %dma_start3A_88 = arith.constant 0 : i32
          %dma_start3A_89 = arith.constant 0 : i32
          %dma_start3A_90 = tpu.memref_slice %arg12[%dma_start3A_88, %dma_start3A_89] : memref<10112x128xf32, #tpu.memory_space<vmem_shared>> -> memref<10112x128xf32, #tpu.memory_space<vmem_shared>>
          tpu.enqueue_indirect_dma source(%arg10 : memref<128x128xf32, #tpu.memory_space<vmem>>) target(%dma_start3A_90 : memref<10112x128xf32, #tpu.memory_space<vmem_shared>>) offsets(%arg8 : memref<128xi32, #tpu.memory_space<vmem>>) semaphore(%run_scoped3A : memref<!tpu.dma_semaphore, #tpu.memory_space<semaphore_mem>>) {add = true}
          %dma_wait3A_91 = arith.constant 0 : i32
          %dma_wait3A_92 = arith.constant 0 : i32
          %dma_wait3A_93 = tpu.memref_slice %arg12[%dma_wait3A_91, %dma_wait3A_92] : memref<10112x128xf32, #tpu.memory_space<vmem_shared>> -> memref<10112x128xf32, #tpu.memory_space<vmem_shared>>
          tpu.wait_indirect_dma semaphore(%run_scoped3A : memref<!tpu.dma_semaphore, #tpu.memory_space<semaphore_mem>>) src(%arg10 : memref<128x128xf32, #tpu.memory_space<vmem>>) dst(%dma_wait3A_93 : memref<10112x128xf32, #tpu.memory_space<vmem_shared>>)
          tpu.yield
        }) : () -> ()
        %add3A_65 = arith.constant 1 : i32
        %add3A_66 = arith.addi %mul3A_36, %add3A_65 : i32
        %dma_wait3A_67 = arith.constant 0 : i32
        %dma_wait3A_68 = tpu.memref_slice %arg7[%add3A_66, %dma_wait3A_67] : memref<128x128xi32, #tpu.memory_space<vmem>> -> memref<1x128xi32, #tpu.memory_space<vmem>>
        %dma_wait3A_69 = tpu.memref_squeeze %dma_wait3A_68 : memref<1x128xi32, #tpu.memory_space<vmem>> -> memref<128xi32, #tpu.memory_space<vmem>>
        %dma_wait3A_70 = arith.constant 0 : i32
        %dma_wait3A_71 = arith.constant 0 : i32
        %dma_wait3A_72 = tpu.memref_slice %arg4[%dma_wait3A_70, %dma_wait3A_71] : memref<10000x128xf32, #tpu.memory_space<hbm>> -> memref<10000x128xf32, #tpu.memory_space<hbm>>
        tpu.wait_indirect_dma semaphore(%arg14 : memref<!tpu.dma_semaphore, #tpu.memory_space<semaphore_mem>>) src(%dma_wait3A_72 : memref<10000x128xf32, #tpu.memory_space<hbm>>) dst(%arg11 : memref<128x128xf32, #tpu.memory_space<vmem>>)
        %add3A_73 = arith.addi %mul3A_16, %mul3A_36 : i32
        %add3A_74 = arith.constant 1 : i32
        %add3A_75 = arith.addi %add3A_73, %add3A_74 : i32
        %dma_wait3A_76 = arith.constant 0 : i32
        %dma_wait3A_77 = tpu.memref_slice %arg3[%add3A_75, %dma_wait3A_76] : memref<2560x128xi32, #tpu.memory_space<hbm>> -> memref<1x128xi32, #tpu.memory_space<hbm>>
        %dma_wait3A_78 = tpu.memref_squeeze %dma_wait3A_77 : memref<1x128xi32, #tpu.memory_space<hbm>> -> memref<128xi32, #tpu.memory_space<hbm>>
        %dma_wait3A_79 = arith.constant 0 : i32
        %dma_wait3A_80 = tpu.memref_slice %arg3[%add3A_75, %dma_wait3A_79] : memref<2560x128xi32, #tpu.memory_space<hbm>> -> memref<1x128xi32, #tpu.memory_space<hbm>>
        %dma_wait3A_81 = tpu.memref_squeeze %dma_wait3A_80 : memref<1x128xi32, #tpu.memory_space<hbm>> -> memref<128xi32, #tpu.memory_space<hbm>>
        tpu.wait_dma2 semaphore(%arg16 : memref<!tpu.dma_semaphore, #tpu.memory_space<semaphore_mem>>) src(%dma_wait3A_81 : memref<128xi32, #tpu.memory_space<hbm>>) dst(%arg9 : memref<128xi32, #tpu.memory_space<vmem>>)
        %add3A_82 = arith.constant 2 : i32
        %add3A_83 = arith.addi %mul3A_36, %add3A_82 : i32
        %lt3A = arith.constant 128 : i32
        %lt3A_84 = arith.cmpi slt, %add3A_83, %lt3A : i32
        %convert_element_type3A_85 = arith.extui %lt3A_84 : i1 to i32
        %cond3A_86 = arith.constant 0 : i32
        %cond3A_87 = arith.cmpi ne, %convert_element_type3A_85, %cond3A_86 : i32
        scf.if %cond3A_87 {
          %add3A_88 = arith.constant 2 : i32
          %add3A_89 = arith.addi %mul3A_36, %add3A_88 : i32
          %dma_start3A_90 = arith.constant 0 : i32
          %dma_start3A_91 = tpu.memref_slice %arg7[%add3A_89, %dma_start3A_90] : memref<128x128xi32, #tpu.memory_space<vmem>> -> memref<1x128xi32, #tpu.memory_space<vmem>>
          %dma_start3A_92 = tpu.memref_squeeze %dma_start3A_91 : memref<1x128xi32, #tpu.memory_space<vmem>> -> memref<128xi32, #tpu.memory_space<vmem>>
          %dma_start3A_93 = arith.constant 0 : i32
          %dma_start3A_94 = arith.constant 0 : i32
          %dma_start3A_95 = tpu.memref_slice %arg4[%dma_start3A_93, %dma_start3A_94] : memref<10000x128xf32, #tpu.memory_space<hbm>> -> memref<10000x128xf32, #tpu.memory_space<hbm>>
          tpu.enqueue_indirect_dma source(%dma_start3A_95 : memref<10000x128xf32, #tpu.memory_space<hbm>>) target(%arg10 : memref<128x128xf32, #tpu.memory_space<vmem>>) offsets(%dma_start3A_92 : memref<128xi32, #tpu.memory_space<vmem>>) semaphore(%arg13 : memref<!tpu.dma_semaphore, #tpu.memory_space<semaphore_mem>>)
          %add3A_96 = arith.addi %mul3A_16, %mul3A_36 : i32
          %add3A_97 = arith.constant 2 : i32
          %add3A_98 = arith.addi %add3A_96, %add3A_97 : i32
          %dma_start3A_99 = arith.constant 0 : i32
          %dma_start3A_100 = tpu.memref_slice %arg3[%add3A_98, %dma_start3A_99] : memref<2560x128xi32, #tpu.memory_space<hbm>> -> memref<1x128xi32, #tpu.memory_space<hbm>>
          %dma_start3A_101 = tpu.memref_squeeze %dma_start3A_100 : memref<1x128xi32, #tpu.memory_space<hbm>> -> memref<128xi32, #tpu.memory_space<hbm>>
          %dma_start3A_102 = arith.constant 0 : i32
          %dma_start3A_103 = tpu.memref_slice %arg3[%add3A_98, %dma_start3A_102] : memref<2560x128xi32, #tpu.memory_space<hbm>> -> memref<1x128xi32, #tpu.memory_space<hbm>>
          %dma_start3A_104 = tpu.memref_squeeze %dma_start3A_103 : memref<1x128xi32, #tpu.memory_space<hbm>> -> memref<128xi32, #tpu.memory_space<hbm>>
          tpu.enqueue_dma source(%dma_start3A_104 : memref<128xi32, #tpu.memory_space<hbm>>) target(%arg8 : memref<128xi32, #tpu.memory_space<vmem>>) target_semaphore(%arg15 : memref<!tpu.dma_semaphore, #tpu.memory_space<semaphore_mem>>)
        } else {
        }
        "tpu.region"() ({
          %run_scoped3A = tpu.sem_alloc : memref<!tpu.dma_semaphore, #tpu.memory_space<semaphore_mem>>
          %dma_start3A_88 = arith.constant 0 : i32
          %dma_start3A_89 = arith.constant 0 : i32
          %dma_start3A_90 = tpu.memref_slice %arg12[%dma_start3A_88, %dma_start3A_89] : memref<10112x128xf32, #tpu.memory_space<vmem_shared>> -> memref<10112x128xf32, #tpu.memory_space<vmem_shared>>
          tpu.enqueue_indirect_dma source(%arg11 : memref<128x128xf32, #tpu.memory_space<vmem>>) target(%dma_start3A_90 : memref<10112x128xf32, #tpu.memory_space<vmem_shared>>) offsets(%arg9 : memref<128xi32, #tpu.memory_space<vmem>>) semaphore(%run_scoped3A : memref<!tpu.dma_semaphore, #tpu.memory_space<semaphore_mem>>) {add = true}
          %dma_wait3A_91 = arith.constant 0 : i32
          %dma_wait3A_92 = arith.constant 0 : i32
          %dma_wait3A_93 = tpu.memref_slice %arg12[%dma_wait3A_91, %dma_wait3A_92] : memref<10112x128xf32, #tpu.memory_space<vmem_shared>> -> memref<10112x128xf32, #tpu.memory_space<vmem_shared>>
          tpu.wait_indirect_dma semaphore(%run_scoped3A : memref<!tpu.dma_semaphore, #tpu.memory_space<semaphore_mem>>) src(%arg11 : memref<128x128xf32, #tpu.memory_space<vmem>>) dst(%dma_wait3A_93 : memref<10112x128xf32, #tpu.memory_space<vmem_shared>>)
          tpu.yield
        }) : () -> ()
      }
      %scan3A_33 = arith.constant 64 : i32
    } else {
    }
    %eq3A_5 = arith.constant 1 : i32
    %eq3A_6 = arith.cmpi eq, %arg0, %eq3A_5 : i32
    %convert_element_type3A_7 = arith.extui %eq3A_6 : i1 to i32
    %cond3A_8 = arith.constant 0 : i32
    %cond3A_9 = arith.cmpi ne, %convert_element_type3A_7, %cond3A_8 : i32
    scf.if %cond3A_9 {
      %mul3A_15 = arith.constant 32 : i32
      %mul3A_16 = arith.muli %arg1, %mul3A_15 : i32
      %add3A = arith.constant 2048 : i32
      %add3A_17 = arith.addi %add3A, %mul3A_16 : i32
      "tpu.region"() ({
        %run_scoped3A = tpu.sem_alloc : memref<!tpu.dma_semaphore, #tpu.memory_space<semaphore_mem>>
        %dma_start3A_35 = arith.constant 0 : i32
        %dma_start3A_36 = arith.constant 0 : i32
        %dma_start3A_37 = tpu.memref_slice %arg7[%dma_start3A_35, %dma_start3A_36] : memref<128x128xi32, #tpu.memory_space<vmem>> -> memref<32x128xi32, #tpu.memory_space<vmem>>
        %dma_start3A_38 = arith.constant 0 : i32
        %dma_start3A_39 = tpu.memref_slice %arg2[%add3A_17, %dma_start3A_38] : memref<2560x128xi32, #tpu.memory_space<hbm>> -> memref<32x128xi32, #tpu.memory_space<hbm>>
        %dma_start3A_40 = arith.constant 0 : i32
        %dma_start3A_41 = arith.constant 0 : i32
        %dma_start3A_42 = tpu.memref_slice %arg7[%dma_start3A_40, %dma_start3A_41] : memref<128x128xi32, #tpu.memory_space<vmem>> -> memref<32x128xi32, #tpu.memory_space<vmem>>
        %dma_start3A_43 = arith.constant 0 : i32
        %dma_start3A_44 = tpu.memref_slice %arg2[%add3A_17, %dma_start3A_43] : memref<2560x128xi32, #tpu.memory_space<hbm>> -> memref<32x128xi32, #tpu.memory_space<hbm>>
        tpu.enqueue_dma source(%dma_start3A_44 : memref<32x128xi32, #tpu.memory_space<hbm>>) target(%dma_start3A_42 : memref<32x128xi32, #tpu.memory_space<vmem>>) target_semaphore(%run_scoped3A : memref<!tpu.dma_semaphore, #tpu.memory_space<semaphore_mem>>)
        %dma_wait3A = arith.constant 0 : i32
        %dma_wait3A_45 = arith.constant 0 : i32
        %dma_wait3A_46 = tpu.memref_slice %arg7[%dma_wait3A, %dma_wait3A_45] : memref<128x128xi32, #tpu.memory_space<vmem>> -> memref<32x128xi32, #tpu.memory_space<vmem>>
        %dma_wait3A_47 = arith.constant 0 : i32
        %dma_wait3A_48 = tpu.memref_slice %arg2[%add3A_17, %dma_wait3A_47] : memref<2560x128xi32, #tpu.memory_space<hbm>> -> memref<32x128xi32, #tpu.memory_space<hbm>>
        %dma_wait3A_49 = arith.constant 0 : i32
        %dma_wait3A_50 = arith.constant 0 : i32
        %dma_wait3A_51 = tpu.memref_slice %arg7[%dma_wait3A_49, %dma_wait3A_50] : memref<128x128xi32, #tpu.memory_space<vmem>> -> memref<32x128xi32, #tpu.memory_space<vmem>>
        %dma_wait3A_52 = arith.constant 0 : i32
        %dma_wait3A_53 = tpu.memref_slice %arg2[%add3A_17, %dma_wait3A_52] : memref<2560x128xi32, #tpu.memory_space<hbm>> -> memref<32x128xi32, #tpu.memory_space<hbm>>
        tpu.wait_dma2 semaphore(%run_scoped3A : memref<!tpu.dma_semaphore, #tpu.memory_space<semaphore_mem>>) src(%dma_wait3A_53 : memref<32x128xi32, #tpu.memory_space<hbm>>) dst(%dma_wait3A_51 : memref<32x128xi32, #tpu.memory_space<vmem>>)
        tpu.yield
      }) : () -> ()
      %dma_start3A = arith.constant 0 : i32
      %dma_start3A_18 = arith.constant 0 : i32
      %dma_start3A_19 = tpu.memref_slice %arg7[%dma_start3A, %dma_start3A_18] : memref<128x128xi32, #tpu.memory_space<vmem>> -> memref<1x128xi32, #tpu.memory_space<vmem>>
      %dma_start3A_20 = tpu.memref_squeeze %dma_start3A_19 : memref<1x128xi32, #tpu.memory_space<vmem>> -> memref<128xi32, #tpu.memory_space<vmem>>
      %dma_start3A_21 = arith.constant 0 : i32
      %dma_start3A_22 = arith.constant 0 : i32
      %dma_start3A_23 = tpu.memref_slice %arg4[%dma_start3A_21, %dma_start3A_22] : memref<10000x128xf32, #tpu.memory_space<hbm>> -> memref<10000x128xf32, #tpu.memory_space<hbm>>
      tpu.enqueue_indirect_dma source(%dma_start3A_23 : memref<10000x128xf32, #tpu.memory_space<hbm>>) target(%arg10 : memref<128x128xf32, #tpu.memory_space<vmem>>) offsets(%dma_start3A_20 : memref<128xi32, #tpu.memory_space<vmem>>) semaphore(%arg13 : memref<!tpu.dma_semaphore, #tpu.memory_space<semaphore_mem>>)
      %dma_start3A_24 = arith.constant 0 : i32
      %dma_start3A_25 = tpu.memref_slice %arg3[%add3A_17, %dma_start3A_24] : memref<2560x128xi32, #tpu.memory_space<hbm>> -> memref<1x128xi32, #tpu.memory_space<hbm>>
      %dma_start3A_26 = tpu.memref_squeeze %dma_start3A_25 : memref<1x128xi32, #tpu.memory_space<hbm>> -> memref<128xi32, #tpu.memory_space<hbm>>
      %dma_start3A_27 = arith.constant 0 : i32
      %dma_start3A_28 = tpu.memref_slice %arg3[%add3A_17, %dma_start3A_27] : memref<2560x128xi32, #tpu.memory_space<hbm>> -> memref<1x128xi32, #tpu.memory_space<hbm>>
      %dma_start3A_29 = tpu.memref_squeeze %dma_start3A_28 : memref<1x128xi32, #tpu.memory_space<hbm>> -> memref<128xi32, #tpu.memory_space<hbm>>
      tpu.enqueue_dma source(%dma_start3A_29 : memref<128xi32, #tpu.memory_space<hbm>>) target(%arg8 : memref<128xi32, #tpu.memory_space<vmem>>) target_semaphore(%arg15 : memref<!tpu.dma_semaphore, #tpu.memory_space<semaphore_mem>>)
      %scan3A = arith.constant 0 : i32
      %scan3A_30 = arith.constant 0 : i32
      %scan3A_31 = arith.constant 16 : i32
      %scan3A_32 = arith.addi %scan3A_30, %scan3A_31 : i32
      %scan3A_33 = arith.constant 1 : i32
      scf.for %scan3A_35 = %scan3A_30 to %scan3A_32 step %scan3A_33  : i32 {
        %mul3A_36 = arith.constant 2 : i32
        %mul3A_37 = arith.muli %mul3A_36, %scan3A_35 : i32
        %dma_wait3A = arith.constant 0 : i32
        %dma_wait3A_38 = tpu.memref_slice %arg7[%mul3A_37, %dma_wait3A] : memref<128x128xi32, #tpu.memory_space<vmem>> -> memref<1x128xi32, #tpu.memory_space<vmem>>
        %dma_wait3A_39 = tpu.memref_squeeze %dma_wait3A_38 : memref<1x128xi32, #tpu.memory_space<vmem>> -> memref<128xi32, #tpu.memory_space<vmem>>
        %dma_wait3A_40 = arith.constant 0 : i32
        %dma_wait3A_41 = arith.constant 0 : i32
        %dma_wait3A_42 = tpu.memref_slice %arg4[%dma_wait3A_40, %dma_wait3A_41] : memref<10000x128xf32, #tpu.memory_space<hbm>> -> memref<10000x128xf32, #tpu.memory_space<hbm>>
        tpu.wait_indirect_dma semaphore(%arg13 : memref<!tpu.dma_semaphore, #tpu.memory_space<semaphore_mem>>) src(%dma_wait3A_42 : memref<10000x128xf32, #tpu.memory_space<hbm>>) dst(%arg10 : memref<128x128xf32, #tpu.memory_space<vmem>>)
        %add3A_43 = arith.addi %add3A_17, %mul3A_37 : i32
        %dma_wait3A_44 = arith.constant 0 : i32
        %dma_wait3A_45 = tpu.memref_slice %arg3[%add3A_43, %dma_wait3A_44] : memref<2560x128xi32, #tpu.memory_space<hbm>> -> memref<1x128xi32, #tpu.memory_space<hbm>>
        %dma_wait3A_46 = tpu.memref_squeeze %dma_wait3A_45 : memref<1x128xi32, #tpu.memory_space<hbm>> -> memref<128xi32, #tpu.memory_space<hbm>>
        %dma_wait3A_47 = arith.constant 0 : i32
        %dma_wait3A_48 = tpu.memref_slice %arg3[%add3A_43, %dma_wait3A_47] : memref<2560x128xi32, #tpu.memory_space<hbm>> -> memref<1x128xi32, #tpu.memory_space<hbm>>
        %dma_wait3A_49 = tpu.memref_squeeze %dma_wait3A_48 : memref<1x128xi32, #tpu.memory_space<hbm>> -> memref<128xi32, #tpu.memory_space<hbm>>
        tpu.wait_dma2 semaphore(%arg15 : memref<!tpu.dma_semaphore, #tpu.memory_space<semaphore_mem>>) src(%dma_wait3A_49 : memref<128xi32, #tpu.memory_space<hbm>>) dst(%arg8 : memref<128xi32, #tpu.memory_space<vmem>>)
        %add3A_50 = arith.constant 1 : i32
        %add3A_51 = arith.addi %mul3A_37, %add3A_50 : i32
        %dma_start3A_52 = arith.constant 0 : i32
        %dma_start3A_53 = tpu.memref_slice %arg7[%add3A_51, %dma_start3A_52] : memref<128x128xi32, #tpu.memory_space<vmem>> -> memref<1x128xi32, #tpu.memory_space<vmem>>
        %dma_start3A_54 = tpu.memref_squeeze %dma_start3A_53 : memref<1x128xi32, #tpu.memory_space<vmem>> -> memref<128xi32, #tpu.memory_space<vmem>>
        %dma_start3A_55 = arith.constant 0 : i32
        %dma_start3A_56 = arith.constant 0 : i32
        %dma_start3A_57 = tpu.memref_slice %arg4[%dma_start3A_55, %dma_start3A_56] : memref<10000x128xf32, #tpu.memory_space<hbm>> -> memref<10000x128xf32, #tpu.memory_space<hbm>>
        tpu.enqueue_indirect_dma source(%dma_start3A_57 : memref<10000x128xf32, #tpu.memory_space<hbm>>) target(%arg11 : memref<128x128xf32, #tpu.memory_space<vmem>>) offsets(%dma_start3A_54 : memref<128xi32, #tpu.memory_space<vmem>>) semaphore(%arg14 : memref<!tpu.dma_semaphore, #tpu.memory_space<semaphore_mem>>)
        %add3A_58 = arith.addi %add3A_17, %mul3A_37 : i32
        %add3A_59 = arith.constant 1 : i32
        %add3A_60 = arith.addi %add3A_58, %add3A_59 : i32
        %dma_start3A_61 = arith.constant 0 : i32
        %dma_start3A_62 = tpu.memref_slice %arg3[%add3A_60, %dma_start3A_61] : memref<2560x128xi32, #tpu.memory_space<hbm>> -> memref<1x128xi32, #tpu.memory_space<hbm>>
        %dma_start3A_63 = tpu.memref_squeeze %dma_start3A_62 : memref<1x128xi32, #tpu.memory_space<hbm>> -> memref<128xi32, #tpu.memory_space<hbm>>
        %dma_start3A_64 = arith.constant 0 : i32
        %dma_start3A_65 = tpu.memref_slice %arg3[%add3A_60, %dma_start3A_64] : memref<2560x128xi32, #tpu.memory_space<hbm>> -> memref<1x128xi32, #tpu.memory_space<hbm>>
        %dma_start3A_66 = tpu.memref_squeeze %dma_start3A_65 : memref<1x128xi32, #tpu.memory_space<hbm>> -> memref<128xi32, #tpu.memory_space<hbm>>
        tpu.enqueue_dma source(%dma_start3A_66 : memref<128xi32, #tpu.memory_space<hbm>>) target(%arg9 : memref<128xi32, #tpu.memory_space<vmem>>) target_semaphore(%arg16 : memref<!tpu.dma_semaphore, #tpu.memory_space<semaphore_mem>>)
        "tpu.region"() ({
          %run_scoped3A = tpu.sem_alloc : memref<!tpu.dma_semaphore, #tpu.memory_space<semaphore_mem>>
          %dma_start3A_90 = arith.constant 0 : i32
          %dma_start3A_91 = arith.constant 0 : i32
          %dma_start3A_92 = tpu.memref_slice %arg12[%dma_start3A_90, %dma_start3A_91] : memref<10112x128xf32, #tpu.memory_space<vmem_shared>> -> memref<10112x128xf32, #tpu.memory_space<vmem_shared>>
          tpu.enqueue_indirect_dma source(%arg10 : memref<128x128xf32, #tpu.memory_space<vmem>>) target(%dma_start3A_92 : memref<10112x128xf32, #tpu.memory_space<vmem_shared>>) offsets(%arg8 : memref<128xi32, #tpu.memory_space<vmem>>) semaphore(%run_scoped3A : memref<!tpu.dma_semaphore, #tpu.memory_space<semaphore_mem>>) {add = true}
          %dma_wait3A_93 = arith.constant 0 : i32
          %dma_wait3A_94 = arith.constant 0 : i32
          %dma_wait3A_95 = tpu.memref_slice %arg12[%dma_wait3A_93, %dma_wait3A_94] : memref<10112x128xf32, #tpu.memory_space<vmem_shared>> -> memref<10112x128xf32, #tpu.memory_space<vmem_shared>>
          tpu.wait_indirect_dma semaphore(%run_scoped3A : memref<!tpu.dma_semaphore, #tpu.memory_space<semaphore_mem>>) src(%arg10 : memref<128x128xf32, #tpu.memory_space<vmem>>) dst(%dma_wait3A_95 : memref<10112x128xf32, #tpu.memory_space<vmem_shared>>)
          tpu.yield
        }) : () -> ()
        %add3A_67 = arith.constant 1 : i32
        %add3A_68 = arith.addi %mul3A_37, %add3A_67 : i32
        %dma_wait3A_69 = arith.constant 0 : i32
        %dma_wait3A_70 = tpu.memref_slice %arg7[%add3A_68, %dma_wait3A_69] : memref<128x128xi32, #tpu.memory_space<vmem>> -> memref<1x128xi32, #tpu.memory_space<vmem>>
        %dma_wait3A_71 = tpu.memref_squeeze %dma_wait3A_70 : memref<1x128xi32, #tpu.memory_space<vmem>> -> memref<128xi32, #tpu.memory_space<vmem>>
        %dma_wait3A_72 = arith.constant 0 : i32
        %dma_wait3A_73 = arith.constant 0 : i32
        %dma_wait3A_74 = tpu.memref_slice %arg4[%dma_wait3A_72, %dma_wait3A_73] : memref<10000x128xf32, #tpu.memory_space<hbm>> -> memref<10000x128xf32, #tpu.memory_space<hbm>>
        tpu.wait_indirect_dma semaphore(%arg14 : memref<!tpu.dma_semaphore, #tpu.memory_space<semaphore_mem>>) src(%dma_wait3A_74 : memref<10000x128xf32, #tpu.memory_space<hbm>>) dst(%arg11 : memref<128x128xf32, #tpu.memory_space<vmem>>)
        %add3A_75 = arith.addi %add3A_17, %mul3A_37 : i32
        %add3A_76 = arith.constant 1 : i32
        %add3A_77 = arith.addi %add3A_75, %add3A_76 : i32
        %dma_wait3A_78 = arith.constant 0 : i32
        %dma_wait3A_79 = tpu.memref_slice %arg3[%add3A_77, %dma_wait3A_78] : memref<2560x128xi32, #tpu.memory_space<hbm>> -> memref<1x128xi32, #tpu.memory_space<hbm>>
        %dma_wait3A_80 = tpu.memref_squeeze %dma_wait3A_79 : memref<1x128xi32, #tpu.memory_space<hbm>> -> memref<128xi32, #tpu.memory_space<hbm>>
        %dma_wait3A_81 = arith.constant 0 : i32
        %dma_wait3A_82 = tpu.memref_slice %arg3[%add3A_77, %dma_wait3A_81] : memref<2560x128xi32, #tpu.memory_space<hbm>> -> memref<1x128xi32, #tpu.memory_space<hbm>>
        %dma_wait3A_83 = tpu.memref_squeeze %dma_wait3A_82 : memref<1x128xi32, #tpu.memory_space<hbm>> -> memref<128xi32, #tpu.memory_space<hbm>>
        tpu.wait_dma2 semaphore(%arg16 : memref<!tpu.dma_semaphore, #tpu.memory_space<semaphore_mem>>) src(%dma_wait3A_83 : memref<128xi32, #tpu.memory_space<hbm>>) dst(%arg9 : memref<128xi32, #tpu.memory_space<vmem>>)
        %add3A_84 = arith.constant 2 : i32
        %add3A_85 = arith.addi %mul3A_37, %add3A_84 : i32
        %lt3A = arith.constant 32 : i32
        %lt3A_86 = arith.cmpi slt, %add3A_85, %lt3A : i32
        %convert_element_type3A_87 = arith.extui %lt3A_86 : i1 to i32
        %cond3A_88 = arith.constant 0 : i32
        %cond3A_89 = arith.cmpi ne, %convert_element_type3A_87, %cond3A_88 : i32
        scf.if %cond3A_89 {
          %add3A_90 = arith.constant 2 : i32
          %add3A_91 = arith.addi %mul3A_37, %add3A_90 : i32
          %dma_start3A_92 = arith.constant 0 : i32
          %dma_start3A_93 = tpu.memref_slice %arg7[%add3A_91, %dma_start3A_92] : memref<128x128xi32, #tpu.memory_space<vmem>> -> memref<1x128xi32, #tpu.memory_space<vmem>>
          %dma_start3A_94 = tpu.memref_squeeze %dma_start3A_93 : memref<1x128xi32, #tpu.memory_space<vmem>> -> memref<128xi32, #tpu.memory_space<vmem>>
          %dma_start3A_95 = arith.constant 0 : i32
          %dma_start3A_96 = arith.constant 0 : i32
          %dma_start3A_97 = tpu.memref_slice %arg4[%dma_start3A_95, %dma_start3A_96] : memref<10000x128xf32, #tpu.memory_space<hbm>> -> memref<10000x128xf32, #tpu.memory_space<hbm>>
          tpu.enqueue_indirect_dma source(%dma_start3A_97 : memref<10000x128xf32, #tpu.memory_space<hbm>>) target(%arg10 : memref<128x128xf32, #tpu.memory_space<vmem>>) offsets(%dma_start3A_94 : memref<128xi32, #tpu.memory_space<vmem>>) semaphore(%arg13 : memref<!tpu.dma_semaphore, #tpu.memory_space<semaphore_mem>>)
          %add3A_98 = arith.addi %add3A_17, %mul3A_37 : i32
          %add3A_99 = arith.constant 2 : i32
          %add3A_100 = arith.addi %add3A_98, %add3A_99 : i32
          %dma_start3A_101 = arith.constant 0 : i32
          %dma_start3A_102 = tpu.memref_slice %arg3[%add3A_100, %dma_start3A_101] : memref<2560x128xi32, #tpu.memory_space<hbm>> -> memref<1x128xi32, #tpu.memory_space<hbm>>
          %dma_start3A_103 = tpu.memref_squeeze %dma_start3A_102 : memref<1x128xi32, #tpu.memory_space<hbm>> -> memref<128xi32, #tpu.memory_space<hbm>>
          %dma_start3A_104 = arith.constant 0 : i32
          %dma_start3A_105 = tpu.memref_slice %arg3[%add3A_100, %dma_start3A_104] : memref<2560x128xi32, #tpu.memory_space<hbm>> -> memref<1x128xi32, #tpu.memory_space<hbm>>
          %dma_start3A_106 = tpu.memref_squeeze %dma_start3A_105 : memref<1x128xi32, #tpu.memory_space<hbm>> -> memref<128xi32, #tpu.memory_space<hbm>>
          tpu.enqueue_dma source(%dma_start3A_106 : memref<128xi32, #tpu.memory_space<hbm>>) target(%arg8 : memref<128xi32, #tpu.memory_space<vmem>>) target_semaphore(%arg15 : memref<!tpu.dma_semaphore, #tpu.memory_space<semaphore_mem>>)
        } else {
        }
        "tpu.region"() ({
          %run_scoped3A = tpu.sem_alloc : memref<!tpu.dma_semaphore, #tpu.memory_space<semaphore_mem>>
          %dma_start3A_90 = arith.constant 0 : i32
          %dma_start3A_91 = arith.constant 0 : i32
          %dma_start3A_92 = tpu.memref_slice %arg12[%dma_start3A_90, %dma_start3A_91] : memref<10112x128xf32, #tpu.memory_space<vmem_shared>> -> memref<10112x128xf32, #tpu.memory_space<vmem_shared>>
          tpu.enqueue_indirect_dma source(%arg11 : memref<128x128xf32, #tpu.memory_space<vmem>>) target(%dma_start3A_92 : memref<10112x128xf32, #tpu.memory_space<vmem_shared>>) offsets(%arg9 : memref<128xi32, #tpu.memory_space<vmem>>) semaphore(%run_scoped3A : memref<!tpu.dma_semaphore, #tpu.memory_space<semaphore_mem>>) {add = true}
          %dma_wait3A_93 = arith.constant 0 : i32
          %dma_wait3A_94 = arith.constant 0 : i32
          %dma_wait3A_95 = tpu.memref_slice %arg12[%dma_wait3A_93, %dma_wait3A_94] : memref<10112x128xf32, #tpu.memory_space<vmem_shared>> -> memref<10112x128xf32, #tpu.memory_space<vmem_shared>>
          tpu.wait_indirect_dma semaphore(%run_scoped3A : memref<!tpu.dma_semaphore, #tpu.memory_space<semaphore_mem>>) src(%arg11 : memref<128x128xf32, #tpu.memory_space<vmem>>) dst(%dma_wait3A_95 : memref<10112x128xf32, #tpu.memory_space<vmem_shared>>)
          tpu.yield
        }) : () -> ()
      }
      %scan3A_34 = arith.constant 16 : i32
    } else {
    }
    %barrier3A_10 = arith.constant 0 : index
    tpu.barrier barrier_id(%barrier3A_10)
    %mul3A_11 = arith.constant 632 : i32
    %mul3A_12 = arith.muli %arg1, %mul3A_11 : i32
    %mul3A_13 = arith.constant 632 : i32
    %mul3A_14 = arith.muli %arg1, %mul3A_13 : i32
    "tpu.region"() ({
      %run_scoped3A = tpu.sem_alloc : memref<!tpu.dma_semaphore, #tpu.memory_space<semaphore_mem>>
      %dma_start3A = arith.constant 0 : i32
      %dma_start3A_15 = tpu.memref_slice %arg6[%arg0, %mul3A_14, %dma_start3A] : memref<2x10112x128xf32, #tpu.memory_space<hbm>> -> memref<1x632x128xf32, #tpu.memory_space<hbm>>
      %dma_start3A_16 = tpu.memref_squeeze %dma_start3A_15 : memref<1x632x128xf32, #tpu.memory_space<hbm>> -> memref<632x128xf32, #tpu.memory_space<hbm>>
      %dma_start3A_17 = arith.constant 0 : i32
      %dma_start3A_18 = tpu.memref_slice %arg12[%mul3A_12, %dma_start3A_17] : memref<10112x128xf32, #tpu.memory_space<vmem_shared>> -> memref<632x128xf32, #tpu.memory_space<vmem_shared>>
      tpu.enqueue_dma source(%dma_start3A_18 : memref<632x128xf32, #tpu.memory_space<vmem_shared>>) target(%dma_start3A_16 : memref<632x128xf32, #tpu.memory_space<hbm>>) target_semaphore(%run_scoped3A : memref<!tpu.dma_semaphore, #tpu.memory_space<semaphore_mem>>)
      %dma_wait3A = arith.constant 0 : i32
      %dma_wait3A_19 = tpu.memref_slice %arg6[%arg0, %mul3A_14, %dma_wait3A] : memref<2x10112x128xf32, #tpu.memory_space<hbm>> -> memref<1x632x128xf32, #tpu.memory_space<hbm>>
      %dma_wait3A_20 = tpu.memref_squeeze %dma_wait3A_19 : memref<1x632x128xf32, #tpu.memory_space<hbm>> -> memref<632x128xf32, #tpu.memory_space<hbm>>
      %dma_wait3A_21 = arith.constant 0 : i32
      %dma_wait3A_22 = tpu.memref_slice %arg12[%mul3A_12, %dma_wait3A_21] : memref<10112x128xf32, #tpu.memory_space<vmem_shared>> -> memref<632x128xf32, #tpu.memory_space<vmem_shared>>
      tpu.wait_dma2 semaphore(%run_scoped3A : memref<!tpu.dma_semaphore, #tpu.memory_space<semaphore_mem>>) src(%dma_wait3A_22 : memref<632x128xf32, #tpu.memory_space<vmem_shared>>) dst(%dma_wait3A_20 : memref<632x128xf32, #tpu.memory_space<hbm>>)
      tpu.yield
    }) : () -> ()
    return
  }
}

module attributes {stable_mosaic.version = 14 : i64} {
  func.func @_tc0_body(%arg0: memref<10000x128xf32, #tpu.memory_space<vmem>>, %arg1: memref<128x128xf32, #tpu.memory_space<vmem>>, %arg2: memref<2x10112x16xf32, #tpu.memory_space<vmem>>, %arg3: memref<10000x128xf32, #tpu.memory_space<vmem>>) attributes {dimension_semantics = [], scalar_prefetch = 0 : i64, scratch_operands = 0 : i64, tpu.core_type = #tpu.core_type<tc>} {
    %get3A = arith.constant 0 : index
    %get3A_0 = arith.constant 0 : index
    %get3A_1 = arith.constant 0 : index
    %get3A_2 = vector.load %arg2[%get3A, %get3A_0, %get3A_1] : memref<2x10112x16xf32, #tpu.memory_space<vmem>>, vector<1x10112x1xf32>
    %get3A_3 = vector.shape_cast %get3A_2 : vector<1x10112x1xf32> to vector<10112x1xf32>
    %get3A_4 = arith.constant 1 : index
    %get3A_5 = arith.constant 0 : index
    %get3A_6 = arith.constant 0 : index
    %get3A_7 = vector.load %arg2[%get3A_4, %get3A_5, %get3A_6] : memref<2x10112x16xf32, #tpu.memory_space<vmem>>, vector<1x10112x1xf32>
    %get3A_8 = vector.shape_cast %get3A_7 : vector<1x10112x1xf32> to vector<10112x1xf32>
    %add3A = arith.addf %get3A_3, %get3A_8 : vector<10112x1xf32>
    %add3A_9 = arith.constant 1.000000e+00 : f32
    %add3A_10 = vector.broadcast %add3A_9 : f32 to vector<10112x1xf32>
    %add3A_11 = arith.addf %add3A, %add3A_10 : vector<10112x1xf32>
    %rsqrt3A = math.rsqrt %add3A_11 : vector<10112x1xf32>
    %slice3A = vector.extract_strided_slice %rsqrt3A {offsets = [0, 0], sizes = [10000, 1], strides = [1, 1]} : vector<10112x1xf32> to vector<10000x1xf32>
    %get3A_12 = arith.constant 0 : index
    %get3A_13 = arith.constant 0 : index
    %get3A_14 = vector.load %arg0[%get3A_12, %get3A_13] : memref<10000x128xf32, #tpu.memory_space<vmem>>, vector<10000x128xf32>
    %get3A_15 = arith.constant 0 : index
    %get3A_16 = arith.constant 0 : index
    %get3A_17 = vector.load %arg1[%get3A_15, %get3A_16] : memref<128x128xf32, #tpu.memory_space<vmem>>, vector<128x128xf32>
    %dot_general3A = arith.constant dense<0.000000e+00> : vector<10000x128xf32>
    %dot_general3A_18 = tpu.matmul %get3A_14, %get3A_17, %dot_general3A {dimension_numbers = #tpu.dot_dimension_numbers<[1], [0], [0], [1], [0, 0, 1, 1], [], []>, transpose_lhs_hint = false} : vector<10000x128xf32>, vector<128x128xf32>, vector<10000x128xf32> -> vector<10000x128xf32>
    %mul3A = vector.broadcast %slice3A : vector<10000x1xf32> to vector<10000x128xf32>
    %mul3A_19 = arith.mulf %dot_general3A_18, %mul3A : vector<10000x128xf32>
    %swap3A = arith.constant 0 : index
    %swap3A_20 = arith.constant 0 : index
    %swap3A_21 = vector.load %arg3[%swap3A, %swap3A_20] : memref<10000x128xf32, #tpu.memory_space<vmem>>, vector<10000x128xf32>
    tpu.vector_store %arg3[%swap3A, %swap3A_20], %mul3A_19 {strides = array<i32>} : memref<10000x128xf32, #tpu.memory_space<vmem>>, vector<10000x128xf32>,
    return
  }
}

module attributes {stable_mosaic.version = 14 : i64} {
  func.func @_tc_mid_body(%arg0: memref<2x10112x128xf32, #tpu.memory_space<vmem>>, %arg1: memref<10000x128xf32, #tpu.memory_space<vmem>>, %arg2: memref<128xf32, #tpu.memory_space<vmem>>, %arg3: memref<128xf32, #tpu.memory_space<vmem>>, %arg4: memref<128xf32, #tpu.memory_space<vmem>>, %arg5: memref<2x10112x16xf32, #tpu.memory_space<vmem>>, %arg6: memref<128x128xf32, #tpu.memory_space<vmem>>, %arg7: memref<10000x128xf32, #tpu.memory_space<vmem>>) attributes {dimension_semantics = [], scalar_prefetch = 0 : i64, scratch_operands = 0 : i64, tpu.core_type = #tpu.core_type<tc>} {
    %get3A = arith.constant 0 : index
    %get3A_0 = arith.constant 0 : index
    %get3A_1 = arith.constant 0 : index
    %get3A_2 = vector.load %arg5[%get3A, %get3A_0, %get3A_1] : memref<2x10112x16xf32, #tpu.memory_space<vmem>>, vector<1x10112x1xf32>
    %get3A_3 = vector.shape_cast %get3A_2 : vector<1x10112x1xf32> to vector<10112x1xf32>
    %get3A_4 = arith.constant 1 : index
    %get3A_5 = arith.constant 0 : index
    %get3A_6 = arith.constant 0 : index
    %get3A_7 = vector.load %arg5[%get3A_4, %get3A_5, %get3A_6] : memref<2x10112x16xf32, #tpu.memory_space<vmem>>, vector<1x10112x1xf32>
    %get3A_8 = vector.shape_cast %get3A_7 : vector<1x10112x1xf32> to vector<10112x1xf32>
    %add3A = arith.addf %get3A_3, %get3A_8 : vector<10112x1xf32>
    %add3A_9 = arith.constant 1.000000e+00 : f32
    %add3A_10 = vector.broadcast %add3A_9 : f32 to vector<10112x1xf32>
    %add3A_11 = arith.addf %add3A, %add3A_10 : vector<10112x1xf32>
    %rsqrt3A = math.rsqrt %add3A_11 : vector<10112x1xf32>
    %slice3A = vector.extract_strided_slice %rsqrt3A {offsets = [0, 0], sizes = [10000, 1], strides = [1, 1]} : vector<10112x1xf32> to vector<10000x1xf32>
    %get3A_12 = arith.constant 0 : index
    %get3A_13 = arith.constant 0 : index
    %get3A_14 = arith.constant 0 : index
    %get3A_15 = vector.load %arg0[%get3A_12, %get3A_13, %get3A_14] : memref<2x10112x128xf32, #tpu.memory_space<vmem>>, vector<1x10000x128xf32>
    %get3A_16 = vector.shape_cast %get3A_15 : vector<1x10000x128xf32> to vector<10000x128xf32>
    %get3A_17 = arith.constant 1 : index
    %get3A_18 = arith.constant 0 : index
    %get3A_19 = arith.constant 0 : index
    %get3A_20 = vector.load %arg0[%get3A_17, %get3A_18, %get3A_19] : memref<2x10112x128xf32, #tpu.memory_space<vmem>>, vector<1x10000x128xf32>
    %get3A_21 = vector.shape_cast %get3A_20 : vector<1x10000x128xf32> to vector<10000x128xf32>
    %add3A_22 = arith.addf %get3A_16, %get3A_21 : vector<10000x128xf32>
    %get3A_23 = arith.constant 0 : index
    %get3A_24 = arith.constant 0 : index
    %get3A_25 = vector.load %arg1[%get3A_23, %get3A_24] : memref<10000x128xf32, #tpu.memory_space<vmem>>, vector<10000x128xf32>
    %add3A_26 = arith.addf %add3A_22, %get3A_25 : vector<10000x128xf32>
    %mul3A = vector.broadcast %slice3A : vector<10000x1xf32> to vector<10000x128xf32>
    %mul3A_27 = arith.mulf %add3A_26, %mul3A : vector<10000x128xf32>
    %get3A_28 = arith.constant 0 : index
    %get3A_29 = vector.load %arg2[%get3A_28] : memref<128xf32, #tpu.memory_space<vmem>>, vector<128xf32>
    %broadcast_in_dim3A = vector.shape_cast %get3A_29 : vector<128xf32> to vector<1x128xf32>
    %add3A_30 = vector.broadcast %broadcast_in_dim3A : vector<1x128xf32> to vector<10000x128xf32>
    %add3A_31 = arith.addf %mul3A_27, %add3A_30 : vector<10000x128xf32>
    %reduce_sum3A = arith.constant dense<0.000000e+00> : vector<128xf32>
    %reduce_sum3A_32 = vector.multi_reduction <add>, %add3A_31, %reduce_sum3A [0] : vector<10000x128xf32> to vector<128xf32>
    %div3A = arith.constant 1.000000e+04 : f32
    %div3A_33 = vector.broadcast %div3A : f32 to vector<128xf32>
    %div3A_34 = arith.divf %reduce_sum3A_32, %div3A_33 : vector<128xf32>
    %broadcast_in_dim3A_35 = vector.shape_cast %div3A_34 : vector<128xf32> to vector<1x128xf32>
    %sub3A = vector.broadcast %broadcast_in_dim3A_35 : vector<1x128xf32> to vector<10000x128xf32>
    %sub3A_36 = arith.subf %add3A_31, %sub3A : vector<10000x128xf32>
    %mul3A_37 = arith.mulf %sub3A_36, %sub3A_36 : vector<10000x128xf32>
    %reduce_sum3A_38 = arith.constant dense<0.000000e+00> : vector<128xf32>
    %reduce_sum3A_39 = vector.multi_reduction <add>, %mul3A_37, %reduce_sum3A_38 [0] : vector<10000x128xf32> to vector<128xf32>
    %div3A_40 = arith.constant 1.000000e+04 : f32
    %div3A_41 = vector.broadcast %div3A_40 : f32 to vector<128xf32>
    %div3A_42 = arith.divf %reduce_sum3A_39, %div3A_41 : vector<128xf32>
    %add3A_43 = arith.constant 9.99999974E-6 : f32
    %add3A_44 = vector.broadcast %add3A_43 : f32 to vector<128xf32>
    %add3A_45 = arith.addf %div3A_42, %add3A_44 : vector<128xf32>
    %rsqrt3A_46 = math.rsqrt %add3A_45 : vector<128xf32>
    %broadcast_in_dim3A_47 = vector.shape_cast %rsqrt3A_46 : vector<128xf32> to vector<1x128xf32>
    %mul3A_48 = vector.broadcast %broadcast_in_dim3A_47 : vector<1x128xf32> to vector<10000x128xf32>
    %mul3A_49 = arith.mulf %sub3A_36, %mul3A_48 : vector<10000x128xf32>
    %get3A_50 = arith.constant 0 : index
    %get3A_51 = vector.load %arg3[%get3A_50] : memref<128xf32, #tpu.memory_space<vmem>>, vector<128xf32>
    %broadcast_in_dim3A_52 = vector.shape_cast %get3A_51 : vector<128xf32> to vector<1x128xf32>
    %mul3A_53 = vector.broadcast %broadcast_in_dim3A_52 : vector<1x128xf32> to vector<10000x128xf32>
    %mul3A_54 = arith.mulf %mul3A_49, %mul3A_53 : vector<10000x128xf32>
    %get3A_55 = arith.constant 0 : index
    %get3A_56 = vector.load %arg4[%get3A_55] : memref<128xf32, #tpu.memory_space<vmem>>, vector<128xf32>
    %broadcast_in_dim3A_57 = vector.shape_cast %get3A_56 : vector<128xf32> to vector<1x128xf32>
    %add3A_58 = vector.broadcast %broadcast_in_dim3A_57 : vector<1x128xf32> to vector<10000x128xf32>
    %add3A_59 = arith.addf %mul3A_54, %add3A_58 : vector<10000x128xf32>
    %max3A = arith.constant 0.000000e+00 : f32
    %max3A_60 = vector.broadcast %max3A : f32 to vector<10000x128xf32>
    %max3A_61 = arith.maximumf %add3A_59, %max3A_60 : vector<10000x128xf32>
    %get3A_62 = arith.constant 0 : index
    %get3A_63 = arith.constant 0 : index
    %get3A_64 = vector.load %arg6[%get3A_62, %get3A_63] : memref<128x128xf32, #tpu.memory_space<vmem>>, vector<128x128xf32>
    %dot_general3A = arith.constant dense<0.000000e+00> : vector<10000x128xf32>
    %dot_general3A_65 = tpu.matmul %max3A_61, %get3A_64, %dot_general3A {dimension_numbers = #tpu.dot_dimension_numbers<[1], [0], [0], [1], [0, 0, 1, 1], [], []>, transpose_lhs_hint = false} : vector<10000x128xf32>, vector<128x128xf32>, vector<10000x128xf32> -> vector<10000x128xf32>
    %mul3A_66 = vector.broadcast %slice3A : vector<10000x1xf32> to vector<10000x128xf32>
    %mul3A_67 = arith.mulf %dot_general3A_65, %mul3A_66 : vector<10000x128xf32>
    %swap3A = arith.constant 0 : index
    %swap3A_68 = arith.constant 0 : index
    %swap3A_69 = vector.load %arg7[%swap3A, %swap3A_68] : memref<10000x128xf32, #tpu.memory_space<vmem>>, vector<10000x128xf32>
    tpu.vector_store %arg7[%swap3A, %swap3A_68], %mul3A_67 {strides = array<i32>} : memref<10000x128xf32, #tpu.memory_space<vmem>>, vector<10000x128xf32>,
    return
  }
}

module attributes {stable_mosaic.version = 14 : i64} {
  func.func @_tc_fin_body(%arg0: memref<2x10112x128xf32, #tpu.memory_space<vmem>>, %arg1: memref<10000x128xf32, #tpu.memory_space<vmem>>, %arg2: memref<128xf32, #tpu.memory_space<vmem>>, %arg3: memref<128xf32, #tpu.memory_space<vmem>>, %arg4: memref<128xf32, #tpu.memory_space<vmem>>, %arg5: memref<2x10112x16xf32, #tpu.memory_space<vmem>>, %arg6: memref<10000xi32, #tpu.memory_space<vmem>>, %arg7: memref<64x128xf32, #tpu.memory_space<vmem>>) attributes {dimension_semantics = [], scalar_prefetch = 0 : i64, scratch_operands = 0 : i64, tpu.core_type = #tpu.core_type<tc>} {
    %get3A = arith.constant 0 : index
    %get3A_0 = arith.constant 0 : index
    %get3A_1 = arith.constant 0 : index
    %get3A_2 = vector.load %arg5[%get3A, %get3A_0, %get3A_1] : memref<2x10112x16xf32, #tpu.memory_space<vmem>>, vector<1x10112x1xf32>
    %get3A_3 = vector.shape_cast %get3A_2 : vector<1x10112x1xf32> to vector<10112x1xf32>
    %get3A_4 = arith.constant 1 : index
    %get3A_5 = arith.constant 0 : index
    %get3A_6 = arith.constant 0 : index
    %get3A_7 = vector.load %arg5[%get3A_4, %get3A_5, %get3A_6] : memref<2x10112x16xf32, #tpu.memory_space<vmem>>, vector<1x10112x1xf32>
    %get3A_8 = vector.shape_cast %get3A_7 : vector<1x10112x1xf32> to vector<10112x1xf32>
    %add3A = arith.addf %get3A_3, %get3A_8 : vector<10112x1xf32>
    %add3A_9 = arith.constant 1.000000e+00 : f32
    %add3A_10 = vector.broadcast %add3A_9 : f32 to vector<10112x1xf32>
    %add3A_11 = arith.addf %add3A, %add3A_10 : vector<10112x1xf32>
    %rsqrt3A = math.rsqrt %add3A_11 : vector<10112x1xf32>
    %slice3A = vector.extract_strided_slice %rsqrt3A {offsets = [0, 0], sizes = [10000, 1], strides = [1, 1]} : vector<10112x1xf32> to vector<10000x1xf32>
    %get3A_12 = arith.constant 0 : index
    %get3A_13 = arith.constant 0 : index
    %get3A_14 = arith.constant 0 : index
    %get3A_15 = vector.load %arg0[%get3A_12, %get3A_13, %get3A_14] : memref<2x10112x128xf32, #tpu.memory_space<vmem>>, vector<1x10000x128xf32>
    %get3A_16 = vector.shape_cast %get3A_15 : vector<1x10000x128xf32> to vector<10000x128xf32>
    %get3A_17 = arith.constant 1 : index
    %get3A_18 = arith.constant 0 : index
    %get3A_19 = arith.constant 0 : index
    %get3A_20 = vector.load %arg0[%get3A_17, %get3A_18, %get3A_19] : memref<2x10112x128xf32, #tpu.memory_space<vmem>>, vector<1x10000x128xf32>
    %get3A_21 = vector.shape_cast %get3A_20 : vector<1x10000x128xf32> to vector<10000x128xf32>
    %add3A_22 = arith.addf %get3A_16, %get3A_21 : vector<10000x128xf32>
    %get3A_23 = arith.constant 0 : index
    %get3A_24 = arith.constant 0 : index
    %get3A_25 = vector.load %arg1[%get3A_23, %get3A_24] : memref<10000x128xf32, #tpu.memory_space<vmem>>, vector<10000x128xf32>
    %add3A_26 = arith.addf %add3A_22, %get3A_25 : vector<10000x128xf32>
    %mul3A = vector.broadcast %slice3A : vector<10000x1xf32> to vector<10000x128xf32>
    %mul3A_27 = arith.mulf %add3A_26, %mul3A : vector<10000x128xf32>
    %get3A_28 = arith.constant 0 : index
    %get3A_29 = vector.load %arg2[%get3A_28] : memref<128xf32, #tpu.memory_space<vmem>>, vector<128xf32>
    %broadcast_in_dim3A = vector.shape_cast %get3A_29 : vector<128xf32> to vector<1x128xf32>
    %add3A_30 = vector.broadcast %broadcast_in_dim3A : vector<1x128xf32> to vector<10000x128xf32>
    %add3A_31 = arith.addf %mul3A_27, %add3A_30 : vector<10000x128xf32>
    %reduce_sum3A = arith.constant dense<0.000000e+00> : vector<128xf32>
    %reduce_sum3A_32 = vector.multi_reduction <add>, %add3A_31, %reduce_sum3A [0] : vector<10000x128xf32> to vector<128xf32>
    %div3A = arith.constant 1.000000e+04 : f32
    %div3A_33 = vector.broadcast %div3A : f32 to vector<128xf32>
    %div3A_34 = arith.divf %reduce_sum3A_32, %div3A_33 : vector<128xf32>
    %broadcast_in_dim3A_35 = vector.shape_cast %div3A_34 : vector<128xf32> to vector<1x128xf32>
    %sub3A = vector.broadcast %broadcast_in_dim3A_35 : vector<1x128xf32> to vector<10000x128xf32>
    %sub3A_36 = arith.subf %add3A_31, %sub3A : vector<10000x128xf32>
    %mul3A_37 = arith.mulf %sub3A_36, %sub3A_36 : vector<10000x128xf32>
    %reduce_sum3A_38 = arith.constant dense<0.000000e+00> : vector<128xf32>
    %reduce_sum3A_39 = vector.multi_reduction <add>, %mul3A_37, %reduce_sum3A_38 [0] : vector<10000x128xf32> to vector<128xf32>
    %div3A_40 = arith.constant 1.000000e+04 : f32
    %div3A_41 = vector.broadcast %div3A_40 : f32 to vector<128xf32>
    %div3A_42 = arith.divf %reduce_sum3A_39, %div3A_41 : vector<128xf32>
    %add3A_43 = arith.constant 9.99999974E-6 : f32
    %add3A_44 = vector.broadcast %add3A_43 : f32 to vector<128xf32>
    %add3A_45 = arith.addf %div3A_42, %add3A_44 : vector<128xf32>
    %rsqrt3A_46 = math.rsqrt %add3A_45 : vector<128xf32>
    %broadcast_in_dim3A_47 = vector.shape_cast %rsqrt3A_46 : vector<128xf32> to vector<1x128xf32>
    %mul3A_48 = vector.broadcast %broadcast_in_dim3A_47 : vector<1x128xf32> to vector<10000x128xf32>
    %mul3A_49 = arith.mulf %sub3A_36, %mul3A_48 : vector<10000x128xf32>
    %get3A_50 = arith.constant 0 : index
    %get3A_51 = vector.load %arg3[%get3A_50] : memref<128xf32, #tpu.memory_space<vmem>>, vector<128xf32>
    %broadcast_in_dim3A_52 = vector.shape_cast %get3A_51 : vector<128xf32> to vector<1x128xf32>
    %mul3A_53 = vector.broadcast %broadcast_in_dim3A_52 : vector<1x128xf32> to vector<10000x128xf32>
    %mul3A_54 = arith.mulf %mul3A_49, %mul3A_53 : vector<10000x128xf32>
    %get3A_55 = arith.constant 0 : index
    %get3A_56 = vector.load %arg4[%get3A_55] : memref<128xf32, #tpu.memory_space<vmem>>, vector<128xf32>
    %broadcast_in_dim3A_57 = vector.shape_cast %get3A_56 : vector<128xf32> to vector<1x128xf32>
    %add3A_58 = vector.broadcast %broadcast_in_dim3A_57 : vector<1x128xf32> to vector<10000x128xf32>
    %add3A_59 = arith.addf %mul3A_54, %add3A_58 : vector<10000x128xf32>
    %max3A = arith.constant 0.000000e+00 : f32
    %max3A_60 = vector.broadcast %max3A : f32 to vector<10000x128xf32>
    %max3A_61 = arith.maximumf %add3A_59, %max3A_60 : vector<10000x128xf32>
    %iota3A = tpu.iota {dimensions = array<i32: 0>} : vector<64x10000xi32>
    %get3A_62 = arith.constant 0 : index
    %get3A_63 = vector.load %arg6[%get3A_62] : memref<10000xi32, #tpu.memory_space<vmem>>, vector<10000xi32>
    %broadcast_in_dim3A_64 = vector.shape_cast %get3A_63 : vector<10000xi32> to vector<1x10000xi32>
    %eq3A = vector.broadcast %broadcast_in_dim3A_64 : vector<1x10000xi32> to vector<64x10000xi32>
    %eq3A_65 = arith.cmpi eq, %eq3A, %iota3A : vector<64x10000xi32>
    %convert_element_type3A = arith.extui %eq3A_65 : vector<64x10000xi1> to vector<64x10000xi32>
    %convert_element_type3A_66 = arith.sitofp %convert_element_type3A : vector<64x10000xi32> to vector<64x10000xf32>
    %dot_general3A = arith.constant dense<0.000000e+00> : vector<64x128xf32>
    %dot_general3A_67 = tpu.matmul %convert_element_type3A_66, %max3A_61, %dot_general3A {dimension_numbers = #tpu.dot_dimension_numbers<[1], [0], [0], [1], [0, 0, 1, 1], [], []>, transpose_lhs_hint = false} : vector<64x10000xf32>, vector<10000x128xf32>, vector<64x128xf32> -> vector<64x128xf32>
    %reduce_sum3A_68 = arith.constant dense<0.000000e+00> : vector<64xf32>
    %reduce_sum3A_69 = vector.multi_reduction <add>, %convert_element_type3A_66, %reduce_sum3A_68 [1] : vector<64x10000xf32> to vector<64xf32>
    %max3A_70 = arith.constant 1.000000e+00 : f32
    %max3A_71 = vector.broadcast %max3A_70 : f32 to vector<64xf32>
    %max3A_72 = arith.maximumf %reduce_sum3A_69, %max3A_71 : vector<64xf32>
    %broadcast_in_dim3A_73 = vector.shape_cast %max3A_72 : vector<64xf32> to vector<64x1xf32>
    %div3A_74 = vector.broadcast %broadcast_in_dim3A_73 : vector<64x1xf32> to vector<64x128xf32>
    %div3A_75 = arith.divf %dot_general3A_67, %div3A_74 : vector<64x128xf32>
    %swap3A = arith.constant 0 : index
    %swap3A_76 = arith.constant 0 : index
    %swap3A_77 = vector.load %arg7[%swap3A, %swap3A_76] : memref<64x128xf32, #tpu.memory_space<vmem>>, vector<64x128xf32>
    tpu.vector_store %arg7[%swap3A, %swap3A_76], %div3A_75 {strides = array<i32>} : memref<64x128xf32, #tpu.memory_space<vmem>>, vector<64x128xf32>,
    return
  }
}

</mosaic_0001>

<sc_bundles>
// kernel: kernel.10.cloned.1.call-start
scs
__scs_entry_jumppad:
0x0: {  	(pc) =	sbr.rel $0x88, $3  }
0x1: {  	(tag) =	ssettag $0x0;
	lr =	simm.s32 $0x1  }
0x2: {  	[smem:$0x3F92] =	sst lr;
	_ =	strace $0xD0000000  }
0x3: {  	_ = 	snop  }
0x4: {  	_ = 	snop  }
0x5: {  	_ = 	snop  }
0x6: {  	_ = 	snop  }
0x7: {  	_ = 	snop  }
__scs_overlays_trampoline_lowered:
0x8: {  	[smem:$0x3FA1] =	sst s0  }
0x9: {  	[smem:$0x3FA2] =	sst s1  }
0xa: {  	[smem:$0x3FA3] =	sst s2  }
0xb: {  	[smem:$0x3FA4] =	sst s3  }
0xc: {  	[smem:$0x3FA5] =	sst s4  }
0xd: {  	[smem:$0x3FA6] =	sst s5  }
0xe: {  	[smem:$0x3FA7] =	sst s6  }
0xf: {  	[smem:$0x3FA8] =	sst s7  }
0x10: {  	[smem:$0x3FA9] =	sst s8  }
0x11: {  	[smem:$0x3FAA] =	sst s9;
	s0 =	simm.s32 @!p0 $0x0  }
0x12: {  	s1 =	sld [smem:$0x3F90];
	s0 =	simm.s32 @p0 $0x1  }
0x13: {  	[smem:$0x3FAB] =	sst s0;
	s0 =	simm.s32 @!p1 $0x0  }
0x14: {  	s2 =	sld [smem:$0x3F8F];
	s0 =	simm.s32 @p1 $0x1  }
0x15: {  	[smem:$0x3FAC] =	sst s0;
	s0 =	simm.s32 @!p2 $0x0  }
0x16: {  	s3 =	sld [smem:$0x3FDB];
	s0 =	simm.s32 @p2 $0x1  }
0x17: {  	s4 =	simm.s32 $0x1BF5;
	[smem:$0x3FAE] =	sst s0  }
0x18: {  	s0 =	sld [smem:$0x3F91];
	_ =	swait.ge [sflag:s4], $0x0  }
0x19: {  	s7 =	sld [smem:$0x3F92]  }
0x1a: {  	s8 =	sadd.s32 $0xFFFFE003, lr  }
0x1b: {  	s9 =	sadd.s32 $0xFFFFFEF7, lr;
	s5 =	simm.s32 $0xFFFFFFFF;
	p2 =	slt.u32 s8, $0xFFFFF086  }
0x1c: {  	p1 =	slt.u32 s9, $0xF7A;
	s5 =	simm.s32 @!p2 $0x0  }
0x1d: {  	s5 =	simm.s32 @p1 $0x1;
	p0 =	seq.s32 s7, s2  }
0x1e: {  	s7 =	smul.u32 @!p0 $0xF7A, s2;
	p2 =	seq.s32 @!p0 s5, $0x0  }
0x1f: {  	s9 =	smul.u32 $0xF7A, s1;
	s8 =	simm.s32 @!p0 $0x1BF5;
	p2 =	por !p2, p0  }
0x20: {  	[sflag:s8] =	ssyncset.s32 @!p0 $0xFFFFF086;
	s6 =	sadd.s32 @!p0 s3, s7;
	s7 =	simm.s32 @!p0 $0x108  }
0x21: {  	s3 =	sadd.s32 s3, s9;
	s6 =	sadd.s32 @!p0 $0x88, s6;
	s7 =	simm.s32 @p2 $0x1082  }
0x22: {  	[simem:s7], [sflag:s8] =	dma.local @!p0 [hbm:s6], $0xF7A  }
0x23: {  	s9 =	sor.u32 $0xD0000000, s2;
	s6 =	simm.s32 $0x108;
	_ =	swait.ge @!p0 [sflag:s8], $0x0  }
0x24: {  	s3 =	sadd.s32 $0x88, s3;
	s6 =	simm.s32 @!p1 $0x1082;
	[sflag:s4] =	ssyncset.s32 $0xFFFFF086  }
0x25: {  	[simem:s6], [sflag:s4] =	dma.local [hbm:s3], $0xF7A  }
0x26: {  	[smem:$0x3F92] =	sst s1;
	(tag) =	ssettag s2;
	_ =	strace s9  }
0x27: {  	s1 =	sld [smem:$0x3FA2]  }
0x28: {  	s2 =	sld [smem:$0x3FA3]  }
0x29: {  	s4 =	sld [smem:$0x3FA5]  }
0x2a: {  	p0 =	seq.s32 s5, $0x0;
	s5 =	sld [smem:$0x3FA6]  }
0x2b: {  	s6 =	sld [smem:$0x3FA7]  }
0x2c: {  	s7 =	sld [smem:$0x3FA8]  }
0x2d: {  	s3 =	simm.s32 $0x108;
	s8 =	sld [smem:$0x3FA9]  }
0x2e: {  	s3 =	simm.s32 @!p0 $0x1082;
	s9 =	sld [smem:$0x3FAA]  }
0x2f: {  	lr =	sadd.s32 s0, s3;
	s0 =	sld [smem:$0x3FA1]  }
0x30: {  	s3 =	sld [smem:$0x3FA4]  }
0x31: {  	[smem:$0x3FAD] =	sst s10  }
0x32: {  	s10 =	sld [smem:$0x3FAB];
	_ =	sdelay $0x3  }
0x33: {  	p0 =	seq.s32 s10, $0x1;
	s10 =	sld [smem:$0x3FAD];
	_ =	sdelay $0x3  }
0x34: {  	[smem:$0x3FAD] =	sst s10  }
0x35: {  	s10 =	sld [smem:$0x3FAC];
	_ =	sdelay $0x3  }
0x36: {  	p1 =	seq.s32 s10, $0x1;
	s10 =	sld [smem:$0x3FAD];
	_ =	sdelay $0x3  }
0x37: {  	[smem:$0x3FAD] =	sst s10  }
0x38: {  	s10 =	sld [smem:$0x3FAE]  }
0x39: {  	_ = 	snop;
	(pc) =	sbr.ind lr, $3  }
0x3a: {  	_ = 	snop  }
0x3b: {  	_ = 	snop  }
0x3c: {  	p2 =	seq.s32 s10, $0x1;
	s10 =	sld [smem:$0x3FAD]  }
0x3d: {  	_ =	shalt  }
0x3e: {  	_ =	shalt  }
0x3f: {  	_ =	shalt  }
0x40: {  	_ =	shalt  }
0x41: {  	_ =	shalt  }
0x42: {  	_ =	shalt  }
0x43: {  	_ =	shalt  }
0x44: {  	_ =	shalt  }
0x45: {  	_ =	shalt  }
0x46: {  	_ =	shalt  }
0x47: {  	_ =	shalt  }
0x48: {  	_ =	shalt  }
0x49: {  	_ =	shalt  }
0x4a: {  	_ =	shalt  }
0x4b: {  	_ =	shalt  }
0x4c: {  	_ =	shalt  }
0x4d: {  	_ =	shalt  }
0x4e: {  	_ =	shalt  }
0x4f: {  	_ =	shalt  }
0x50: {  	_ =	shalt  }
0x51: {  	_ =	shalt  }
0x52: {  	_ =	shalt  }
0x53: {  	_ =	shalt  }
0x54: {  	_ =	shalt  }
0x55: {  	_ =	shalt  }
0x56: {  	_ =	shalt  }
0x57: {  	_ =	shalt  }
0x58: {  	_ =	shalt  }
0x59: {  	_ =	shalt  }
0x5a: {  	_ =	shalt  }
0x5b: {  	_ =	shalt  }
0x5c: {  	_ =	shalt  }
0x5d: {  	_ =	shalt  }
0x5e: {  	_ =	shalt  }
0x5f: {  	_ =	shalt  }
0x60: {  	_ =	shalt  }
0x61: {  	_ =	shalt  }
0x62: {  	_ =	shalt  }
0x63: {  	_ =	shalt  }
0x64: {  	_ =	shalt  }
0x65: {  	_ =	shalt  }
0x66: {  	_ =	shalt  }
0x67: {  	_ =	shalt  }
0x68: {  	_ =	shalt  }
0x69: {  	_ =	shalt  }
0x6a: {  	_ =	shalt  }
0x6b: {  	_ =	shalt  }
0x6c: {  	_ =	shalt  }
0x6d: {  	_ =	shalt  }
0x6e: {  	_ =	shalt  }
0x6f: {  	_ =	shalt  }
0x70: {  	_ =	shalt  }
0x71: {  	_ =	shalt  }
0x72: {  	_ =	shalt  }
0x73: {  	_ =	shalt  }
0x74: {  	_ =	shalt  }
0x75: {  	_ =	shalt  }
0x76: {  	_ =	shalt  }
0x77: {  	_ =	shalt  }
0x78: {  	_ =	shalt  }
0x79: {  	_ =	shalt  }
0x7a: {  	_ =	shalt  }
0x7b: {  	_ =	shalt  }
0x7c: {  	_ =	shalt  }
0x7d: {  	_ =	shalt  }
0x7e: {  	_ =	shalt  }
0x7f: {  	_ =	shalt  }
0x80: {  	_ =	shalt  }
0x81: {  	_ =	shalt  }
0x82: {  	_ =	shalt  }
0x83: {  	_ =	shalt  }
0x84: {  	_ =	shalt  }
0x85: {  	_ =	shalt  }
0x86: {  	_ =	shalt  }
0x87: {  	_ =	shalt  }
.Lfunc_end0:
.L_simem_size_0:
called_computation_lowered:
.L_overlay_start_0:
0x88: {  	s2 =	sld [smem:$0x3FD9]  }
0x89: {  	s3 =	sld [smem:$0x3FFE];
	_ =	sdelay $0x1  }
0x8a: {  	s1 =	srdreg.scid  }
0x8b: {  	s0 =	sand.u32 $0x1, s1  }
0x8c: {  	s17 =	sshll.u32 s0, $0xA;
	s2 =	sadd.s32 s3, s2  }
0x8d: {  	s2 =	sadd.s32 s2, s17  }
0x8e: {  	[smem:$0x3FB9] =	sst s2  }
0x8f: {  	_ = 	snop  }
0x90: {  	s2 =	sld [smem:$0x3FD0];
	(tm) =	ssettm $0x1  }
0x91: {  	s18 =	sld [smem:$0x3FFB];
	_ =	sdelay $0x3  }
0x92: {  	_ =	strace s18  }
0x93: {  	s3 =	sld [smem:$0x3FFC];
	_ =	sdelay $0x3  }
0x94: {  	_ =	strace s3  }
0x95: {  	s3 =	sld [smem:$0x3FFD];
	_ =	sdelay $0x3  }
0x96: {  	_ =	strace s3  }
0x97: {  	_ =	strace $0x8FFFFFFF  }
0x98: {  	s19 =	sld [smem:$0x3FDB];
	_ =	sdelay $0x1  }
0x99: {  	s4 =	simm.s32 $_scs_section_size  }
0x9a: {  	s5 =	simm.s32 $_size__tile_overlayer_lowered;
	s6 =	simm.s32 $_tile_overlayer_lowered  }
0x9b: {  	s22 =	simm.s32 $0x1BFF;
	s21 =	sshll.u32 s6, $0x1;
	s3 =	sadd.s32 s4, s19  }
0x9c: {  	s7 =	simm.s32 $0x0;
	s20 =	sshll.u32 s5, $0x1;
	s5 =	sadd.s32 s21, s3  }
0x9d: {  	[timem:s7], [sflag:s22] =	dma.local [hbm:s5], s20  }
0x9e: {  	_ =	swait.ge [sflag:s22], s20  }
0x9f: {  	s4 =	ssub.s32 $0x0, s20;
	[sflag:s22] =	ssyncset.done $0x0  }
0xa0: {  	[sflag:s22] =	ssyncadd.s32 s4;
	_ =	sdelay $0x1  }
0xa1: {  	s23 =	simm.s32 $0x1B8B  }
0xa2: {  	_ =	swait.ge [sflag:s23], $0x1  }
0xa3: {  	[sflag:s23] =	ssyncset.done $0x0  }
0xa4: {  	s25 =	simm.s32 $0x1B8E;
	s24 =	sld [smem:$0x3FFE];
	[sflag:s23] =	ssyncadd.s32 $0xFFFFFFFF  }
0xa5: {  	s26 =	simm.s32 $execute0_lowered;
	[smem:$0x3FD2] =	sst s25  }
0xa6: {  	s5 =	sshll.u32 s26, $0x1;
	_ =	strace $0x80000046;
	[dreg:$0x1] =	wrdreg $0xFFFFFFFF  }
0xa7: {  	s28 =	simm.s32 $_size_execute0_lowered;
	s3 =	sadd.s32 s3, s5;
	[dreg:$0x0] =	wrdreg $0x0  }
0xa8: {  	s5 =	sshll.u32 s28, $0x1;
	[dreg:$0x2] =	wrdreg s3  }
0xa9: {  	[dreg:$0x3] =	wrdreg s5  }
0xaa: {  	[dreg:$0x4] =	wrdreg $0xC0  }
0xab: {  	_ =	task [dreg:s7], $0x5FFFF  }
0xac: {  	[dreg:$0x1] =	wrdreg $0xFFFFFFFF  }
0xad: {  	[dreg:$0x0] =	wrdreg $0x60  }
0xae: {  	[dreg:$0x2] =	wrdreg s24  }
0xaf: {  	[dreg:$0x3] =	wrdreg s2  }
0xb0: {  	[dreg:$0x4] =	wrdreg $0x9000  }
0xb1: {  	[dreg:$0x5] =	wrdreg $0x9  }
0xb2: {  	_ =	task.clear_ibuf [dreg:s7], $0x6FFFF;
	_ =	strace $0x90000046  }
0xb3: {  	s29 =	simm.s32 $0x9;
	_ =	strace $0x80000048  }
0xb4: {  	_ =	swait.ge [sflag:s29], $0x1  }
0xb5: {  	[sflag:s29] =	ssyncadd.s32 $0xFFFFFFFF  }
0xb6: {  	_ =	strace $0x90000048  }
0xb7: {  	_ =	sfence  }
0xb8: {  	s30 =	sld [smem:$0x0];
	_ =	sdelay $0x2  }
0xb9: {  	s31 =	sshll.u32 s1, $0xD;
	s1 =	sshrl.u32 s1, $0x2  }
0xba: {  	s3 =	sand.u32 $0x4000, s31;
	s1 =	sadd.s32 s1, s30  }
0xbb: {  	s0 =	sor.u32 s3, s0;
	s1 =	sshll.u32 s1, $0x11  }
0xbc: {  	s0 =	sor.u32 s1, s0  }
0xbd: {  	s0 =	sadd.s32 $0x8F2B, s0  }
0xbe: {  	[sflag:s0] =	ssyncadd.remote.s32 $0x1  }
0xbf: {  	_ =	sfence.sel $0xFFFF  }
0xc0: {  	[dreg:$0x0] =	wrdreg $0xFFFFFFFF;
	(pc) =	sbr.abs _section_cstart, $3  }
0xc1: {  	[dreg:$0x1] =	wrdreg $0xFFFFFFFF  }
0xc2: {  	_ =	task.clear_ibuf [dreg:s7], $0x2FFFF;
	_ =	strace $0x9FFFFFFF  }
0xc3: {  	(tm) =	ssettm $0x7FFFFFFF  }
tec
execute0_lowered:
.L_overlay_start_1:
0x0: {  	(tag) =	ssettag $0x1  }
0x1: {  	s5 =	rddreg [dreg:$0x0]  }
0x2: {  	s2 =	rddreg [dreg:$0x1]  }
0x3: {  	s3 =	rddreg [dreg:$0x2]  }
0x4: {  	s0 =	rddreg [dreg:$0x3]  }
0x5: {  	s1 =	stileid.u32;
	s6 =	srdreg.scid;
	s4 =	simm.s32 $0x0  }
0x6: {  	s16 =	simm.s32 $0x80;
	s17 =	simm.s32 $0x2;
	s18 =	simm.s32 $0x0  }
0x7: {  	s7 =	smul.u32 $0x2780, s1;
	s8 =	sand.u32 $0x1, s6;
	[smem:$0x7FF] =	sst s4  }
0x8: {  	s10 =	sadd.s32 $0x4000, s5;
	s12 =	sshll.u32 s1, $0x1;
	s14 =	smul.u32 $0xA00, s1  }
0x9: {  	s30 =	sshll.u32 s1, $0x6;
	s6 =	smul.u32 $0x27800, s8;
	_ =	strace $0x80000047  }
0xa: {  	s11 =	ssub.s32 $0x2, s8;
	s26 =	sor.u32 s8, s12;
	s15 =	smul.u32 $0x500, s8  }
0xb: {  	s9 =	sshrl.u32 s7, $0x3;
	s25 =	sshrl.u32 s11, $0x1;
	s28 =	sadd.s32 s7, s3  }
0xc: {  	s29 =	smul.u32 $0x500, s26;
	s31 =	sadd.s32 s14, s10;
	s14 =	simm.s32 $0x100  }
0xd: {  	s9 =	sadd.s32 s9, s5;
	s6 =	sadd.s32 s7, s6;
	s11 =	ssub.s32 s11, s25  }
0xe: {  	s12 =	sshrl.u32 s28, $0x3;
	s6 =	sshrl.u32 s6, $0x3;
	s7 =	sadd.s32 s10, s29  }
0xf: {  	s13 =	sadd.s32 s6, s5;
	s5 =	sadd.s32 $0x18000, s9;
	s6 =	sor.u32 $0x1C03, s30  }
0x10: {  	s9 =	smax.u32 s11, $0x1;
	s10 =	sadd.s32 $0x4F0, s7;
	s11 =	sadd.s32 s15, s31  }
0x11: {  	s15 =	simm.s32 $0x1;
	s8 =	sadd.s32 $0x1D000, s13;
	s13 =	simm.s32 $0x3  }
.LBB2_1:
0x12: {  	[spmem:s12], [sflag:s6] =	dma.local [hbm:s5], $0x4F0  }
0x13: {  	_ =	swait.ge [sflag:s13], $0x4F0  }
0x14: {  	[sflag:s13] =	ssyncset.done $0x0  }
0x15: {  	[sflag:s13] =	ssyncadd.s32 $0xFFFFFB10  }
0x16: {  	[tilespmem:s14], [sflag:$0x3] =	stream.linear.gather [hbm4b:s2+s4], $0x800, $0x38;
	[tilespmem:$0x3080] =	vst v63  }
0x17: {  	_ =	swait.ge [sflag:s13], $0x800  }
0x18: {  	[sflag:s13] =	ssyncset.done $0x0  }
0x19: {  	[sflag:s13] =	ssyncadd.s32 $0xFFFFF800  }
0x1a: {  	[bflag:$0x0] =	sbarrier.arrive $0xFFFF  }
0x1b: {  	[tilespmem:s4], [sflag:$0x1] =	stream.linear.gather [hbm4b:s7+s4], $0x80, $0x38;
	[tilespmem:$0x3080] =	vst v63  }
0x1c: {  	_ =	swait.ge [sflag:s15], $0x80  }
0x1d: {  	s19 =	sadd.s32 $0xFFFFFB20, s11;
	[sflag:s15] =	ssyncset.done $0x0  }
0x1e: {  	s20 =	sadd.s32 $0x4F0, s19;
	[sflag:s15] =	ssyncadd.s32 $0xFFFFFF80  }
0x1f: {  	[tilespmem:s16], [sflag:$0x2] =	stream.linear.gather [hbm4b:s20+s4], $0x80, $0x38;
	[tilespmem:$0x3080] =	vst v63  }
0x20: {  	_ = 	snop  }
0x21: {  	[spmem:s3] =	stream.indirect.scatter.add.f32 [tilespmem:s14], [sflag:$0x3], $0x10, s4, s16, $0xb8;
	[tilespmem:$0x3080] =	vst v63  }
0x22: {  	_ =	swait.ge [sflag:s13], $0x800  }
0x23: {  	[sflag:s13] =	ssyncset.done $0x0  }
0x24: {  	[sflag:s13] =	ssyncadd.s32 $0xFFFFF800  }
0x25: {  	_ =	swait.ge [sflag:s17], $0x80  }
0x26: {  	[sflag:s17] =	ssyncset.done $0x0  }
0x27: {  	s19 =	sadd.s32 $0x500, s19;
	[sflag:s17] =	ssyncadd.s32 $0xFFFFFF80  }
0x28: {  	[tilespmem:s4], [sflag:$0x1] =	stream.linear.gather [hbm4b:s19+s4], $0x80, $0x38;
	[tilespmem:$0x3080] =	vst v63  }
0x29: {  	_ = 	snop  }
0x2a: {  	[spmem:s3] =	stream.indirect.scatter.add.f32 [tilespmem:s14], [sflag:$0x3], $0x10, s16, s16, $0xb8;
	[tilespmem:$0x3080] =	vst v63  }
0x2b: {  	_ =	swait.ge [sflag:s13], $0x800  }
0x2c: {  	s19 =	simm.s32 $0xFFFFFB40;
	[sflag:s13] =	ssyncset.done $0x0  }
.LBB2_2:
0x2d: {  	p0 =	sne.s32 s19, $0xFFFFFFE0  }
0x2e: {  	[sflag:s13] =	ssyncadd.s32 $0xFFFFF800;
	s20 =	smov.u32 s19;
	s19 =	sadd.s32 $0x20, s19  }
0x2f: {  	_ = 	snop  }
0x30: {  	_ =	swait.ge [sflag:s15], $0x80  }
0x31: {  	s20 =	sadd.s32 s20, s11;
	[sflag:s15] =	ssyncset.done $0x0  }
0x32: {  	s21 =	sadd.s32 $0x4F0, s20;
	[sflag:s15] =	ssyncadd.s32 $0xFFFFFF80  }
0x33: {  	[tilespmem:s16], [sflag:$0x2] =	stream.linear.gather [hbm4b:s21+s4], $0x80, $0x38;
	[tilespmem:$0x3080] =	vst v63  }
0x34: {  	_ = 	snop  }
0x35: {  	[spmem:s3] =	stream.indirect.scatter.add.f32 [tilespmem:s14], [sflag:$0x3], $0x10, s4, s16, $0xb8;
	[tilespmem:$0x3080] =	vst v63  }
0x36: {  	_ =	swait.ge [sflag:s13], $0x800  }
0x37: {  	[sflag:s13] =	ssyncset.done $0x0  }
0x38: {  	[sflag:s13] =	ssyncadd.s32 $0xFFFFF800  }
0x39: {  	_ =	swait.ge [sflag:s17], $0x80  }
0x3a: {  	[sflag:s17] =	ssyncset.done $0x0  }
0x3b: {  	s20 =	sadd.s32 $0x500, s20;
	[sflag:s17] =	ssyncadd.s32 $0xFFFFFF80  }
0x3c: {  	[tilespmem:s4], [sflag:$0x1] =	stream.linear.gather [hbm4b:s20+s4], $0x80, $0x38;
	[tilespmem:$0x3080] =	vst v63  }
.Ltmp0:
0x3d: {  	_ = 	snop;
	(pc) =	sbr.rel @p0 .LBB2_2-.Ltmp0, $4  }
0x3e: {  	_ = 	snop  }
0x3f: {  	[spmem:s3] =	stream.indirect.scatter.add.f32 [tilespmem:s14], [sflag:$0x3], $0x10, s16, s16, $0xb8;
	[tilespmem:$0x3080] =	vst v63  }
0x40: {  	_ =	swait.ge [sflag:s13], $0x800  }
0x41: {  	[sflag:s13] =	ssyncset.done $0x0  }
0x42: {  	[sflag:s13] =	ssyncadd.s32 $0xFFFFF800  }
0x43: {  	_ =	swait.ge [sflag:s15], $0x80  }
0x44: {  	[sflag:s15] =	ssyncset.done $0x0  }
0x45: {  	[sflag:s15] =	ssyncadd.s32 $0xFFFFFF80  }
0x46: {  	[tilespmem:s16], [sflag:$0x2] =	stream.linear.gather [hbm4b:s10+s4], $0x80, $0x38;
	[tilespmem:$0x3080] =	vst v63  }
0x47: {  	_ = 	snop  }
0x48: {  	[spmem:s3] =	stream.indirect.scatter.add.f32 [tilespmem:s14], [sflag:$0x3], $0x10, s4, s16, $0xb8;
	[tilespmem:$0x3080] =	vst v63  }
0x49: {  	_ =	swait.ge [sflag:s13], $0x800  }
0x4a: {  	[sflag:s13] =	ssyncset.done $0x0  }
0x4b: {  	[sflag:s13] =	ssyncadd.s32 $0xFFFFF800  }
0x4c: {  	_ =	swait.ge [sflag:s17], $0x80  }
0x4d: {  	[sflag:s17] =	ssyncset.done $0x0  }
0x4e: {  	[sflag:s17] =	ssyncadd.s32 $0xFFFFFF80  }
0x4f: {  	[spmem:s3] =	stream.indirect.scatter.add.f32 [tilespmem:s14], [sflag:$0x3], $0x10, s16, s16, $0xb8;
	[tilespmem:$0x3080] =	vst v63  }
0x50: {  	_ =	swait.ge [sflag:s13], $0x800  }
0x51: {  	s18 =	sadd.s32 $0x1, s18;
	[sflag:s13] =	ssyncset.done $0x0  }
0x52: {  	p0 =	sne.s32 s18, s9;
	[sflag:s13] =	ssyncadd.s32 $0xFFFFF800  }
.Ltmp1:
0x53: {  	[bflag:$0x0] =	sbarrier.arrive $0xFFFF;
	(pc) =	sbr.rel @p0 .LBB2_1-.Ltmp1, $4  }
0x54: {  	[hbm:s8], [sflag:s6] =	dma.local [spmem:s12], $0x4F0  }
0x55: {  	_ =	swait.ge [sflag:s13], $0x4F0  }
0x56: {  	[sflag:s13] =	ssyncset.done $0x0  }
0x57: {  	[sflag:s13] =	ssyncadd.s32 $0xFFFFFB10  }
0x58: {  	_ =	sfence.sel $0x180000  }
0x59: {  	[bflag:$0x0] =	sbarrier.arrive $0xFFFF  }
0x5a: {  	p0 =	sne.s32 s1, $0x0;
	_ =	strace $0x90000047  }
0x5b: {  	s0 =	sadd.s32 @!p0 $0x100000, s0;
	[bflag:$0x2] =	sbarrier.arrive $0xFFFF  }
0x5c: {  	[sflag:s0] =	ssyncadd.tile.s32 @!p0 $0x1;
	_ =	shalt  }
.Lfunc_end2:
_tile_overlayer_lowered:
.L_overlay_start_2:
0x5d: {  	(tag) =	ssettag $0x2  }
0x5e: {  	s0 =	rddreg [dreg:$0x0];
	s2 =	stileid.u32  }
0x5f: {  	s1 =	rddreg [dreg:$0x1];
	p0 =	sne.s32 s2, $0x0  }
0x60: {  	s3 =	rddreg [dreg:$0x2];
	[bflag:$0x3] =	sbarrier.arrive $0xFFFF;
	s2 =	simm.s32 @!p0 $0x1C03  }
0x61: {  	[timem:s3], [sflag:s2] =	dma.local @!p0 [hbm:s0], s1  }
0x62: {  	s0 =	simm.s32 @!p0 $0x3  }
0x63: {  	_ =	swait.ge @!p0 [sflag:s0], s1  }
0x64: {  	s1 =	ssub.s32 @!p0 $0x0, s1;
	[sflag:s0] =	ssyncset.done @!p0 $0x0  }
0x65: {  	[sflag:s0] =	ssyncadd.s32 @!p0 s1  }
0x66: {  	[bflag:$0x3] =	sbarrier.arrive $0xFFFF  }
0x67: {  	_ =	shalt  }

// kernel: kernel.13.cloned.1.call-start
scs
__scs_entry_jumppad:
0x0: {  	(pc) =	sbr.rel $0x88, $3  }
0x1: {  	(tag) =	ssettag $0x0;
	lr =	simm.s32 $0x1  }
0x2: {  	[smem:$0x3F92] =	sst lr;
	_ =	strace $0xD0000000  }
0x3: {  	_ = 	snop  }
0x4: {  	_ = 	snop  }
0x5: {  	_ = 	snop  }
0x6: {  	_ = 	snop  }
0x7: {  	_ = 	snop  }
__scs_overlays_trampoline_lowered:
0x8: {  	[smem:$0x3FA1] =	sst s0  }
0x9: {  	[smem:$0x3FA2] =	sst s1  }
0xa: {  	[smem:$0x3FA3] =	sst s2  }
0xb: {  	[smem:$0x3FA4] =	sst s3  }
0xc: {  	[smem:$0x3FA5] =	sst s4  }
0xd: {  	[smem:$0x3FA6] =	sst s5  }
0xe: {  	[smem:$0x3FA7] =	sst s6  }
0xf: {  	[smem:$0x3FA8] =	sst s7  }
0x10: {  	[smem:$0x3FA9] =	sst s8  }
0x11: {  	[smem:$0x3FAA] =	sst s9;
	s0 =	simm.s32 @!p0 $0x0  }
0x12: {  	s1 =	sld [smem:$0x3F90];
	s0 =	simm.s32 @p0 $0x1  }
0x13: {  	[smem:$0x3FAB] =	sst s0;
	s0 =	simm.s32 @!p1 $0x0  }
0x14: {  	s2 =	sld [smem:$0x3F8F];
	s0 =	simm.s32 @p1 $0x1  }
0x15: {  	[smem:$0x3FAC] =	sst s0;
	s0 =	simm.s32 @!p2 $0x0  }
0x16: {  	s3 =	sld [smem:$0x3FDB];
	s0 =	simm.s32 @p2 $0x1  }
0x17: {  	s4 =	simm.s32 $0x1BF5;
	[smem:$0x3FAE] =	sst s0  }
0x18: {  	s0 =	sld [smem:$0x3F91];
	_ =	swait.ge [sflag:s4], $0x0  }
0x19: {  	s7 =	sld [smem:$0x3F92]  }
0x1a: {  	s8 =	sadd.s32 $0xFFFFE003, lr  }
0x1b: {  	s9 =	sadd.s32 $0xFFFFFEF7, lr;
	s5 =	simm.s32 $0xFFFFFFFF;
	p2 =	slt.u32 s8, $0xFFFFF086  }
0x1c: {  	p1 =	slt.u32 s9, $0xF7A;
	s5 =	simm.s32 @!p2 $0x0  }
0x1d: {  	s5 =	simm.s32 @p1 $0x1;
	p0 =	seq.s32 s7, s2  }
0x1e: {  	s7 =	smul.u32 @!p0 $0xF7A, s2;
	p2 =	seq.s32 @!p0 s5, $0x0  }
0x1f: {  	s9 =	smul.u32 $0xF7A, s1;
	s8 =	simm.s32 @!p0 $0x1BF5;
	p2 =	por !p2, p0  }
0x20: {  	[sflag:s8] =	ssyncset.s32 @!p0 $0xFFFFF086;
	s6 =	sadd.s32 @!p0 s3, s7;
	s7 =	simm.s32 @!p0 $0x108  }
0x21: {  	s3 =	sadd.s32 s3, s9;
	s6 =	sadd.s32 @!p0 $0x88, s6;
	s7 =	simm.s32 @p2 $0x1082  }
0x22: {  	[simem:s7], [sflag:s8] =	dma.local @!p0 [hbm:s6], $0xF7A  }
0x23: {  	s9 =	sor.u32 $0xD0000000, s2;
	s6 =	simm.s32 $0x108;
	_ =	swait.ge @!p0 [sflag:s8], $0x0  }
0x24: {  	s3 =	sadd.s32 $0x88, s3;
	s6 =	simm.s32 @!p1 $0x1082;
	[sflag:s4] =	ssyncset.s32 $0xFFFFF086  }
0x25: {  	[simem:s6], [sflag:s4] =	dma.local [hbm:s3], $0xF7A  }
0x26: {  	[smem:$0x3F92] =	sst s1;
	(tag) =	ssettag s2;
	_ =	strace s9  }
0x27: {  	s1 =	sld [smem:$0x3FA2]  }
0x28: {  	s2 =	sld [smem:$0x3FA3]  }
0x29: {  	s4 =	sld [smem:$0x3FA5]  }
0x2a: {  	p0 =	seq.s32 s5, $0x0;
	s5 =	sld [smem:$0x3FA6]  }
0x2b: {  	s6 =	sld [smem:$0x3FA7]  }
0x2c: {  	s7 =	sld [smem:$0x3FA8]  }
0x2d: {  	s3 =	simm.s32 $0x108;
	s8 =	sld [smem:$0x3FA9]  }
0x2e: {  	s3 =	simm.s32 @!p0 $0x1082;
	s9 =	sld [smem:$0x3FAA]  }
0x2f: {  	lr =	sadd.s32 s0, s3;
	s0 =	sld [smem:$0x3FA1]  }
0x30: {  	s3 =	sld [smem:$0x3FA4]  }
0x31: {  	[smem:$0x3FAD] =	sst s10  }
0x32: {  	s10 =	sld [smem:$0x3FAB];
	_ =	sdelay $0x3  }
0x33: {  	p0 =	seq.s32 s10, $0x1;
	s10 =	sld [smem:$0x3FAD];
	_ =	sdelay $0x3  }
0x34: {  	[smem:$0x3FAD] =	sst s10  }
0x35: {  	s10 =	sld [smem:$0x3FAC];
	_ =	sdelay $0x3  }
0x36: {  	p1 =	seq.s32 s10, $0x1;
	s10 =	sld [smem:$0x3FAD];
	_ =	sdelay $0x3  }
0x37: {  	[smem:$0x3FAD] =	sst s10  }
0x38: {  	s10 =	sld [smem:$0x3FAE]  }
0x39: {  	_ = 	snop;
	(pc) =	sbr.ind lr, $3  }
0x3a: {  	_ = 	snop  }
0x3b: {  	_ = 	snop  }
0x3c: {  	p2 =	seq.s32 s10, $0x1;
	s10 =	sld [smem:$0x3FAD]  }
0x3d: {  	_ =	shalt  }
0x3e: {  	_ =	shalt  }
0x3f: {  	_ =	shalt  }
0x40: {  	_ =	shalt  }
0x41: {  	_ =	shalt  }
0x42: {  	_ =	shalt  }
0x43: {  	_ =	shalt  }
0x44: {  	_ =	shalt  }
0x45: {  	_ =	shalt  }
0x46: {  	_ =	shalt  }
0x47: {  	_ =	shalt  }
0x48: {  	_ =	shalt  }
0x49: {  	_ =	shalt  }
0x4a: {  	_ =	shalt  }
0x4b: {  	_ =	shalt  }
0x4c: {  	_ =	shalt  }
0x4d: {  	_ =	shalt  }
0x4e: {  	_ =	shalt  }
0x4f: {  	_ =	shalt  }
0x50: {  	_ =	shalt  }
0x51: {  	_ =	shalt  }
0x52: {  	_ =	shalt  }
0x53: {  	_ =	shalt  }
0x54: {  	_ =	shalt  }
0x55: {  	_ =	shalt  }
0x56: {  	_ =	shalt  }
0x57: {  	_ =	shalt  }
0x58: {  	_ =	shalt  }
0x59: {  	_ =	shalt  }
0x5a: {  	_ =	shalt  }
0x5b: {  	_ =	shalt  }
0x5c: {  	_ =	shalt  }
0x5d: {  	_ =	shalt  }
0x5e: {  	_ =	shalt  }
0x5f: {  	_ =	shalt  }
0x60: {  	_ =	shalt  }
0x61: {  	_ =	shalt  }
0x62: {  	_ =	shalt  }
0x63: {  	_ =	shalt  }
0x64: {  	_ =	shalt  }
0x65: {  	_ =	shalt  }
0x66: {  	_ =	shalt  }
0x67: {  	_ =	shalt  }
0x68: {  	_ =	shalt  }
0x69: {  	_ =	shalt  }
0x6a: {  	_ =	shalt  }
0x6b: {  	_ =	shalt  }
0x6c: {  	_ =	shalt  }
0x6d: {  	_ =	shalt  }
0x6e: {  	_ =	shalt  }
0x6f: {  	_ =	shalt  }
0x70: {  	_ =	shalt  }
0x71: {  	_ =	shalt  }
0x72: {  	_ =	shalt  }
0x73: {  	_ =	shalt  }
0x74: {  	_ =	shalt  }
0x75: {  	_ =	shalt  }
0x76: {  	_ =	shalt  }
0x77: {  	_ =	shalt  }
0x78: {  	_ =	shalt  }
0x79: {  	_ =	shalt  }
0x7a: {  	_ =	shalt  }
0x7b: {  	_ =	shalt  }
0x7c: {  	_ =	shalt  }
0x7d: {  	_ =	shalt  }
0x7e: {  	_ =	shalt  }
0x7f: {  	_ =	shalt  }
0x80: {  	_ =	shalt  }
0x81: {  	_ =	shalt  }
0x82: {  	_ =	shalt  }
0x83: {  	_ =	shalt  }
0x84: {  	_ =	shalt  }
0x85: {  	_ =	shalt  }
0x86: {  	_ =	shalt  }
0x87: {  	_ =	shalt  }
.Lfunc_end0:
.L_simem_size_0:
called_computation.1_lowered:
.L_overlay_start_0:
0x88: {  	s2 =	sld [smem:$0x3FD9]  }
0x89: {  	s3 =	sld [smem:$0x3FFE];
	_ =	sdelay $0x1  }
0x8a: {  	s1 =	srdreg.scid  }
0x8b: {  	s0 =	sand.u32 $0x1, s1  }
0x8c: {  	s16 =	sshll.u32 s0, $0xA;
	s2 =	sadd.s32 s3, s2  }
0x8d: {  	s2 =	sadd.s32 s2, s16  }
0x8e: {  	[smem:$0x3FB9] =	sst s2  }
0x8f: {  	_ = 	snop  }
0x90: {  	(tm) =	ssettm $0x1  }
0x91: {  	s17 =	sld [smem:$0x3FFB];
	_ =	sdelay $0x3  }
0x92: {  	_ =	strace s17  }
0x93: {  	s2 =	sld [smem:$0x3FFC];
	_ =	sdelay $0x3  }
0x94: {  	_ =	strace s2  }
0x95: {  	s2 =	sld [smem:$0x3FFD];
	_ =	sdelay $0x3  }
0x96: {  	_ =	strace s2  }
0x97: {  	_ =	strace $0x8FFFFFFF  }
0x98: {  	s18 =	sld [smem:$0x3FDB];
	_ =	sdelay $0x1  }
0x99: {  	s19 =	simm.s32 $_scs_section_size  }
0x9a: {  	s4 =	simm.s32 $_size__tile_overlayer_lowered;
	s5 =	simm.s32 $_tile_overlayer_lowered  }
0x9b: {  	s22 =	simm.s32 $0x1BFF;
	s21 =	sshll.u32 s5, $0x1;
	s2 =	sadd.s32 s19, s18  }
0x9c: {  	s6 =	simm.s32 $0x0;
	s20 =	sshll.u32 s4, $0x1;
	s4 =	sadd.s32 s21, s2  }
0x9d: {  	[timem:s6], [sflag:s22] =	dma.local [hbm:s4], s20  }
0x9e: {  	_ =	swait.ge [sflag:s22], s20  }
0x9f: {  	s3 =	ssub.s32 $0x0, s20;
	[sflag:s22] =	ssyncset.done $0x0  }
0xa0: {  	[sflag:s22] =	ssyncadd.s32 s3;
	_ =	sdelay $0x1  }
0xa1: {  	s23 =	simm.s32 $0x1B8B  }
0xa2: {  	_ =	swait.ge [sflag:s23], $0x1  }
0xa3: {  	[sflag:s23] =	ssyncset.done $0x0  }
0xa4: {  	s25 =	simm.s32 $0x1B8E;
	s24 =	sld [smem:$0x3FFE];
	[sflag:s23] =	ssyncadd.s32 $0xFFFFFFFF  }
0xa5: {  	s26 =	simm.s32 $execute0_lowered;
	[smem:$0x3FD2] =	sst s25  }
0xa6: {  	s4 =	sshll.u32 s26, $0x1;
	_ =	strace $0x80000049;
	[dreg:$0x1] =	wrdreg $0xFFFFFFFF  }
0xa7: {  	s28 =	simm.s32 $_size_execute0_lowered;
	s2 =	sadd.s32 s2, s4;
	[dreg:$0x0] =	wrdreg $0x0  }
0xa8: {  	s4 =	sshll.u32 s28, $0x1;
	[dreg:$0x2] =	wrdreg s2  }
0xa9: {  	[dreg:$0x3] =	wrdreg s4  }
0xaa: {  	[dreg:$0x4] =	wrdreg $0xC0  }
0xab: {  	_ =	task [dreg:s6], $0x5FFFF  }
0xac: {  	[dreg:$0x1] =	wrdreg $0xFFFFFFFF  }
0xad: {  	[dreg:$0x0] =	wrdreg $0x60  }
0xae: {  	[dreg:$0x2] =	wrdreg s24  }
0xaf: {  	[dreg:$0x3] =	wrdreg $0xC1000  }
0xb0: {  	[dreg:$0x4] =	wrdreg $0x9  }
0xb1: {  	_ =	task.clear_ibuf [dreg:s6], $0x5FFFF;
	_ =	strace $0x90000049  }
0xb2: {  	s29 =	simm.s32 $0x9;
	_ =	strace $0x8000004B  }
0xb3: {  	_ =	swait.ge [sflag:s29], $0x1  }
0xb4: {  	[sflag:s29] =	ssyncadd.s32 $0xFFFFFFFF  }
0xb5: {  	_ =	strace $0x9000004B  }
0xb6: {  	_ =	sfence  }
0xb7: {  	s30 =	sld [smem:$0x0];
	_ =	sdelay $0x2  }
0xb8: {  	s31 =	sshll.u32 s1, $0xD;
	s1 =	sshrl.u32 s1, $0x2  }
0xb9: {  	s3 =	sand.u32 $0x4000, s31;
	s1 =	sadd.s32 s1, s30  }
0xba: {  	s0 =	sor.u32 s3, s0;
	s1 =	sshll.u32 s1, $0x11  }
0xbb: {  	s0 =	sor.u32 s1, s0  }
0xbc: {  	s0 =	sadd.s32 $0x8F2B, s0  }
0xbd: {  	[sflag:s0] =	ssyncadd.remote.s32 $0x1  }
0xbe: {  	_ =	sfence.sel $0xFFFF  }
0xbf: {  	[dreg:$0x0] =	wrdreg $0xFFFFFFFF;
	(pc) =	sbr.abs _section_cstart, $3  }
0xc0: {  	[dreg:$0x1] =	wrdreg $0xFFFFFFFF  }
0xc1: {  	_ =	task.clear_ibuf [dreg:s6], $0x2FFFF;
	_ =	strace $0x9FFFFFFF  }
0xc2: {  	(tm) =	ssettm $0x7FFFFFFF  }
0xc3: {  	_ =	shalt  }
tec
execute0_lowered:
.L_overlay_start_1:
0x0: {  	(tag) =	ssettag $0x1  }
0x1: {  	s0 =	rddreg [dreg:$0x0]  }
0x2: {  	s2 =	rddreg [dreg:$0x1];
	s11 =	stileid.u32  }
0x3: {  	s1 =	srdreg.scid;
	s3 =	simm.s32 $0x0;
	s28 =	simm.s32 $0x3  }
0x4: {  	s29 =	simm.s32 $0x8100;
	s30 =	simm.s32 $0x4080;
	s31 =	simm.s32 $0x2  }
0x5: {  	s6 =	smul.u32 $0x13C00, s11;
	s1 =	sand.u32 $0x1, s1;
	[smem:$0x7FF] =	sst s3  }
0x6: {  	s9 =	sadd.s32 $0x26E00, s0;
	s4 =	sadd.s32 $0xE000, s0;
	s5 =	sadd.s32 $0x7FE00, s0  }
0x7: {  	s10 =	smul.u32 $0x4F000, s11;
	s21 =	sshll.u32 s11, $0x6;
	s22 =	sshll.u32 s11, $0x9  }
0x8: {  	s12 =	sadd.s32 $0xE020, s0;
	s7 =	smul.u32 $0x13C000, s1;
	_ =	strace $0x8000004A  }
0x9: {  	s18 =	ssub.s32 $0x2, s1;
	p0 =	seq.s32 s1, $0x1;
	s1 =	simm.s32 $0x0  }
0xa: {  	s8 =	sshrl.u32 s6, $0x3;
	s19 =	sshrl.u32 s18, $0x1;
	s20 =	sshrl.u32 s10, $0x2  }
0xb: {  	s6 =	sadd.s32 s6, s7;
	s8 =	sadd.s32 s8, s0;
	s16 =	ssub.s32 s18, s19  }
0xc: {  	s10 =	sadd.s32 s20, s2;
	s7 =	sor.u32 $0x1C05, s21;
	s18 =	sadd.s32 $0xE070, s0  }
0xd: {  	s19 =	sor.u32 $0x8180, s22;
	s6 =	sshrl.u32 s6, $0x3;
	s16 =	smax.u32 s16, $0x1  }
0xe: {  	s15 =	sadd.s32 s6, s0;
	s6 =	sadd.s32 $0xA7000, s8;
	s8 =	sshll.u32 s11, $0xB  }
0xf: {  	s21 =	sshrl.u32 s10, $0x3;
	s11 =	sor.u32 $0x8000, s22;
	s23 =	sadd.s32 s9, s8  }
0x10: {  	s22 =	simm.s32 $0x5;
	s24 =	sadd.s32 s4, s8;
	[dreg:$0x3] =	wrdreg s23  }
.Ltmp0:
0x11: {  	s9 =	sadd.s32 s9, s11;
	[dreg:$0x4] =	wrdreg s24;
	(pc) =	sbr.rel .LBB2_1-.Ltmp0, $4  }
0x12: {  	s0 =	simm.s32 $0x4;
	s25 =	sadd.s32 s4, s11;
	[dreg:$0x5] =	wrdreg s9  }
0x13: {  	s15 =	sadd.s32 $0xCE800, s15;
	s26 =	sor.u32 $0x780, s8;
	[dreg:$0x6] =	wrdreg s25  }
0x14: {  	s20 =	sadd.s32 s12, s8;
	[dreg:$0x7] =	wrdreg s26;
	s23 =	simm.s32 $0x80  }
0x15: {  	s24 =	simm.s32 $0x4100;
	s25 =	simm.s32 $0x4000;
	s26 =	simm.s32 $0x1  }
.LBB2_4:
0x16: {  	s9 =	simm.s32 $0x3F80;
	s10 =	rddreg [dreg:$0x7]  }
.LBB2_8:
0x17: {  	_ =	swait.ge [sflag:s26], $0x4000  }
0x18: {  	[sflag:s26] =	ssyncset.done $0x0  }
0x19: {  	[sflag:s26] =	ssyncadd.s32 $0xFFFFC000  }
0x1a: {  	_ =	swait.ge [sflag:s28], $0x80  }
0x1b: {  	[sflag:s28] =	ssyncset.done $0x0  }
0x1c: {  	[sflag:s28] =	ssyncadd.s32 $0xFFFFFF80  }
0x1d: {  	[tilespmem:s29], [sflag:$0x2] =	stream.indirect.gather [hbm4b:s5+s23], $0x80, s9, s23, $0xb8;
	[tilespmem:$0x1FD00] =	vst v63  }
0x1e: {  	s17 =	sadd.s32 s10, s18  }
0x1f: {  	[tilespmem:s30], [sflag:$0x4] =	stream.linear.gather [hbm4b:s17+s3], $0x80, $0x38;
	[tilespmem:$0x1FD00] =	vst v63  }
0x20: {  	_ = 	snop  }
0x21: {  	[spmem:s2] =	stream.indirect.scatter.add.f32 [tilespmem:s24], [sflag:$0x5], $0x80, s25, s23, $0xb8;
	[tilespmem:$0x1FD00] =	vst v63  }
0x22: {  	_ =	swait.ge [sflag:s22], $0x4000  }
0x23: {  	[sflag:s22] =	ssyncset.done $0x0  }
0x24: {  	[sflag:s22] =	ssyncadd.s32 $0xFFFFC000  }
0x25: {  	_ =	swait.ge [sflag:s31], $0x4000  }
0x26: {  	[sflag:s31] =	ssyncset.done $0x0  }
0x27: {  	[sflag:s31] =	ssyncadd.s32 $0xFFFFC000  }
0x28: {  	_ =	swait.ge [sflag:s0], $0x80  }
0x29: {  	[sflag:s0] =	ssyncset.done $0x0  }
0x2a: {  	[sflag:s0] =	ssyncadd.s32 $0xFFFFFF80  }
0x2b: {  	[spmem:s2] =	stream.indirect.scatter.add.f32 [tilespmem:s29], [sflag:$0x5], $0x80, s30, s23, $0xb8;
	[tilespmem:$0x1FD00] =	vst v63  }
0x2c: {  	_ =	swait.ge [sflag:s22], $0x4000  }
0x2d: {  	s1 =	sadd.s32 $0x1, s1;
	[sflag:s22] =	ssyncset.done $0x0  }
0x2e: {  	p1 =	sne.s32 s1, s16;
	[sflag:s22] =	ssyncadd.s32 $0xFFFFC000  }
.Ltmp1:
0x2f: {  	[bflag:$0x0] =	sbarrier.arrive $0xFFFF;
	(pc) =	sbr.rel @!p1 .LBB2_9-.Ltmp1, $4  }
0x30: {  	[hbm:s15], [sflag:s7] =	dma.local [spmem:s21], $0x2780  }
0x31: {  	_ =	swait.ge [sflag:s22], $0x2780  }
0x32: {  	[sflag:s22] =	ssyncset.done $0x0  }
0x33: {  	[sflag:s22] =	ssyncadd.s32 $0xFFFFD880  }
.LBB2_1:
0x34: {  	[spmem:s21], [sflag:s7] =	dma.local [hbm:s6], $0x2780  }
.Ltmp2:
0x35: {  	_ =	swait.ge [sflag:s22], $0x2780;
	(pc) =	sbr.rel @!p0 .LBB2_2-.Ltmp2, $4  }
0x36: {  	[sflag:s22] =	ssyncset.done $0x0  }
0x37: {  	[sflag:s22] =	ssyncadd.s32 $0xFFFFD880  }
0x38: {  	[bflag:$0x0] =	sbarrier.arrive $0xFFFF  }
0x39: {  	s9 =	simm.s32 $0x0  }
0x3a: {  	s10 =	rddreg [dreg:$0x5]  }
0x3b: {  	[tilespmem:s9], [sflag:$0x5] =	stream.linear.gather [hbm4b:s10+s9], $0x1000, $0x38;
	[tilespmem:$0x1FD00] =	vst v63  }
0x3c: {  	_ =	swait.ge [sflag:s22], $0x1000  }
0x3d: {  	[sflag:s22] =	ssyncset.done $0x0  }
0x3e: {  	[sflag:s22] =	ssyncadd.s32 $0xFFFFF000  }
0x3f: {  	[tilespmem:s24], [sflag:$0x1] =	stream.indirect.gather [hbm4b:s5+s23], $0x80, s9, s23, $0xb8;
	[tilespmem:$0x1FD00] =	vst v63  }
0x40: {  	s17 =	rddreg [dreg:$0x6]  }
0x41: {  	[tilespmem:s25], [sflag:$0x3] =	stream.linear.gather [hbm4b:s17+s9], $0x80, $0x38;
	[tilespmem:$0x1FD00] =	vst v63  }
.LBB2_6:
0x42: {  	_ =	swait.ge [sflag:s26], $0x4000  }
0x43: {  	[sflag:s26] =	ssyncset.done $0x0  }
0x44: {  	[sflag:s26] =	ssyncadd.s32 $0xFFFFC000  }
0x45: {  	s10 =	sshll.u32 s9, $0x8;
	_ =	swait.ge [sflag:s28], $0x80  }
0x46: {  	s10 =	sand.u32 $0x3FFFFF00, s10;
	[sflag:s28] =	ssyncset.done $0x0  }
0x47: {  	s17 =	sshll.u32 s9, $0x5;
	s13 =	sor.u32 $0x80, s10;
	[sflag:s28] =	ssyncadd.s32 $0xFFFFFF80  }
0x48: {  	[tilespmem:s29], [sflag:$0x2] =	stream.indirect.gather [hbm4b:s5+s23], $0x80, s13, s23, $0xb8;
	[tilespmem:$0x1FD00] =	vst v63  }
0x49: {  	s14 =	sadd.s32 s11, s17;
	s13 =	sand.u32 $0x60, s17  }
0x4a: {  	s17 =	sand.u32 $0x9F80, s14;
	s13 =	sadd.s32 s13, s4  }
0x4b: {  	s13 =	sadd.s32 s17, s13  }
0x4c: {  	s13 =	sadd.s32 $0x10, s13  }
0x4d: {  	[tilespmem:s30], [sflag:$0x4] =	stream.linear.gather [hbm4b:s13+s3], $0x80, $0x38;
	[tilespmem:$0x1FD00] =	vst v63  }
0x4e: {  	_ = 	snop  }
0x4f: {  	[spmem:s2] =	stream.indirect.scatter.add.f32 [tilespmem:s24], [sflag:$0x5], $0x80, s25, s23, $0xb8;
	[tilespmem:$0x1FD00] =	vst v63  }
0x50: {  	_ =	swait.ge [sflag:s22], $0x4000  }
0x51: {  	[sflag:s22] =	ssyncset.done $0x0  }
0x52: {  	[sflag:s22] =	ssyncadd.s32 $0xFFFFC000  }
0x53: {  	_ =	swait.ge [sflag:s31], $0x4000  }
0x54: {  	[sflag:s31] =	ssyncset.done $0x0  }
0x55: {  	[sflag:s31] =	ssyncadd.s32 $0xFFFFC000  }
0x56: {  	_ =	swait.ge [sflag:s0], $0x80  }
0x57: {  	[sflag:s0] =	ssyncset.done $0x0  }
0x58: {  	s10 =	sadd.s32 $0x100, s10;
	[sflag:s0] =	ssyncadd.s32 $0xFFFFFF80  }
0x59: {  	[tilespmem:s24], [sflag:$0x1] =	stream.indirect.gather [hbm4b:s5+s23], $0x80, s10, s23, $0xb8;
	[tilespmem:$0x1FD00] =	vst v63  }
0x5a: {  	p1 =	sne.s32 s9, $0xE;
	s17 =	sadd.s32 s14, s12  }
0x5b: {  	[tilespmem:s25], [sflag:$0x3] =	stream.linear.gather [hbm4b:s17+s3], $0x80, $0x38;
	[tilespmem:$0x1FD00] =	vst v63  }
.Ltmp3:
0x5c: {  	_ = 	snop;
	(pc) =	sbr.rel @p1 .LBB2_6-.Ltmp3, $4  }
0x5d: {  	[spmem:s2] =	stream.indirect.scatter.add.f32 [tilespmem:s29], [sflag:$0x5], $0x80, s30, s23, $0xb8;
	[tilespmem:$0x1FD00] =	vst v63  }
0x5e: {  	_ =	swait.ge [sflag:s22], $0x4000  }
0x5f: {  	[sflag:s22] =	ssyncset.done $0x0  }
0x60: {  	s9 =	sadd.s32 $0x1, s9;
	[sflag:s22] =	ssyncadd.s32 $0xFFFFC000  }
.Ltmp4:
0x61: {  	(pc) =	sbr.rel .LBB2_8-.Ltmp4, $2  }
0x62: {  	_ =	sdelay $0x2  }
0x63: {  	s9 =	simm.s32 $0xF80;
	s10 =	smov.u32 s19  }
.LBB2_2:
0x64: {  	s10 =	rddreg [dreg:$0x3]  }
0x65: {  	[tilespmem:s9], [sflag:$0x5] =	stream.linear.gather [hbm4b:s10+s9], $0x4000, $0x38;
	[tilespmem:$0x1FD00] =	vst v63  }
0x66: {  	_ =	swait.ge [sflag:s22], $0x4000  }
0x67: {  	[sflag:s22] =	ssyncset.done $0x0  }
0x68: {  	[sflag:s22] =	ssyncadd.s32 $0xFFFFC000  }
0x69: {  	[tilespmem:s24], [sflag:$0x1] =	stream.indirect.gather [hbm4b:s5+s23], $0x80, s9, s23, $0xb8;
	[tilespmem:$0x1FD00] =	vst v63  }
0x6a: {  	s10 =	simm.s32 $0x100;
	s17 =	rddreg [dreg:$0x4]  }
0x6b: {  	[tilespmem:s25], [sflag:$0x3] =	stream.linear.gather [hbm4b:s17+s9], $0x80, $0x38;
	[tilespmem:$0x1FD00] =	vst v63  }
.LBB2_3:
0x6c: {  	_ =	swait.ge [sflag:s26], $0x4000  }
0x6d: {  	[sflag:s26] =	ssyncset.done $0x0  }
0x6e: {  	[sflag:s26] =	ssyncadd.s32 $0xFFFFC000  }
0x6f: {  	_ =	swait.ge [sflag:s28], $0x80  }
0x70: {  	s13 =	sadd.s32 $0xFFFFFF80, s10;
	[sflag:s28] =	ssyncset.done $0x0  }
0x71: {  	s17 =	sadd.s32 s9, s8;
	s14 =	sand.u32 $0x60, s9;
	[sflag:s28] =	ssyncadd.s32 $0xFFFFFF80  }
0x72: {  	[tilespmem:s29], [sflag:$0x2] =	stream.indirect.gather [hbm4b:s5+s23], $0x80, s13, s23, $0xb8;
	[tilespmem:$0x1FD00] =	vst v63  }
0x73: {  	s14 =	sadd.s32 s14, s4;
	s13 =	sand.u32 $0x7F80, s17  }
0x74: {  	s13 =	sadd.s32 s13, s14  }
0x75: {  	s13 =	sadd.s32 $0x10, s13  }
0x76: {  	[tilespmem:s30], [sflag:$0x4] =	stream.linear.gather [hbm4b:s13+s3], $0x80, $0x38;
	[tilespmem:$0x1FD00] =	vst v63  }
0x77: {  	_ = 	snop  }
0x78: {  	[spmem:s2] =	stream.indirect.scatter.add.f32 [tilespmem:s24], [sflag:$0x5], $0x80, s25, s23, $0xb8;
	[tilespmem:$0x1FD00] =	vst v63  }
0x79: {  	_ =	swait.ge [sflag:s22], $0x4000  }
0x7a: {  	[sflag:s22] =	ssyncset.done $0x0  }
0x7b: {  	[sflag:s22] =	ssyncadd.s32 $0xFFFFC000  }
0x7c: {  	_ =	swait.ge [sflag:s31], $0x4000  }
0x7d: {  	[sflag:s31] =	ssyncset.done $0x0  }
0x7e: {  	[sflag:s31] =	ssyncadd.s32 $0xFFFFC000  }
0x7f: {  	_ =	swait.ge [sflag:s0], $0x80  }
0x80: {  	[sflag:s0] =	ssyncset.done $0x0  }
0x81: {  	[sflag:s0] =	ssyncadd.s32 $0xFFFFFF80  }
0x82: {  	[tilespmem:s24], [sflag:$0x1] =	stream.indirect.gather [hbm4b:s5+s23], $0x80, s10, s23, $0xb8;
	[tilespmem:$0x1FD00] =	vst v63  }
0x83: {  	p1 =	seq.s32 s9, $0x7C0;
	s17 =	sadd.s32 s9, s20  }
0x84: {  	[tilespmem:s25], [sflag:$0x3] =	stream.linear.gather [hbm4b:s17+s3], $0x80, $0x38;
	[tilespmem:$0x1FD00] =	vst v63  }
.Ltmp5:
0x85: {  	_ = 	snop;
	(pc) =	sbr.rel @!p1 .LBB2_3-.Ltmp5, $4  }
0x86: {  	[spmem:s2] =	stream.indirect.scatter.add.f32 [tilespmem:s29], [sflag:$0x5], $0x80, s30, s23, $0xb8;
	[tilespmem:$0x1FD00] =	vst v63  }
0x87: {  	_ =	swait.ge [sflag:s22], $0x4000  }
0x88: {  	[sflag:s22] =	ssyncset.done $0x0  }
0x89: {  	s9 =	sadd.s32 $0x20, s9;
	s10 =	sadd.s32 $0x100, s10;
	[sflag:s22] =	ssyncadd.s32 $0xFFFFC000  }
.Ltmp6:
0x8a: {  	_ = 	snop;
	(pc) =	sbr.rel .LBB2_4-.Ltmp6, $1  }
0x8b: {  	_ =	sdelay $0x3  }
.LBB2_9:
0x8c: {  	_ =	sfence.sel $0x180000  }
0x8d: {  	[bflag:$0x0] =	sbarrier.arrive $0xFFFF  }
0x8e: {  	_ =	strace $0x9000004A  }
0x8f: {  	s0 =	stileid.u32;
	[bflag:$0x2] =	sbarrier.arrive $0xFFFF  }
0x90: {  	p0 =	sne.s32 s0, $0x0;
	s0 =	rddreg [dreg:$0x2]  }
0x91: {  	s0 =	sadd.s32 @!p0 $0x100000, s0  }
0x92: {  	[sflag:s0] =	ssyncadd.tile.s32 @!p0 $0x1;
	_ =	shalt  }
.Lfunc_end2:
_tile_overlayer_lowered:
.L_overlay_start_2:
0x93: {  	(tag) =	ssettag $0x2  }
0x94: {  	s0 =	rddreg [dreg:$0x0];
	s2 =	stileid.u32  }
0x95: {  	s1 =	rddreg [dreg:$0x1];
	p0 =	sne.s32 s2, $0x0  }
0x96: {  	s3 =	rddreg [dreg:$0x2];
	[bflag:$0x3] =	sbarrier.arrive $0xFFFF;
	s2 =	simm.s32 @!p0 $0x1C05  }
0x97: {  	[timem:s3], [sflag:s2] =	dma.local @!p0 [hbm:s0], s1  }
0x98: {  	s0 =	simm.s32 @!p0 $0x5  }
0x99: {  	_ =	swait.ge @!p0 [sflag:s0], s1  }
0x9a: {  	s1 =	ssub.s32 @!p0 $0x0, s1;
	[sflag:s0] =	ssyncset.done @!p0 $0x0  }
0x9b: {  	[sflag:s0] =	ssyncadd.s32 @!p0 s1  }
0x9c: {  	[bflag:$0x3] =	sbarrier.arrive $0xFFFF  }
0x9d: {  	_ =	shalt  }

// kernel: kernel.16.cloned.1.call-start
scs
__scs_entry_jumppad:
0x0: {  	(pc) =	sbr.rel $0x88, $3  }
0x1: {  	(tag) =	ssettag $0x0;
	lr =	simm.s32 $0x1  }
0x2: {  	[smem:$0x3F92] =	sst lr;
	_ =	strace $0xD0000000  }
0x3: {  	_ = 	snop  }
0x4: {  	_ = 	snop  }
0x5: {  	_ = 	snop  }
0x6: {  	_ = 	snop  }
0x7: {  	_ = 	snop  }
__scs_overlays_trampoline_lowered:
0x8: {  	[smem:$0x3FA1] =	sst s0  }
0x9: {  	[smem:$0x3FA2] =	sst s1  }
0xa: {  	[smem:$0x3FA3] =	sst s2  }
0xb: {  	[smem:$0x3FA4] =	sst s3  }
0xc: {  	[smem:$0x3FA5] =	sst s4  }
0xd: {  	[smem:$0x3FA6] =	sst s5  }
0xe: {  	[smem:$0x3FA7] =	sst s6  }
0xf: {  	[smem:$0x3FA8] =	sst s7  }
0x10: {  	[smem:$0x3FA9] =	sst s8  }
0x11: {  	[smem:$0x3FAA] =	sst s9;
	s0 =	simm.s32 @!p0 $0x0  }
0x12: {  	s1 =	sld [smem:$0x3F90];
	s0 =	simm.s32 @p0 $0x1  }
0x13: {  	[smem:$0x3FAB] =	sst s0;
	s0 =	simm.s32 @!p1 $0x0  }
0x14: {  	s2 =	sld [smem:$0x3F8F];
	s0 =	simm.s32 @p1 $0x1  }
0x15: {  	[smem:$0x3FAC] =	sst s0;
	s0 =	simm.s32 @!p2 $0x0  }
0x16: {  	s3 =	sld [smem:$0x3FDB];
	s0 =	simm.s32 @p2 $0x1  }
0x17: {  	s4 =	simm.s32 $0x1BF5;
	[smem:$0x3FAE] =	sst s0  }
0x18: {  	s0 =	sld [smem:$0x3F91];
	_ =	swait.ge [sflag:s4], $0x0  }
0x19: {  	s7 =	sld [smem:$0x3F92]  }
0x1a: {  	s8 =	sadd.s32 $0xFFFFE003, lr  }
0x1b: {  	s9 =	sadd.s32 $0xFFFFFEF7, lr;
	s5 =	simm.s32 $0xFFFFFFFF;
	p2 =	slt.u32 s8, $0xFFFFF086  }
0x1c: {  	p1 =	slt.u32 s9, $0xF7A;
	s5 =	simm.s32 @!p2 $0x0  }
0x1d: {  	s5 =	simm.s32 @p1 $0x1;
	p0 =	seq.s32 s7, s2  }
0x1e: {  	s7 =	smul.u32 @!p0 $0xF7A, s2;
	p2 =	seq.s32 @!p0 s5, $0x0  }
0x1f: {  	s9 =	smul.u32 $0xF7A, s1;
	s8 =	simm.s32 @!p0 $0x1BF5;
	p2 =	por !p2, p0  }
0x20: {  	[sflag:s8] =	ssyncset.s32 @!p0 $0xFFFFF086;
	s6 =	sadd.s32 @!p0 s3, s7;
	s7 =	simm.s32 @!p0 $0x108  }
0x21: {  	s3 =	sadd.s32 s3, s9;
	s6 =	sadd.s32 @!p0 $0x88, s6;
	s7 =	simm.s32 @p2 $0x1082  }
0x22: {  	[simem:s7], [sflag:s8] =	dma.local @!p0 [hbm:s6], $0xF7A  }
0x23: {  	s9 =	sor.u32 $0xD0000000, s2;
	s6 =	simm.s32 $0x108;
	_ =	swait.ge @!p0 [sflag:s8], $0x0  }
0x24: {  	s3 =	sadd.s32 $0x88, s3;
	s6 =	simm.s32 @!p1 $0x1082;
	[sflag:s4] =	ssyncset.s32 $0xFFFFF086  }
0x25: {  	[simem:s6], [sflag:s4] =	dma.local [hbm:s3], $0xF7A  }
0x26: {  	[smem:$0x3F92] =	sst s1;
	(tag) =	ssettag s2;
	_ =	strace s9  }
0x27: {  	s1 =	sld [smem:$0x3FA2]  }
0x28: {  	s2 =	sld [smem:$0x3FA3]  }
0x29: {  	s4 =	sld [smem:$0x3FA5]  }
0x2a: {  	p0 =	seq.s32 s5, $0x0;
	s5 =	sld [smem:$0x3FA6]  }
0x2b: {  	s6 =	sld [smem:$0x3FA7]  }
0x2c: {  	s7 =	sld [smem:$0x3FA8]  }
0x2d: {  	s3 =	simm.s32 $0x108;
	s8 =	sld [smem:$0x3FA9]  }
0x2e: {  	s3 =	simm.s32 @!p0 $0x1082;
	s9 =	sld [smem:$0x3FAA]  }
0x2f: {  	lr =	sadd.s32 s0, s3;
	s0 =	sld [smem:$0x3FA1]  }
0x30: {  	s3 =	sld [smem:$0x3FA4]  }
0x31: {  	[smem:$0x3FAD] =	sst s10  }
0x32: {  	s10 =	sld [smem:$0x3FAB];
	_ =	sdelay $0x3  }
0x33: {  	p0 =	seq.s32 s10, $0x1;
	s10 =	sld [smem:$0x3FAD];
	_ =	sdelay $0x3  }
0x34: {  	[smem:$0x3FAD] =	sst s10  }
0x35: {  	s10 =	sld [smem:$0x3FAC];
	_ =	sdelay $0x3  }
0x36: {  	p1 =	seq.s32 s10, $0x1;
	s10 =	sld [smem:$0x3FAD];
	_ =	sdelay $0x3  }
0x37: {  	[smem:$0x3FAD] =	sst s10  }
0x38: {  	s10 =	sld [smem:$0x3FAE]  }
0x39: {  	_ = 	snop;
	(pc) =	sbr.ind lr, $3  }
0x3a: {  	_ = 	snop  }
0x3b: {  	_ = 	snop  }
0x3c: {  	p2 =	seq.s32 s10, $0x1;
	s10 =	sld [smem:$0x3FAD]  }
0x3d: {  	_ =	shalt  }
0x3e: {  	_ =	shalt  }
0x3f: {  	_ =	shalt  }
0x40: {  	_ =	shalt  }
0x41: {  	_ =	shalt  }
0x42: {  	_ =	shalt  }
0x43: {  	_ =	shalt  }
0x44: {  	_ =	shalt  }
0x45: {  	_ =	shalt  }
0x46: {  	_ =	shalt  }
0x47: {  	_ =	shalt  }
0x48: {  	_ =	shalt  }
0x49: {  	_ =	shalt  }
0x4a: {  	_ =	shalt  }
0x4b: {  	_ =	shalt  }
0x4c: {  	_ =	shalt  }
0x4d: {  	_ =	shalt  }
0x4e: {  	_ =	shalt  }
0x4f: {  	_ =	shalt  }
0x50: {  	_ =	shalt  }
0x51: {  	_ =	shalt  }
0x52: {  	_ =	shalt  }
0x53: {  	_ =	shalt  }
0x54: {  	_ =	shalt  }
0x55: {  	_ =	shalt  }
0x56: {  	_ =	shalt  }
0x57: {  	_ =	shalt  }
0x58: {  	_ =	shalt  }
0x59: {  	_ =	shalt  }
0x5a: {  	_ =	shalt  }
0x5b: {  	_ =	shalt  }
0x5c: {  	_ =	shalt  }
0x5d: {  	_ =	shalt  }
0x5e: {  	_ =	shalt  }
0x5f: {  	_ =	shalt  }
0x60: {  	_ =	shalt  }
0x61: {  	_ =	shalt  }
0x62: {  	_ =	shalt  }
0x63: {  	_ =	shalt  }
0x64: {  	_ =	shalt  }
0x65: {  	_ =	shalt  }
0x66: {  	_ =	shalt  }
0x67: {  	_ =	shalt  }
0x68: {  	_ =	shalt  }
0x69: {  	_ =	shalt  }
0x6a: {  	_ =	shalt  }
0x6b: {  	_ =	shalt  }
0x6c: {  	_ =	shalt  }
0x6d: {  	_ =	shalt  }
0x6e: {  	_ =	shalt  }
0x6f: {  	_ =	shalt  }
0x70: {  	_ =	shalt  }
0x71: {  	_ =	shalt  }
0x72: {  	_ =	shalt  }
0x73: {  	_ =	shalt  }
0x74: {  	_ =	shalt  }
0x75: {  	_ =	shalt  }
0x76: {  	_ =	shalt  }
0x77: {  	_ =	shalt  }
0x78: {  	_ =	shalt  }
0x79: {  	_ =	shalt  }
0x7a: {  	_ =	shalt  }
0x7b: {  	_ =	shalt  }
0x7c: {  	_ =	shalt  }
0x7d: {  	_ =	shalt  }
0x7e: {  	_ =	shalt  }
0x7f: {  	_ =	shalt  }
0x80: {  	_ =	shalt  }
0x81: {  	_ =	shalt  }
0x82: {  	_ =	shalt  }
0x83: {  	_ =	shalt  }
0x84: {  	_ =	shalt  }
0x85: {  	_ =	shalt  }
0x86: {  	_ =	shalt  }
0x87: {  	_ =	shalt  }
.Lfunc_end0:
.L_simem_size_0:
called_computation.2_lowered:
.L_overlay_start_0:
0x88: {  	s2 =	sld [smem:$0x3FD9]  }
0x89: {  	s3 =	sld [smem:$0x3FFE];
	_ =	sdelay $0x1  }
0x8a: {  	s1 =	srdreg.scid  }
0x8b: {  	s0 =	sand.u32 $0x1, s1  }
0x8c: {  	s16 =	sshll.u32 s0, $0xA;
	s2 =	sadd.s32 s3, s2  }
0x8d: {  	s2 =	sadd.s32 s2, s16  }
0x8e: {  	[smem:$0x3FB9] =	sst s2  }
0x8f: {  	_ = 	snop  }
0x90: {  	(tm) =	ssettm $0x1  }
0x91: {  	s17 =	sld [smem:$0x3FFB];
	_ =	sdelay $0x3  }
0x92: {  	_ =	strace s17  }
0x93: {  	s2 =	sld [smem:$0x3FFC];
	_ =	sdelay $0x3  }
0x94: {  	_ =	strace s2  }
0x95: {  	s2 =	sld [smem:$0x3FFD];
	_ =	sdelay $0x3  }
0x96: {  	_ =	strace s2  }
0x97: {  	_ =	strace $0x8FFFFFFF  }
0x98: {  	s18 =	sld [smem:$0x3FDB];
	_ =	sdelay $0x1  }
0x99: {  	s19 =	simm.s32 $_scs_section_size  }
0x9a: {  	s4 =	simm.s32 $_size__tile_overlayer_lowered;
	s5 =	simm.s32 $_tile_overlayer_lowered  }
0x9b: {  	s22 =	simm.s32 $0x1BFF;
	s21 =	sshll.u32 s5, $0x1;
	s2 =	sadd.s32 s19, s18  }
0x9c: {  	s6 =	simm.s32 $0x0;
	s20 =	sshll.u32 s4, $0x1;
	s4 =	sadd.s32 s21, s2  }
0x9d: {  	[timem:s6], [sflag:s22] =	dma.local [hbm:s4], s20  }
0x9e: {  	_ =	swait.ge [sflag:s22], s20  }
0x9f: {  	s3 =	ssub.s32 $0x0, s20;
	[sflag:s22] =	ssyncset.done $0x0  }
0xa0: {  	[sflag:s22] =	ssyncadd.s32 s3;
	_ =	sdelay $0x1  }
0xa1: {  	s23 =	simm.s32 $0x1B8B  }
0xa2: {  	_ =	swait.ge [sflag:s23], $0x1  }
0xa3: {  	[sflag:s23] =	ssyncset.done $0x0  }
0xa4: {  	s25 =	simm.s32 $0x1B8E;
	s24 =	sld [smem:$0x3FFE];
	[sflag:s23] =	ssyncadd.s32 $0xFFFFFFFF  }
0xa5: {  	s26 =	simm.s32 $execute0_lowered;
	[smem:$0x3FD2] =	sst s25  }
0xa6: {  	s4 =	sshll.u32 s26, $0x1;
	_ =	strace $0x8000004C;
	[dreg:$0x1] =	wrdreg $0xFFFFFFFF  }
0xa7: {  	s28 =	simm.s32 $_size_execute0_lowered;
	s2 =	sadd.s32 s2, s4;
	[dreg:$0x0] =	wrdreg $0x0  }
0xa8: {  	s4 =	sshll.u32 s28, $0x1;
	[dreg:$0x2] =	wrdreg s2  }
0xa9: {  	[dreg:$0x3] =	wrdreg s4  }
0xaa: {  	[dreg:$0x4] =	wrdreg $0xC0  }
0xab: {  	_ =	task [dreg:s6], $0x5FFFF  }
0xac: {  	[dreg:$0x1] =	wrdreg $0xFFFFFFFF  }
0xad: {  	[dreg:$0x0] =	wrdreg $0x60  }
0xae: {  	[dreg:$0x2] =	wrdreg s24  }
0xaf: {  	[dreg:$0x3] =	wrdreg $0xC1000  }
0xb0: {  	[dreg:$0x4] =	wrdreg $0x9  }
0xb1: {  	_ =	task.clear_ibuf [dreg:s6], $0x5FFFF;
	_ =	strace $0x9000004C  }
0xb2: {  	s29 =	simm.s32 $0x9;
	_ =	strace $0x8000004E  }
0xb3: {  	_ =	swait.ge [sflag:s29], $0x1  }
0xb4: {  	[sflag:s29] =	ssyncadd.s32 $0xFFFFFFFF  }
0xb5: {  	_ =	strace $0x9000004E  }
0xb6: {  	_ =	sfence  }
0xb7: {  	s30 =	sld [smem:$0x0];
	_ =	sdelay $0x2  }
0xb8: {  	s31 =	sshll.u32 s1, $0xD;
	s1 =	sshrl.u32 s1, $0x2  }
0xb9: {  	s3 =	sand.u32 $0x4000, s31;
	s1 =	sadd.s32 s1, s30  }
0xba: {  	s0 =	sor.u32 s3, s0;
	s1 =	sshll.u32 s1, $0x11  }
0xbb: {  	s0 =	sor.u32 s1, s0  }
0xbc: {  	s0 =	sadd.s32 $0x8F2B, s0  }
0xbd: {  	[sflag:s0] =	ssyncadd.remote.s32 $0x1  }
0xbe: {  	_ =	sfence.sel $0xFFFF  }
0xbf: {  	[dreg:$0x0] =	wrdreg $0xFFFFFFFF;
	(pc) =	sbr.abs _section_cstart, $3  }
0xc0: {  	[dreg:$0x1] =	wrdreg $0xFFFFFFFF  }
0xc1: {  	_ =	task.clear_ibuf [dreg:s6], $0x2FFFF;
	_ =	strace $0x9FFFFFFF  }
0xc2: {  	(tm) =	ssettm $0x7FFFFFFF  }
0xc3: {  	_ =	shalt  }
tec
execute0_lowered:
.L_overlay_start_1:
0x0: {  	(tag) =	ssettag $0x1  }
0x1: {  	s0 =	rddreg [dreg:$0x0]  }
0x2: {  	s2 =	rddreg [dreg:$0x1];
	s11 =	stileid.u32  }
0x3: {  	s1 =	srdreg.scid;
	s3 =	simm.s32 $0x0;
	s28 =	simm.s32 $0x3  }
0x4: {  	s29 =	simm.s32 $0x8100;
	s30 =	simm.s32 $0x4080;
	s31 =	simm.s32 $0x2  }
0x5: {  	s6 =	smul.u32 $0x13C00, s11;
	s1 =	sand.u32 $0x1, s1;
	[smem:$0x7FF] =	sst s3  }
0x6: {  	s9 =	sadd.s32 $0x26E00, s0;
	s4 =	sadd.s32 $0xE000, s0;
	s5 =	sadd.s32 $0x7FE00, s0  }
0x7: {  	s10 =	smul.u32 $0x4F000, s11;
	s21 =	sshll.u32 s11, $0x6;
	s22 =	sshll.u32 s11, $0x9  }
0x8: {  	s12 =	sadd.s32 $0xE020, s0;
	s7 =	smul.u32 $0x13C000, s1;
	_ =	strace $0x8000004D  }
0x9: {  	s18 =	ssub.s32 $0x2, s1;
	p0 =	seq.s32 s1, $0x1;
	s1 =	simm.s32 $0x0  }
0xa: {  	s8 =	sshrl.u32 s6, $0x3;
	s19 =	sshrl.u32 s18, $0x1;
	s20 =	sshrl.u32 s10, $0x2  }
0xb: {  	s6 =	sadd.s32 s6, s7;
	s8 =	sadd.s32 s8, s0;
	s16 =	ssub.s32 s18, s19  }
0xc: {  	s10 =	sadd.s32 s20, s2;
	s7 =	sor.u32 $0x1C05, s21;
	s18 =	sadd.s32 $0xE070, s0  }
0xd: {  	s19 =	sor.u32 $0x8180, s22;
	s6 =	sshrl.u32 s6, $0x3;
	s16 =	smax.u32 s16, $0x1  }
0xe: {  	s15 =	sadd.s32 s6, s0;
	s6 =	sadd.s32 $0xA7000, s8;
	s8 =	sshll.u32 s11, $0xB  }
0xf: {  	s21 =	sshrl.u32 s10, $0x3;
	s11 =	sor.u32 $0x8000, s22;
	s23 =	sadd.s32 s9, s8  }
0x10: {  	s22 =	simm.s32 $0x5;
	s24 =	sadd.s32 s4, s8;
	[dreg:$0x3] =	wrdreg s23  }
.Ltmp0:
0x11: {  	s9 =	sadd.s32 s9, s11;
	[dreg:$0x4] =	wrdreg s24;
	(pc) =	sbr.rel .LBB2_1-.Ltmp0, $4  }
0x12: {  	s0 =	simm.s32 $0x4;
	s25 =	sadd.s32 s4, s11;
	[dreg:$0x5] =	wrdreg s9  }
0x13: {  	s15 =	sadd.s32 $0xCE800, s15;
	s26 =	sor.u32 $0x780, s8;
	[dreg:$0x6] =	wrdreg s25  }
0x14: {  	s20 =	sadd.s32 s12, s8;
	[dreg:$0x7] =	wrdreg s26;
	s23 =	simm.s32 $0x80  }
0x15: {  	s24 =	simm.s32 $0x4100;
	s25 =	simm.s32 $0x4000;
	s26 =	simm.s32 $0x1  }
.LBB2_4:
0x16: {  	s9 =	simm.s32 $0x3F80;
	s10 =	rddreg [dreg:$0x7]  }
.LBB2_8:
0x17: {  	_ =	swait.ge [sflag:s26], $0x4000  }
0x18: {  	[sflag:s26] =	ssyncset.done $0x0  }
0x19: {  	[sflag:s26] =	ssyncadd.s32 $0xFFFFC000  }
0x1a: {  	_ =	swait.ge [sflag:s28], $0x80  }
0x1b: {  	[sflag:s28] =	ssyncset.done $0x0  }
0x1c: {  	[sflag:s28] =	ssyncadd.s32 $0xFFFFFF80  }
0x1d: {  	[tilespmem:s29], [sflag:$0x2] =	stream.indirect.gather [hbm4b:s5+s23], $0x80, s9, s23, $0xb8;
	[tilespmem:$0x1FD00] =	vst v63  }
0x1e: {  	s17 =	sadd.s32 s10, s18  }
0x1f: {  	[tilespmem:s30], [sflag:$0x4] =	stream.linear.gather [hbm4b:s17+s3], $0x80, $0x38;
	[tilespmem:$0x1FD00] =	vst v63  }
0x20: {  	_ = 	snop  }
0x21: {  	[spmem:s2] =	stream.indirect.scatter.add.f32 [tilespmem:s24], [sflag:$0x5], $0x80, s25, s23, $0xb8;
	[tilespmem:$0x1FD00] =	vst v63  }
0x22: {  	_ =	swait.ge [sflag:s22], $0x4000  }
0x23: {  	[sflag:s22] =	ssyncset.done $0x0  }
0x24: {  	[sflag:s22] =	ssyncadd.s32 $0xFFFFC000  }
0x25: {  	_ =	swait.ge [sflag:s31], $0x4000  }
0x26: {  	[sflag:s31] =	ssyncset.done $0x0  }
0x27: {  	[sflag:s31] =	ssyncadd.s32 $0xFFFFC000  }
0x28: {  	_ =	swait.ge [sflag:s0], $0x80  }
0x29: {  	[sflag:s0] =	ssyncset.done $0x0  }
0x2a: {  	[sflag:s0] =	ssyncadd.s32 $0xFFFFFF80  }
0x2b: {  	[spmem:s2] =	stream.indirect.scatter.add.f32 [tilespmem:s29], [sflag:$0x5], $0x80, s30, s23, $0xb8;
	[tilespmem:$0x1FD00] =	vst v63  }
0x2c: {  	_ =	swait.ge [sflag:s22], $0x4000  }
0x2d: {  	s1 =	sadd.s32 $0x1, s1;
	[sflag:s22] =	ssyncset.done $0x0  }
0x2e: {  	p1 =	sne.s32 s1, s16;
	[sflag:s22] =	ssyncadd.s32 $0xFFFFC000  }
.Ltmp1:
0x2f: {  	[bflag:$0x0] =	sbarrier.arrive $0xFFFF;
	(pc) =	sbr.rel @!p1 .LBB2_9-.Ltmp1, $4  }
0x30: {  	[hbm:s15], [sflag:s7] =	dma.local [spmem:s21], $0x2780  }
0x31: {  	_ =	swait.ge [sflag:s22], $0x2780  }
0x32: {  	[sflag:s22] =	ssyncset.done $0x0  }
0x33: {  	[sflag:s22] =	ssyncadd.s32 $0xFFFFD880  }
.LBB2_1:
0x34: {  	[spmem:s21], [sflag:s7] =	dma.local [hbm:s6], $0x2780  }
.Ltmp2:
0x35: {  	_ =	swait.ge [sflag:s22], $0x2780;
	(pc) =	sbr.rel @!p0 .LBB2_2-.Ltmp2, $4  }
0x36: {  	[sflag:s22] =	ssyncset.done $0x0  }
0x37: {  	[sflag:s22] =	ssyncadd.s32 $0xFFFFD880  }
0x38: {  	[bflag:$0x0] =	sbarrier.arrive $0xFFFF  }
0x39: {  	s9 =	simm.s32 $0x0  }
0x3a: {  	s10 =	rddreg [dreg:$0x5]  }
0x3b: {  	[tilespmem:s9], [sflag:$0x5] =	stream.linear.gather [hbm4b:s10+s9], $0x1000, $0x38;
	[tilespmem:$0x1FD00] =	vst v63  }
0x3c: {  	_ =	swait.ge [sflag:s22], $0x1000  }
0x3d: {  	[sflag:s22] =	ssyncset.done $0x0  }
0x3e: {  	[sflag:s22] =	ssyncadd.s32 $0xFFFFF000  }
0x3f: {  	[tilespmem:s24], [sflag:$0x1] =	stream.indirect.gather [hbm4b:s5+s23], $0x80, s9, s23, $0xb8;
	[tilespmem:$0x1FD00] =	vst v63  }
0x40: {  	s17 =	rddreg [dreg:$0x6]  }
0x41: {  	[tilespmem:s25], [sflag:$0x3] =	stream.linear.gather [hbm4b:s17+s9], $0x80, $0x38;
	[tilespmem:$0x1FD00] =	vst v63  }
.LBB2_6:
0x42: {  	_ =	swait.ge [sflag:s26], $0x4000  }
0x43: {  	[sflag:s26] =	ssyncset.done $0x0  }
0x44: {  	[sflag:s26] =	ssyncadd.s32 $0xFFFFC000  }
0x45: {  	s10 =	sshll.u32 s9, $0x8;
	_ =	swait.ge [sflag:s28], $0x80  }
0x46: {  	s10 =	sand.u32 $0x3FFFFF00, s10;
	[sflag:s28] =	ssyncset.done $0x0  }
0x47: {  	s17 =	sshll.u32 s9, $0x5;
	s13 =	sor.u32 $0x80, s10;
	[sflag:s28] =	ssyncadd.s32 $0xFFFFFF80  }
0x48: {  	[tilespmem:s29], [sflag:$0x2] =	stream.indirect.gather [hbm4b:s5+s23], $0x80, s13, s23, $0xb8;
	[tilespmem:$0x1FD00] =	vst v63  }
0x49: {  	s14 =	sadd.s32 s11, s17;
	s13 =	sand.u32 $0x60, s17  }
0x4a: {  	s17 =	sand.u32 $0x9F80, s14;
	s13 =	sadd.s32 s13, s4  }
0x4b: {  	s13 =	sadd.s32 s17, s13  }
0x4c: {  	s13 =	sadd.s32 $0x10, s13  }
0x4d: {  	[tilespmem:s30], [sflag:$0x4] =	stream.linear.gather [hbm4b:s13+s3], $0x80, $0x38;
	[tilespmem:$0x1FD00] =	vst v63  }
0x4e: {  	_ = 	snop  }
0x4f: {  	[spmem:s2] =	stream.indirect.scatter.add.f32 [tilespmem:s24], [sflag:$0x5], $0x80, s25, s23, $0xb8;
	[tilespmem:$0x1FD00] =	vst v63  }
0x50: {  	_ =	swait.ge [sflag:s22], $0x4000  }
0x51: {  	[sflag:s22] =	ssyncset.done $0x0  }
0x52: {  	[sflag:s22] =	ssyncadd.s32 $0xFFFFC000  }
0x53: {  	_ =	swait.ge [sflag:s31], $0x4000  }
0x54: {  	[sflag:s31] =	ssyncset.done $0x0  }
0x55: {  	[sflag:s31] =	ssyncadd.s32 $0xFFFFC000  }
0x56: {  	_ =	swait.ge [sflag:s0], $0x80  }
0x57: {  	[sflag:s0] =	ssyncset.done $0x0  }
0x58: {  	s10 =	sadd.s32 $0x100, s10;
	[sflag:s0] =	ssyncadd.s32 $0xFFFFFF80  }
0x59: {  	[tilespmem:s24], [sflag:$0x1] =	stream.indirect.gather [hbm4b:s5+s23], $0x80, s10, s23, $0xb8;
	[tilespmem:$0x1FD00] =	vst v63  }
0x5a: {  	p1 =	sne.s32 s9, $0xE;
	s17 =	sadd.s32 s14, s12  }
0x5b: {  	[tilespmem:s25], [sflag:$0x3] =	stream.linear.gather [hbm4b:s17+s3], $0x80, $0x38;
	[tilespmem:$0x1FD00] =	vst v63  }
.Ltmp3:
0x5c: {  	_ = 	snop;
	(pc) =	sbr.rel @p1 .LBB2_6-.Ltmp3, $4  }
0x5d: {  	[spmem:s2] =	stream.indirect.scatter.add.f32 [tilespmem:s29], [sflag:$0x5], $0x80, s30, s23, $0xb8;
	[tilespmem:$0x1FD00] =	vst v63  }
0x5e: {  	_ =	swait.ge [sflag:s22], $0x4000  }
0x5f: {  	[sflag:s22] =	ssyncset.done $0x0  }
0x60: {  	s9 =	sadd.s32 $0x1, s9;
	[sflag:s22] =	ssyncadd.s32 $0xFFFFC000  }
.Ltmp4:
0x61: {  	(pc) =	sbr.rel .LBB2_8-.Ltmp4, $2  }
0x62: {  	_ =	sdelay $0x2  }
0x63: {  	s9 =	simm.s32 $0xF80;
	s10 =	smov.u32 s19  }
.LBB2_2:
0x64: {  	s10 =	rddreg [dreg:$0x3]  }
0x65: {  	[tilespmem:s9], [sflag:$0x5] =	stream.linear.gather [hbm4b:s10+s9], $0x4000, $0x38;
	[tilespmem:$0x1FD00] =	vst v63  }
0x66: {  	_ =	swait.ge [sflag:s22], $0x4000  }
0x67: {  	[sflag:s22] =	ssyncset.done $0x0  }
0x68: {  	[sflag:s22] =	ssyncadd.s32 $0xFFFFC000  }
0x69: {  	[tilespmem:s24], [sflag:$0x1] =	stream.indirect.gather [hbm4b:s5+s23], $0x80, s9, s23, $0xb8;
	[tilespmem:$0x1FD00] =	vst v63  }
0x6a: {  	s10 =	simm.s32 $0x100;
	s17 =	rddreg [dreg:$0x4]  }
0x6b: {  	[tilespmem:s25], [sflag:$0x3] =	stream.linear.gather [hbm4b:s17+s9], $0x80, $0x38;
	[tilespmem:$0x1FD00] =	vst v63  }
.LBB2_3:
0x6c: {  	_ =	swait.ge [sflag:s26], $0x4000  }
0x6d: {  	[sflag:s26] =	ssyncset.done $0x0  }
0x6e: {  	[sflag:s26] =	ssyncadd.s32 $0xFFFFC000  }
0x6f: {  	_ =	swait.ge [sflag:s28], $0x80  }
0x70: {  	s13 =	sadd.s32 $0xFFFFFF80, s10;
	[sflag:s28] =	ssyncset.done $0x0  }
0x71: {  	s17 =	sadd.s32 s9, s8;
	s14 =	sand.u32 $0x60, s9;
	[sflag:s28] =	ssyncadd.s32 $0xFFFFFF80  }
0x72: {  	[tilespmem:s29], [sflag:$0x2] =	stream.indirect.gather [hbm4b:s5+s23], $0x80, s13, s23, $0xb8;
	[tilespmem:$0x1FD00] =	vst v63  }
0x73: {  	s14 =	sadd.s32 s14, s4;
	s13 =	sand.u32 $0x7F80, s17  }
0x74: {  	s13 =	sadd.s32 s13, s14  }
0x75: {  	s13 =	sadd.s32 $0x10, s13  }
0x76: {  	[tilespmem:s30], [sflag:$0x4] =	stream.linear.gather [hbm4b:s13+s3], $0x80, $0x38;
	[tilespmem:$0x1FD00] =	vst v63  }
0x77: {  	_ = 	snop  }
0x78: {  	[spmem:s2] =	stream.indirect.scatter.add.f32 [tilespmem:s24], [sflag:$0x5], $0x80, s25, s23, $0xb8;
	[tilespmem:$0x1FD00] =	vst v63  }
0x79: {  	_ =	swait.ge [sflag:s22], $0x4000  }
0x7a: {  	[sflag:s22] =	ssyncset.done $0x0  }
0x7b: {  	[sflag:s22] =	ssyncadd.s32 $0xFFFFC000  }
0x7c: {  	_ =	swait.ge [sflag:s31], $0x4000  }
0x7d: {  	[sflag:s31] =	ssyncset.done $0x0  }
0x7e: {  	[sflag:s31] =	ssyncadd.s32 $0xFFFFC000  }
0x7f: {  	_ =	swait.ge [sflag:s0], $0x80  }
0x80: {  	[sflag:s0] =	ssyncset.done $0x0  }
0x81: {  	[sflag:s0] =	ssyncadd.s32 $0xFFFFFF80  }
0x82: {  	[tilespmem:s24], [sflag:$0x1] =	stream.indirect.gather [hbm4b:s5+s23], $0x80, s10, s23, $0xb8;
	[tilespmem:$0x1FD00] =	vst v63  }
0x83: {  	p1 =	seq.s32 s9, $0x7C0;
	s17 =	sadd.s32 s9, s20  }
0x84: {  	[tilespmem:s25], [sflag:$0x3] =	stream.linear.gather [hbm4b:s17+s3], $0x80, $0x38;
	[tilespmem:$0x1FD00] =	vst v63  }
.Ltmp5:
0x85: {  	_ = 	snop;
	(pc) =	sbr.rel @!p1 .LBB2_3-.Ltmp5, $4  }
0x86: {  	[spmem:s2] =	stream.indirect.scatter.add.f32 [tilespmem:s29], [sflag:$0x5], $0x80, s30, s23, $0xb8;
	[tilespmem:$0x1FD00] =	vst v63  }
0x87: {  	_ =	swait.ge [sflag:s22], $0x4000  }
0x88: {  	[sflag:s22] =	ssyncset.done $0x0  }
0x89: {  	s9 =	sadd.s32 $0x20, s9;
	s10 =	sadd.s32 $0x100, s10;
	[sflag:s22] =	ssyncadd.s32 $0xFFFFC000  }
.Ltmp6:
0x8a: {  	_ = 	snop;
	(pc) =	sbr.rel .LBB2_4-.Ltmp6, $1  }
0x8b: {  	_ =	sdelay $0x3  }
.LBB2_9:
0x8c: {  	_ =	sfence.sel $0x180000  }
0x8d: {  	[bflag:$0x0] =	sbarrier.arrive $0xFFFF  }
0x8e: {  	_ =	strace $0x9000004D  }
0x8f: {  	s0 =	stileid.u32;
	[bflag:$0x2] =	sbarrier.arrive $0xFFFF  }
0x90: {  	p0 =	sne.s32 s0, $0x0;
	s0 =	rddreg [dreg:$0x2]  }
0x91: {  	s0 =	sadd.s32 @!p0 $0x100000, s0  }
0x92: {  	[sflag:s0] =	ssyncadd.tile.s32 @!p0 $0x1;
	_ =	shalt  }
.Lfunc_end2:
_tile_overlayer_lowered:
.L_overlay_start_2:
0x93: {  	(tag) =	ssettag $0x2  }
0x94: {  	s0 =	rddreg [dreg:$0x0];
	s2 =	stileid.u32  }
0x95: {  	s1 =	rddreg [dreg:$0x1];
	p0 =	sne.s32 s2, $0x0  }
0x96: {  	s3 =	rddreg [dreg:$0x2];
	[bflag:$0x3] =	sbarrier.arrive $0xFFFF;
	s2 =	simm.s32 @!p0 $0x1C05  }
0x97: {  	[timem:s3], [sflag:s2] =	dma.local @!p0 [hbm:s0], s1  }
0x98: {  	s0 =	simm.s32 @!p0 $0x5  }
0x99: {  	_ =	swait.ge @!p0 [sflag:s0], s1  }
0x9a: {  	s1 =	ssub.s32 @!p0 $0x0, s1;
	[sflag:s0] =	ssyncset.done @!p0 $0x0  }
0x9b: {  	[sflag:s0] =	ssyncadd.s32 @!p0 s1  }
0x9c: {  	[bflag:$0x3] =	sbarrier.arrive $0xFFFF  }
0x9d: {  	_ =	shalt  }

// kernel: kernel.19.cloned.1.call-start
scs
__scs_entry_jumppad:
0x0: {  	(pc) =	sbr.rel $0x88, $3  }
0x1: {  	(tag) =	ssettag $0x0;
	lr =	simm.s32 $0x1  }
0x2: {  	[smem:$0x3F92] =	sst lr;
	_ =	strace $0xD0000000  }
0x3: {  	_ = 	snop  }
0x4: {  	_ = 	snop  }
0x5: {  	_ = 	snop  }
0x6: {  	_ = 	snop  }
0x7: {  	_ = 	snop  }
__scs_overlays_trampoline_lowered:
0x8: {  	[smem:$0x3FA1] =	sst s0  }
0x9: {  	[smem:$0x3FA2] =	sst s1  }
0xa: {  	[smem:$0x3FA3] =	sst s2  }
0xb: {  	[smem:$0x3FA4] =	sst s3  }
0xc: {  	[smem:$0x3FA5] =	sst s4  }
0xd: {  	[smem:$0x3FA6] =	sst s5  }
0xe: {  	[smem:$0x3FA7] =	sst s6  }
0xf: {  	[smem:$0x3FA8] =	sst s7  }
0x10: {  	[smem:$0x3FA9] =	sst s8  }
0x11: {  	[smem:$0x3FAA] =	sst s9;
	s0 =	simm.s32 @!p0 $0x0  }
0x12: {  	s1 =	sld [smem:$0x3F90];
	s0 =	simm.s32 @p0 $0x1  }
0x13: {  	[smem:$0x3FAB] =	sst s0;
	s0 =	simm.s32 @!p1 $0x0  }
0x14: {  	s2 =	sld [smem:$0x3F8F];
	s0 =	simm.s32 @p1 $0x1  }
0x15: {  	[smem:$0x3FAC] =	sst s0;
	s0 =	simm.s32 @!p2 $0x0  }
0x16: {  	s3 =	sld [smem:$0x3FDB];
	s0 =	simm.s32 @p2 $0x1  }
0x17: {  	s4 =	simm.s32 $0x1BF5;
	[smem:$0x3FAE] =	sst s0  }
0x18: {  	s0 =	sld [smem:$0x3F91];
	_ =	swait.ge [sflag:s4], $0x0  }
0x19: {  	s7 =	sld [smem:$0x3F92]  }
0x1a: {  	s8 =	sadd.s32 $0xFFFFE003, lr  }
0x1b: {  	s9 =	sadd.s32 $0xFFFFFEF7, lr;
	s5 =	simm.s32 $0xFFFFFFFF;
	p2 =	slt.u32 s8, $0xFFFFF086  }
0x1c: {  	p1 =	slt.u32 s9, $0xF7A;
	s5 =	simm.s32 @!p2 $0x0  }
0x1d: {  	s5 =	simm.s32 @p1 $0x1;
	p0 =	seq.s32 s7, s2  }
0x1e: {  	s7 =	smul.u32 @!p0 $0xF7A, s2;
	p2 =	seq.s32 @!p0 s5, $0x0  }
0x1f: {  	s9 =	smul.u32 $0xF7A, s1;
	s8 =	simm.s32 @!p0 $0x1BF5;
	p2 =	por !p2, p0  }
0x20: {  	[sflag:s8] =	ssyncset.s32 @!p0 $0xFFFFF086;
	s6 =	sadd.s32 @!p0 s3, s7;
	s7 =	simm.s32 @!p0 $0x108  }
0x21: {  	s3 =	sadd.s32 s3, s9;
	s6 =	sadd.s32 @!p0 $0x88, s6;
	s7 =	simm.s32 @p2 $0x1082  }
0x22: {  	[simem:s7], [sflag:s8] =	dma.local @!p0 [hbm:s6], $0xF7A  }
0x23: {  	s9 =	sor.u32 $0xD0000000, s2;
	s6 =	simm.s32 $0x108;
	_ =	swait.ge @!p0 [sflag:s8], $0x0  }
0x24: {  	s3 =	sadd.s32 $0x88, s3;
	s6 =	simm.s32 @!p1 $0x1082;
	[sflag:s4] =	ssyncset.s32 $0xFFFFF086  }
0x25: {  	[simem:s6], [sflag:s4] =	dma.local [hbm:s3], $0xF7A  }
0x26: {  	[smem:$0x3F92] =	sst s1;
	(tag) =	ssettag s2;
	_ =	strace s9  }
0x27: {  	s1 =	sld [smem:$0x3FA2]  }
0x28: {  	s2 =	sld [smem:$0x3FA3]  }
0x29: {  	s4 =	sld [smem:$0x3FA5]  }
0x2a: {  	p0 =	seq.s32 s5, $0x0;
	s5 =	sld [smem:$0x3FA6]  }
0x2b: {  	s6 =	sld [smem:$0x3FA7]  }
0x2c: {  	s7 =	sld [smem:$0x3FA8]  }
0x2d: {  	s3 =	simm.s32 $0x108;
	s8 =	sld [smem:$0x3FA9]  }
0x2e: {  	s3 =	simm.s32 @!p0 $0x1082;
	s9 =	sld [smem:$0x3FAA]  }
0x2f: {  	lr =	sadd.s32 s0, s3;
	s0 =	sld [smem:$0x3FA1]  }
0x30: {  	s3 =	sld [smem:$0x3FA4]  }
0x31: {  	[smem:$0x3FAD] =	sst s10  }
0x32: {  	s10 =	sld [smem:$0x3FAB];
	_ =	sdelay $0x3  }
0x33: {  	p0 =	seq.s32 s10, $0x1;
	s10 =	sld [smem:$0x3FAD];
	_ =	sdelay $0x3  }
0x34: {  	[smem:$0x3FAD] =	sst s10  }
0x35: {  	s10 =	sld [smem:$0x3FAC];
	_ =	sdelay $0x3  }
0x36: {  	p1 =	seq.s32 s10, $0x1;
	s10 =	sld [smem:$0x3FAD];
	_ =	sdelay $0x3  }
0x37: {  	[smem:$0x3FAD] =	sst s10  }
0x38: {  	s10 =	sld [smem:$0x3FAE]  }
0x39: {  	_ = 	snop;
	(pc) =	sbr.ind lr, $3  }
0x3a: {  	_ = 	snop  }
0x3b: {  	_ = 	snop  }
0x3c: {  	p2 =	seq.s32 s10, $0x1;
	s10 =	sld [smem:$0x3FAD]  }
0x3d: {  	_ =	shalt  }
0x3e: {  	_ =	shalt  }
0x3f: {  	_ =	shalt  }
0x40: {  	_ =	shalt  }
0x41: {  	_ =	shalt  }
0x42: {  	_ =	shalt  }
0x43: {  	_ =	shalt  }
0x44: {  	_ =	shalt  }
0x45: {  	_ =	shalt  }
0x46: {  	_ =	shalt  }
0x47: {  	_ =	shalt  }
0x48: {  	_ =	shalt  }
0x49: {  	_ =	shalt  }
0x4a: {  	_ =	shalt  }
0x4b: {  	_ =	shalt  }
0x4c: {  	_ =	shalt  }
0x4d: {  	_ =	shalt  }
0x4e: {  	_ =	shalt  }
0x4f: {  	_ =	shalt  }
0x50: {  	_ =	shalt  }
0x51: {  	_ =	shalt  }
0x52: {  	_ =	shalt  }
0x53: {  	_ =	shalt  }
0x54: {  	_ =	shalt  }
0x55: {  	_ =	shalt  }
0x56: {  	_ =	shalt  }
0x57: {  	_ =	shalt  }
0x58: {  	_ =	shalt  }
0x59: {  	_ =	shalt  }
0x5a: {  	_ =	shalt  }
0x5b: {  	_ =	shalt  }
0x5c: {  	_ =	shalt  }
0x5d: {  	_ =	shalt  }
0x5e: {  	_ =	shalt  }
0x5f: {  	_ =	shalt  }
0x60: {  	_ =	shalt  }
0x61: {  	_ =	shalt  }
0x62: {  	_ =	shalt  }
0x63: {  	_ =	shalt  }
0x64: {  	_ =	shalt  }
0x65: {  	_ =	shalt  }
0x66: {  	_ =	shalt  }
0x67: {  	_ =	shalt  }
0x68: {  	_ =	shalt  }
0x69: {  	_ =	shalt  }
0x6a: {  	_ =	shalt  }
0x6b: {  	_ =	shalt  }
0x6c: {  	_ =	shalt  }
0x6d: {  	_ =	shalt  }
0x6e: {  	_ =	shalt  }
0x6f: {  	_ =	shalt  }
0x70: {  	_ =	shalt  }
0x71: {  	_ =	shalt  }
0x72: {  	_ =	shalt  }
0x73: {  	_ =	shalt  }
0x74: {  	_ =	shalt  }
0x75: {  	_ =	shalt  }
0x76: {  	_ =	shalt  }
0x77: {  	_ =	shalt  }
0x78: {  	_ =	shalt  }
0x79: {  	_ =	shalt  }
0x7a: {  	_ =	shalt  }
0x7b: {  	_ =	shalt  }
0x7c: {  	_ =	shalt  }
0x7d: {  	_ =	shalt  }
0x7e: {  	_ =	shalt  }
0x7f: {  	_ =	shalt  }
0x80: {  	_ =	shalt  }
0x81: {  	_ =	shalt  }
0x82: {  	_ =	shalt  }
0x83: {  	_ =	shalt  }
0x84: {  	_ =	shalt  }
0x85: {  	_ =	shalt  }
0x86: {  	_ =	shalt  }
0x87: {  	_ =	shalt  }
.Lfunc_end0:
.L_simem_size_0:
called_computation.3_lowered:
.L_overlay_start_0:
0x88: {  	s2 =	sld [smem:$0x3FD9]  }
0x89: {  	s3 =	sld [smem:$0x3FFE];
	_ =	sdelay $0x1  }
0x8a: {  	s1 =	srdreg.scid  }
0x8b: {  	s0 =	sand.u32 $0x1, s1  }
0x8c: {  	s16 =	sshll.u32 s0, $0xA;
	s2 =	sadd.s32 s3, s2  }
0x8d: {  	s2 =	sadd.s32 s2, s16  }
0x8e: {  	[smem:$0x3FB9] =	sst s2  }
0x8f: {  	_ = 	snop  }
0x90: {  	(tm) =	ssettm $0x1  }
0x91: {  	s17 =	sld [smem:$0x3FFB];
	_ =	sdelay $0x3  }
0x92: {  	_ =	strace s17  }
0x93: {  	s2 =	sld [smem:$0x3FFC];
	_ =	sdelay $0x3  }
0x94: {  	_ =	strace s2  }
0x95: {  	s2 =	sld [smem:$0x3FFD];
	_ =	sdelay $0x3  }
0x96: {  	_ =	strace s2  }
0x97: {  	_ =	strace $0x8FFFFFFF  }
0x98: {  	s18 =	sld [smem:$0x3FDB];
	_ =	sdelay $0x1  }
0x99: {  	s19 =	simm.s32 $_scs_section_size  }
0x9a: {  	s4 =	simm.s32 $_size__tile_overlayer_lowered;
	s5 =	simm.s32 $_tile_overlayer_lowered  }
0x9b: {  	s22 =	simm.s32 $0x1BFF;
	s21 =	sshll.u32 s5, $0x1;
	s2 =	sadd.s32 s19, s18  }
0x9c: {  	s6 =	simm.s32 $0x0;
	s20 =	sshll.u32 s4, $0x1;
	s4 =	sadd.s32 s21, s2  }
0x9d: {  	[timem:s6], [sflag:s22] =	dma.local [hbm:s4], s20  }
0x9e: {  	_ =	swait.ge [sflag:s22], s20  }
0x9f: {  	s3 =	ssub.s32 $0x0, s20;
	[sflag:s22] =	ssyncset.done $0x0  }
0xa0: {  	[sflag:s22] =	ssyncadd.s32 s3;
	_ =	sdelay $0x1  }
0xa1: {  	s23 =	simm.s32 $0x1B8B  }
0xa2: {  	_ =	swait.ge [sflag:s23], $0x1  }
0xa3: {  	[sflag:s23] =	ssyncset.done $0x0  }
0xa4: {  	s25 =	simm.s32 $0x1B8E;
	s24 =	sld [smem:$0x3FFE];
	[sflag:s23] =	ssyncadd.s32 $0xFFFFFFFF  }
0xa5: {  	s26 =	simm.s32 $execute0_lowered;
	[smem:$0x3FD2] =	sst s25  }
0xa6: {  	s4 =	sshll.u32 s26, $0x1;
	_ =	strace $0x8000004F;
	[dreg:$0x1] =	wrdreg $0xFFFFFFFF  }
0xa7: {  	s28 =	simm.s32 $_size_execute0_lowered;
	s2 =	sadd.s32 s2, s4;
	[dreg:$0x0] =	wrdreg $0x0  }
0xa8: {  	s4 =	sshll.u32 s28, $0x1;
	[dreg:$0x2] =	wrdreg s2  }
0xa9: {  	[dreg:$0x3] =	wrdreg s4  }
0xaa: {  	[dreg:$0x4] =	wrdreg $0xC0  }
0xab: {  	_ =	task [dreg:s6], $0x5FFFF  }
0xac: {  	[dreg:$0x1] =	wrdreg $0xFFFFFFFF  }
0xad: {  	[dreg:$0x0] =	wrdreg $0x60  }
0xae: {  	[dreg:$0x2] =	wrdreg s24  }
0xaf: {  	[dreg:$0x3] =	wrdreg $0xC1000  }
0xb0: {  	[dreg:$0x4] =	wrdreg $0x9  }
0xb1: {  	_ =	task.clear_ibuf [dreg:s6], $0x5FFFF;
	_ =	strace $0x9000004F  }
0xb2: {  	s29 =	simm.s32 $0x9;
	_ =	strace $0x80000051  }
0xb3: {  	_ =	swait.ge [sflag:s29], $0x1  }
0xb4: {  	[sflag:s29] =	ssyncadd.s32 $0xFFFFFFFF  }
0xb5: {  	_ =	strace $0x90000051  }
0xb6: {  	_ =	sfence  }
0xb7: {  	s30 =	sld [smem:$0x0];
	_ =	sdelay $0x2  }
0xb8: {  	s31 =	sshll.u32 s1, $0xD;
	s1 =	sshrl.u32 s1, $0x2  }
0xb9: {  	s3 =	sand.u32 $0x4000, s31;
	s1 =	sadd.s32 s1, s30  }
0xba: {  	s0 =	sor.u32 s3, s0;
	s1 =	sshll.u32 s1, $0x11  }
0xbb: {  	s0 =	sor.u32 s1, s0  }
0xbc: {  	s0 =	sadd.s32 $0x8F2B, s0  }
0xbd: {  	[sflag:s0] =	ssyncadd.remote.s32 $0x1  }
0xbe: {  	_ =	sfence.sel $0xFFFF  }
0xbf: {  	[dreg:$0x0] =	wrdreg $0xFFFFFFFF;
	(pc) =	sbr.abs _section_cstart, $3  }
0xc0: {  	[dreg:$0x1] =	wrdreg $0xFFFFFFFF  }
0xc1: {  	_ =	task.clear_ibuf [dreg:s6], $0x2FFFF;
	_ =	strace $0x9FFFFFFF  }
0xc2: {  	(tm) =	ssettm $0x7FFFFFFF  }
0xc3: {  	_ =	shalt  }
tec
execute0_lowered:
.L_overlay_start_1:
0x0: {  	(tag) =	ssettag $0x1  }
0x1: {  	s0 =	rddreg [dreg:$0x0]  }
0x2: {  	s2 =	rddreg [dreg:$0x1];
	s11 =	stileid.u32  }
0x3: {  	s1 =	srdreg.scid;
	s3 =	simm.s32 $0x0;
	s28 =	simm.s32 $0x3  }
0x4: {  	s29 =	simm.s32 $0x8100;
	s30 =	simm.s32 $0x4080;
	s31 =	simm.s32 $0x2  }
0x5: {  	s6 =	smul.u32 $0x13C00, s11;
	s1 =	sand.u32 $0x1, s1;
	[smem:$0x7FF] =	sst s3  }
0x6: {  	s9 =	sadd.s32 $0x26E00, s0;
	s4 =	sadd.s32 $0xE000, s0;
	s5 =	sadd.s32 $0x7FE00, s0  }
0x7: {  	s10 =	smul.u32 $0x4F000, s11;
	s21 =	sshll.u32 s11, $0x6;
	s22 =	sshll.u32 s11, $0x9  }
0x8: {  	s12 =	sadd.s32 $0xE020, s0;
	s7 =	smul.u32 $0x13C000, s1;
	_ =	strace $0x80000050  }
0x9: {  	s18 =	ssub.s32 $0x2, s1;
	p0 =	seq.s32 s1, $0x1;
	s1 =	simm.s32 $0x0  }
0xa: {  	s8 =	sshrl.u32 s6, $0x3;
	s19 =	sshrl.u32 s18, $0x1;
	s20 =	sshrl.u32 s10, $0x2  }
0xb: {  	s6 =	sadd.s32 s6, s7;
	s8 =	sadd.s32 s8, s0;
	s16 =	ssub.s32 s18, s19  }
0xc: {  	s10 =	sadd.s32 s20, s2;
	s7 =	sor.u32 $0x1C05, s21;
	s18 =	sadd.s32 $0xE070, s0  }
0xd: {  	s19 =	sor.u32 $0x8180, s22;
	s6 =	sshrl.u32 s6, $0x3;
	s16 =	smax.u32 s16, $0x1  }
0xe: {  	s15 =	sadd.s32 s6, s0;
	s6 =	sadd.s32 $0xA7000, s8;
	s8 =	sshll.u32 s11, $0xB  }
0xf: {  	s21 =	sshrl.u32 s10, $0x3;
	s11 =	sor.u32 $0x8000, s22;
	s23 =	sadd.s32 s9, s8  }
0x10: {  	s22 =	simm.s32 $0x5;
	s24 =	sadd.s32 s4, s8;
	[dreg:$0x3] =	wrdreg s23  }
.Ltmp0:
0x11: {  	s9 =	sadd.s32 s9, s11;
	[dreg:$0x4] =	wrdreg s24;
	(pc) =	sbr.rel .LBB2_1-.Ltmp0, $4  }
0x12: {  	s0 =	simm.s32 $0x4;
	s25 =	sadd.s32 s4, s11;
	[dreg:$0x5] =	wrdreg s9  }
0x13: {  	s15 =	sadd.s32 $0xCE800, s15;
	s26 =	sor.u32 $0x780, s8;
	[dreg:$0x6] =	wrdreg s25  }
0x14: {  	s20 =	sadd.s32 s12, s8;
	[dreg:$0x7] =	wrdreg s26;
	s23 =	simm.s32 $0x80  }
0x15: {  	s24 =	simm.s32 $0x4100;
	s25 =	simm.s32 $0x4000;
	s26 =	simm.s32 $0x1  }
.LBB2_4:
0x16: {  	s9 =	simm.s32 $0x3F80;
	s10 =	rddreg [dreg:$0x7]  }
.LBB2_8:
0x17: {  	_ =	swait.ge [sflag:s26], $0x4000  }
0x18: {  	[sflag:s26] =	ssyncset.done $0x0  }
0x19: {  	[sflag:s26] =	ssyncadd.s32 $0xFFFFC000  }
0x1a: {  	_ =	swait.ge [sflag:s28], $0x80  }
0x1b: {  	[sflag:s28] =	ssyncset.done $0x0  }
0x1c: {  	[sflag:s28] =	ssyncadd.s32 $0xFFFFFF80  }
0x1d: {  	[tilespmem:s29], [sflag:$0x2] =	stream.indirect.gather [hbm4b:s5+s23], $0x80, s9, s23, $0xb8;
	[tilespmem:$0x1FD00] =	vst v63  }
0x1e: {  	s17 =	sadd.s32 s10, s18  }
0x1f: {  	[tilespmem:s30], [sflag:$0x4] =	stream.linear.gather [hbm4b:s17+s3], $0x80, $0x38;
	[tilespmem:$0x1FD00] =	vst v63  }
0x20: {  	_ = 	snop  }
0x21: {  	[spmem:s2] =	stream.indirect.scatter.add.f32 [tilespmem:s24], [sflag:$0x5], $0x80, s25, s23, $0xb8;
	[tilespmem:$0x1FD00] =	vst v63  }
0x22: {  	_ =	swait.ge [sflag:s22], $0x4000  }
0x23: {  	[sflag:s22] =	ssyncset.done $0x0  }
0x24: {  	[sflag:s22] =	ssyncadd.s32 $0xFFFFC000  }
0x25: {  	_ =	swait.ge [sflag:s31], $0x4000  }
0x26: {  	[sflag:s31] =	ssyncset.done $0x0  }
0x27: {  	[sflag:s31] =	ssyncadd.s32 $0xFFFFC000  }
0x28: {  	_ =	swait.ge [sflag:s0], $0x80  }
0x29: {  	[sflag:s0] =	ssyncset.done $0x0  }
0x2a: {  	[sflag:s0] =	ssyncadd.s32 $0xFFFFFF80  }
0x2b: {  	[spmem:s2] =	stream.indirect.scatter.add.f32 [tilespmem:s29], [sflag:$0x5], $0x80, s30, s23, $0xb8;
	[tilespmem:$0x1FD00] =	vst v63  }
0x2c: {  	_ =	swait.ge [sflag:s22], $0x4000  }
0x2d: {  	s1 =	sadd.s32 $0x1, s1;
	[sflag:s22] =	ssyncset.done $0x0  }
0x2e: {  	p1 =	sne.s32 s1, s16;
	[sflag:s22] =	ssyncadd.s32 $0xFFFFC000  }
.Ltmp1:
0x2f: {  	[bflag:$0x0] =	sbarrier.arrive $0xFFFF;
	(pc) =	sbr.rel @!p1 .LBB2_9-.Ltmp1, $4  }
0x30: {  	[hbm:s15], [sflag:s7] =	dma.local [spmem:s21], $0x2780  }
0x31: {  	_ =	swait.ge [sflag:s22], $0x2780  }
0x32: {  	[sflag:s22] =	ssyncset.done $0x0  }
0x33: {  	[sflag:s22] =	ssyncadd.s32 $0xFFFFD880  }
.LBB2_1:
0x34: {  	[spmem:s21], [sflag:s7] =	dma.local [hbm:s6], $0x2780  }
.Ltmp2:
0x35: {  	_ =	swait.ge [sflag:s22], $0x2780;
	(pc) =	sbr.rel @!p0 .LBB2_2-.Ltmp2, $4  }
0x36: {  	[sflag:s22] =	ssyncset.done $0x0  }
0x37: {  	[sflag:s22] =	ssyncadd.s32 $0xFFFFD880  }
0x38: {  	[bflag:$0x0] =	sbarrier.arrive $0xFFFF  }
0x39: {  	s9 =	simm.s32 $0x0  }
0x3a: {  	s10 =	rddreg [dreg:$0x5]  }
0x3b: {  	[tilespmem:s9], [sflag:$0x5] =	stream.linear.gather [hbm4b:s10+s9], $0x1000, $0x38;
	[tilespmem:$0x1FD00] =	vst v63  }
0x3c: {  	_ =	swait.ge [sflag:s22], $0x1000  }
0x3d: {  	[sflag:s22] =	ssyncset.done $0x0  }
0x3e: {  	[sflag:s22] =	ssyncadd.s32 $0xFFFFF000  }
0x3f: {  	[tilespmem:s24], [sflag:$0x1] =	stream.indirect.gather [hbm4b:s5+s23], $0x80, s9, s23, $0xb8;
	[tilespmem:$0x1FD00] =	vst v63  }
0x40: {  	s17 =	rddreg [dreg:$0x6]  }
0x41: {  	[tilespmem:s25], [sflag:$0x3] =	stream.linear.gather [hbm4b:s17+s9], $0x80, $0x38;
	[tilespmem:$0x1FD00] =	vst v63  }
.LBB2_6:
0x42: {  	_ =	swait.ge [sflag:s26], $0x4000  }
0x43: {  	[sflag:s26] =	ssyncset.done $0x0  }
0x44: {  	[sflag:s26] =	ssyncadd.s32 $0xFFFFC000  }
0x45: {  	s10 =	sshll.u32 s9, $0x8;
	_ =	swait.ge [sflag:s28], $0x80  }
0x46: {  	s10 =	sand.u32 $0x3FFFFF00, s10;
	[sflag:s28] =	ssyncset.done $0x0  }
0x47: {  	s17 =	sshll.u32 s9, $0x5;
	s13 =	sor.u32 $0x80, s10;
	[sflag:s28] =	ssyncadd.s32 $0xFFFFFF80  }
0x48: {  	[tilespmem:s29], [sflag:$0x2] =	stream.indirect.gather [hbm4b:s5+s23], $0x80, s13, s23, $0xb8;
	[tilespmem:$0x1FD00] =	vst v63  }
0x49: {  	s14 =	sadd.s32 s11, s17;
	s13 =	sand.u32 $0x60, s17  }
0x4a: {  	s17 =	sand.u32 $0x9F80, s14;
	s13 =	sadd.s32 s13, s4  }
0x4b: {  	s13 =	sadd.s32 s17, s13  }
0x4c: {  	s13 =	sadd.s32 $0x10, s13  }
0x4d: {  	[tilespmem:s30], [sflag:$0x4] =	stream.linear.gather [hbm4b:s13+s3], $0x80, $0x38;
	[tilespmem:$0x1FD00] =	vst v63  }
0x4e: {  	_ = 	snop  }
0x4f: {  	[spmem:s2] =	stream.indirect.scatter.add.f32 [tilespmem:s24], [sflag:$0x5], $0x80, s25, s23, $0xb8;
	[tilespmem:$0x1FD00] =	vst v63  }
0x50: {  	_ =	swait.ge [sflag:s22], $0x4000  }
0x51: {  	[sflag:s22] =	ssyncset.done $0x0  }
0x52: {  	[sflag:s22] =	ssyncadd.s32 $0xFFFFC000  }
0x53: {  	_ =	swait.ge [sflag:s31], $0x4000  }
0x54: {  	[sflag:s31] =	ssyncset.done $0x0  }
0x55: {  	[sflag:s31] =	ssyncadd.s32 $0xFFFFC000  }
0x56: {  	_ =	swait.ge [sflag:s0], $0x80  }
0x57: {  	[sflag:s0] =	ssyncset.done $0x0  }
0x58: {  	s10 =	sadd.s32 $0x100, s10;
	[sflag:s0] =	ssyncadd.s32 $0xFFFFFF80  }
0x59: {  	[tilespmem:s24], [sflag:$0x1] =	stream.indirect.gather [hbm4b:s5+s23], $0x80, s10, s23, $0xb8;
	[tilespmem:$0x1FD00] =	vst v63  }
0x5a: {  	p1 =	sne.s32 s9, $0xE;
	s17 =	sadd.s32 s14, s12  }
0x5b: {  	[tilespmem:s25], [sflag:$0x3] =	stream.linear.gather [hbm4b:s17+s3], $0x80, $0x38;
	[tilespmem:$0x1FD00] =	vst v63  }
.Ltmp3:
0x5c: {  	_ = 	snop;
	(pc) =	sbr.rel @p1 .LBB2_6-.Ltmp3, $4  }
0x5d: {  	[spmem:s2] =	stream.indirect.scatter.add.f32 [tilespmem:s29], [sflag:$0x5], $0x80, s30, s23, $0xb8;
	[tilespmem:$0x1FD00] =	vst v63  }
0x5e: {  	_ =	swait.ge [sflag:s22], $0x4000  }
0x5f: {  	[sflag:s22] =	ssyncset.done $0x0  }
0x60: {  	s9 =	sadd.s32 $0x1, s9;
	[sflag:s22] =	ssyncadd.s32 $0xFFFFC000  }
.Ltmp4:
0x61: {  	(pc) =	sbr.rel .LBB2_8-.Ltmp4, $2  }
0x62: {  	_ =	sdelay $0x2  }
0x63: {  	s9 =	simm.s32 $0xF80;
	s10 =	smov.u32 s19  }
.LBB2_2:
0x64: {  	s10 =	rddreg [dreg:$0x3]  }
0x65: {  	[tilespmem:s9], [sflag:$0x5] =	stream.linear.gather [hbm4b:s10+s9], $0x4000, $0x38;
	[tilespmem:$0x1FD00] =	vst v63  }
0x66: {  	_ =	swait.ge [sflag:s22], $0x4000  }
0x67: {  	[sflag:s22] =	ssyncset.done $0x0  }
0x68: {  	[sflag:s22] =	ssyncadd.s32 $0xFFFFC000  }
0x69: {  	[tilespmem:s24], [sflag:$0x1] =	stream.indirect.gather [hbm4b:s5+s23], $0x80, s9, s23, $0xb8;
	[tilespmem:$0x1FD00] =	vst v63  }
0x6a: {  	s10 =	simm.s32 $0x100;
	s17 =	rddreg [dreg:$0x4]  }
0x6b: {  	[tilespmem:s25], [sflag:$0x3] =	stream.linear.gather [hbm4b:s17+s9], $0x80, $0x38;
	[tilespmem:$0x1FD00] =	vst v63  }
.LBB2_3:
0x6c: {  	_ =	swait.ge [sflag:s26], $0x4000  }
0x6d: {  	[sflag:s26] =	ssyncset.done $0x0  }
0x6e: {  	[sflag:s26] =	ssyncadd.s32 $0xFFFFC000  }
0x6f: {  	_ =	swait.ge [sflag:s28], $0x80  }
0x70: {  	s13 =	sadd.s32 $0xFFFFFF80, s10;
	[sflag:s28] =	ssyncset.done $0x0  }
0x71: {  	s17 =	sadd.s32 s9, s8;
	s14 =	sand.u32 $0x60, s9;
	[sflag:s28] =	ssyncadd.s32 $0xFFFFFF80  }
0x72: {  	[tilespmem:s29], [sflag:$0x2] =	stream.indirect.gather [hbm4b:s5+s23], $0x80, s13, s23, $0xb8;
	[tilespmem:$0x1FD00] =	vst v63  }
0x73: {  	s14 =	sadd.s32 s14, s4;
	s13 =	sand.u32 $0x7F80, s17  }
0x74: {  	s13 =	sadd.s32 s13, s14  }
0x75: {  	s13 =	sadd.s32 $0x10, s13  }
0x76: {  	[tilespmem:s30], [sflag:$0x4] =	stream.linear.gather [hbm4b:s13+s3], $0x80, $0x38;
	[tilespmem:$0x1FD00] =	vst v63  }
0x77: {  	_ = 	snop  }
0x78: {  	[spmem:s2] =	stream.indirect.scatter.add.f32 [tilespmem:s24], [sflag:$0x5], $0x80, s25, s23, $0xb8;
	[tilespmem:$0x1FD00] =	vst v63  }
0x79: {  	_ =	swait.ge [sflag:s22], $0x4000  }
0x7a: {  	[sflag:s22] =	ssyncset.done $0x0  }
0x7b: {  	[sflag:s22] =	ssyncadd.s32 $0xFFFFC000  }
0x7c: {  	_ =	swait.ge [sflag:s31], $0x4000  }
0x7d: {  	[sflag:s31] =	ssyncset.done $0x0  }
0x7e: {  	[sflag:s31] =	ssyncadd.s32 $0xFFFFC000  }
0x7f: {  	_ =	swait.ge [sflag:s0], $0x80  }
0x80: {  	[sflag:s0] =	ssyncset.done $0x0  }
0x81: {  	[sflag:s0] =	ssyncadd.s32 $0xFFFFFF80  }
0x82: {  	[tilespmem:s24], [sflag:$0x1] =	stream.indirect.gather [hbm4b:s5+s23], $0x80, s10, s23, $0xb8;
	[tilespmem:$0x1FD00] =	vst v63  }
0x83: {  	p1 =	seq.s32 s9, $0x7C0;
	s17 =	sadd.s32 s9, s20  }
0x84: {  	[tilespmem:s25], [sflag:$0x3] =	stream.linear.gather [hbm4b:s17+s3], $0x80, $0x38;
	[tilespmem:$0x1FD00] =	vst v63  }
.Ltmp5:
0x85: {  	_ = 	snop;
	(pc) =	sbr.rel @!p1 .LBB2_3-.Ltmp5, $4  }
0x86: {  	[spmem:s2] =	stream.indirect.scatter.add.f32 [tilespmem:s29], [sflag:$0x5], $0x80, s30, s23, $0xb8;
	[tilespmem:$0x1FD00] =	vst v63  }
0x87: {  	_ =	swait.ge [sflag:s22], $0x4000  }
0x88: {  	[sflag:s22] =	ssyncset.done $0x0  }
0x89: {  	s9 =	sadd.s32 $0x20, s9;
	s10 =	sadd.s32 $0x100, s10;
	[sflag:s22] =	ssyncadd.s32 $0xFFFFC000  }
.Ltmp6:
0x8a: {  	_ = 	snop;
	(pc) =	sbr.rel .LBB2_4-.Ltmp6, $1  }
0x8b: {  	_ =	sdelay $0x3  }
.LBB2_9:
0x8c: {  	_ =	sfence.sel $0x180000  }
0x8d: {  	[bflag:$0x0] =	sbarrier.arrive $0xFFFF  }
0x8e: {  	_ =	strace $0x90000050  }
0x8f: {  	s0 =	stileid.u32;
	[bflag:$0x2] =	sbarrier.arrive $0xFFFF  }
0x90: {  	p0 =	sne.s32 s0, $0x0;
	s0 =	rddreg [dreg:$0x2]  }
0x91: {  	s0 =	sadd.s32 @!p0 $0x100000, s0  }
0x92: {  	[sflag:s0] =	ssyncadd.tile.s32 @!p0 $0x1;
	_ =	shalt  }
.Lfunc_end2:
_tile_overlayer_lowered:
.L_overlay_start_2:
0x93: {  	(tag) =	ssettag $0x2  }
0x94: {  	s0 =	rddreg [dreg:$0x0];
	s2 =	stileid.u32  }
0x95: {  	s1 =	rddreg [dreg:$0x1];
	p0 =	sne.s32 s2, $0x0  }
0x96: {  	s3 =	rddreg [dreg:$0x2];
	[bflag:$0x3] =	sbarrier.arrive $0xFFFF;
	s2 =	simm.s32 @!p0 $0x1C05  }
0x97: {  	[timem:s3], [sflag:s2] =	dma.local @!p0 [hbm:s0], s1  }
0x98: {  	s0 =	simm.s32 @!p0 $0x5  }
0x99: {  	_ =	swait.ge @!p0 [sflag:s0], s1  }
0x9a: {  	s1 =	ssub.s32 @!p0 $0x0, s1;
	[sflag:s0] =	ssyncset.done @!p0 $0x0  }
0x9b: {  	[sflag:s0] =	ssyncadd.s32 @!p0 s1  }
0x9c: {  	[bflag:$0x3] =	sbarrier.arrive $0xFFFF  }
0x9d: {  	_ =	shalt  }

</sc_bundles>
